<compile_context>
chip_gen: v7x
topology: tpu7x:2x2x1
jax: 0.10.2.dev20260603
libtpu: 0.0.44.dev20260713+nightly
codegen_flags: <defaults>
</compile_context>

<pallas_src>
import functools

import jax
import jax.numpy as jnp
from jax import lax
from jax.experimental import pallas as pl
from jax.experimental.pallas import tpu as pltpu
from jax.experimental.pallas import tpu_sc as plsc

_NW = 32
_C = 512
_SUB = 128
_BC = 12800


def _y_body(x_ref, wya_ref, wyb_ref, b_ref, ya_ref, yb_ref):
    x = x_ref[...]
    dn = (((1,), (0,)), ((), ()))
    ya_ref[...] = lax.dot_general(x, wya_ref[...], dn,
                                  preferred_element_type=jnp.float32) + b_ref[...]
    yb_ref[...] = lax.dot_general(x, wyb_ref[...], dn,
                                  preferred_element_type=jnp.float32)


def _zt_body(evt_ref, w_ref, z_ref):
    zt = lax.dot_general(w_ref[...], evt_ref[...], (((1,), (0,)), ((), ())),
                         preferred_element_type=jnp.float32)
    bt = zt.shape[1] // 128
    z_ref[...] = zt.reshape(2, 8, bt, 128).transpose(0, 2, 1, 3)


def _sc_combine(ya, yb, src, dst, zb):
    n_edges = src.shape[0]
    d_out = ya.shape[1]
    nchunk = n_edges // _C
    ctiles = _C // 128
    ntiles = n_edges // 128
    mesh = plsc.VectorSubcoreMesh(core_axis_name="c", subcore_axis_name="s")

    @functools.partial(
        pl.kernel,
        mesh=mesh,
        compiler_params=pltpu.CompilerParams(use_tc_tiling_on_sc=False,
                                             needs_layout_passes=False),
        out_type=jax.ShapeDtypeStruct((2, ntiles, 8, 128), jnp.float32),
        scratch_types=[
            pltpu.VMEM((2, _C), jnp.int32),
            pltpu.VMEM((2, _C), jnp.int32),
            pltpu.VMEM((2, _C, d_out), jnp.float32),
            pltpu.VMEM((2, _C, d_out), jnp.float32),
            pltpu.VMEM((2, ctiles, 16, 128), jnp.float32),
            pltpu.VMEM((2, ctiles, 16, 128), jnp.float32),
            pltpu.VMEM((_C * 17,), jnp.float32),
            pltpu.SemaphoreType.DMA,
            pltpu.SemaphoreType.DMA,
            pltpu.SemaphoreType.DMA,
            pltpu.SemaphoreType.DMA,
            pltpu.SemaphoreType.DMA,
            pltpu.SemaphoreType.DMA,
        ],
    )
    def run(ya_hbm, yb_hbm, src_hbm, dst_hbm, z_hbm, out_hbm,
            ia2, ib2, ra2, rb2, rz2, rt2, rs,
            sa0, sb0, sz0, sa1, sb1, sz1):
        wid = lax.axis_index("s") * 2 + lax.axis_index("c")
        iota17 = lax.iota(jnp.int32, 16) * 17
        sems = [(sa0, sb0, sz0), (sa1, sb1, sz1)]
        npair = (nchunk // _NW + 2) // 2
        nk = (nchunk - wid + _NW - 1) // _NW

        def start_load(s, t):
            ia, ib, ra, rb, rz = ia2.at[s], ib2.at[s], ra2.at[s], rb2.at[s], rz2.at[s]
            sema, semb, semz = sems[s]
            base = pl.multiple_of(t * _C, 8)
            tb = pl.multiple_of(t * ctiles, 4)
            pltpu.sync_copy(src_hbm.at[pl.ds(base, _C)], ia)
            pltpu.sync_copy(dst_hbm.at[pl.ds(base, _C)], ib)
            for j in range(_C // _SUB):
                o = j * _SUB
                pltpu.async_copy(ya_hbm.at[ia.at[pl.ds(o, _SUB)]],
                                 ra.at[pl.ds(o, _SUB)], sema)
                pltpu.async_copy(yb_hbm.at[ib.at[pl.ds(o, _SUB)]],
                                 rb.at[pl.ds(o, _SUB)], semb)
            pltpu.async_copy(z_hbm.at[0, pl.ds(tb, ctiles)],
                             rz.at[:, pl.ds(0, 8), :], semz)
            pltpu.async_copy(z_hbm.at[1, pl.ds(tb, ctiles)],
                             rz.at[:, pl.ds(8, 8), :], semz)

        def compute_store(s, t):
            ia, ib, ra, rb = ia2.at[s], ib2.at[s], ra2.at[s], rb2.at[s]
            rz, rt = rz2.at[s], rt2.at[s]
            sema, semb, semz = sems[s]
            tb = pl.multiple_of(t * ctiles, 4)
            for j in range(_C // _SUB):
                o = j * _SUB
                pltpu.make_async_copy(ya_hbm.at[ia.at[pl.ds(o, _SUB)]],
                                      ra.at[pl.ds(o, _SUB)], sema).wait()
                pltpu.make_async_copy(yb_hbm.at[ib.at[pl.ds(o, _SUB)]],
                                      rb.at[pl.ds(o, _SUB)], semb).wait()
            pltpu.make_async_copy(z_hbm.at[0, pl.ds(tb, ctiles)],
                                  rz.at[:, pl.ds(0, 8), :], semz).wait()
            pltpu.make_async_copy(z_hbm.at[1, pl.ds(tb, ctiles)],
                                  rz.at[:, pl.ds(8, 8), :], semz).wait()

            @plsc.parallel_loop(0, _C, unroll=8)
            def _s1(e):
                rs[pl.ds(e * 17, 16)] = ra[e] + rb[e]

            @plsc.parallel_loop(0, ctiles * 128, unroll=8)
            def _tile(k):
                jt = k // 128
                m = k % 128
                c = m // 8
                g = m % 8
                e0 = jt * 128 + g * 16
                idx = iota17 + (e0 * 17 + c)
                w = plsc.load_gather(rs, [idx])
                zrow = rz[jt, c, pl.ds(g * 16, 16)]
                rt[jt, c, pl.ds(g * 16, 16)] = jnp.maximum(w + zrow, 0.0)

            pltpu.sync_copy(rt.at[:, pl.ds(0, 8), :],
                            out_hbm.at[0, pl.ds(tb, ctiles)])
            pltpu.sync_copy(rt.at[:, pl.ds(8, 8), :],
                            out_hbm.at[1, pl.ds(tb, ctiles)])

        start_load(0, wid)

        @pl.loop(0, npair)
        def _pair(kp):
            k_b = 2 * kp + 1
            t_a = wid + 2 * kp * _NW
            t_b = wid + k_b * _NW

            @pl.when(k_b < nk)
            def _():
                start_load(1, t_b)

            compute_store(0, t_a)

            @pl.when(k_b + 1 < nk)
            def _():
                start_load(0, t_b + _NW)

            @pl.when(k_b < nk)
            def _():
                compute_store(1, t_b)

    return run(ya, yb, src, dst, zb)


def kernel(X, edge_index, edge_vals, W_pass, b_pass, W_self, b_self):
    n_nodes, d_n = X.shape
    n_edges = edge_vals.shape[0]
    d_out = W_pass.shape[0]

    src = edge_index[0].astype(jnp.int32)
    dst = edge_index[1].astype(jnp.int32)
    wa = W_pass[:, :d_n]
    wb = W_pass[:, d_n:]
    wya = (wa + wb) * 0.5
    wyb = (wb - wa) * 0.5
    bias = (b_pass + b_self).reshape(1, d_out)

    eye8 = jnp.eye(8, dtype=jnp.float32)
    wya_big = jnp.kron(eye8, wya.T)
    wyb_big = jnp.kron(eye8, wyb.T)
    bias_big = jnp.tile(bias, (1, 8))

    xr = X.reshape(n_nodes // 8, 8 * d_n)
    ya2, yb2 = pl.pallas_call(
        _y_body,
        out_shape=[jax.ShapeDtypeStruct((n_nodes // 8, 8 * d_out),
                                        jnp.float32)] * 2,
    )(xr, wya_big, wyb_big, bias_big)
    ya = ya2.reshape(n_nodes, d_out)
    yb = yb2.reshape(n_nodes, d_out)

    evt = edge_vals.T
    ntiles = n_edges // 128
    bt = _BC // 128
    zb = pl.pallas_call(
        _zt_body,
        grid=(n_edges // _BC,),
        in_specs=[
            pl.BlockSpec((d_out, _BC), lambda i: (0, i)),
            pl.BlockSpec(W_self.shape, lambda i: (0, 0)),
        ],
        out_specs=pl.BlockSpec((2, bt, 8, 128), lambda i: (0, i, 0, 0)),
        out_shape=jax.ShapeDtypeStruct((2, ntiles, 8, 128), jnp.float32),
    )(evt, W_self)

    out4 = _sc_combine(ya, yb, src, dst, zb)
    return out4.transpose(1, 3, 0, 2).reshape(n_edges, d_out)

# --- scband reference (transcript-rebuilt; emitter-appended) ---
"""Pipeline reference for scband-edge-gcnconv-32701880992041 (READ-ONLY COPY).

The authoritative reference and input builder live on the scoring server;
editing this copy changes nothing except your own understanding.
"""

import jax, jax.numpy as jnp
import numpy as np

N_NODES = 10000
N_EDGES = 320000
D_N = 128
D_E = 16
D_OUT = 16


def setup_inputs(seed: int = 0) -> dict:
    key = jax.random.key(seed)
    k1, k2, k3, k4, k5, k6, k7 = jax.random.split(key, 7)
    X = jax.random.normal(k1, (N_NODES, D_N), dtype=jnp.float32)
    edge_index = jax.random.randint(k2, (2, N_EDGES), 0, N_NODES, dtype=jnp.int64 if jax.config.jax_enable_x64 else jnp.int32)
    edge_vals = jax.random.normal(k3, (N_EDGES, D_E), dtype=jnp.float32)
    # pass_map: Linear(2*D_N -> D_OUT); torch stores weight as [out, in]
    W_pass = jax.random.normal(k4, (D_OUT, 2 * D_N), dtype=jnp.float32) * 0.05
    b_pass = jax.random.normal(k5, (D_OUT,), dtype=jnp.float32) * 0.05
    # self_map: Linear(D_E -> D_OUT)
    W_self = jax.random.normal(k6, (D_OUT, D_E), dtype=jnp.float32) * 0.05
    b_self = jax.random.normal(k7, (D_OUT,), dtype=jnp.float32) * 0.05
    return {
        "X": X,
        "edge_index": edge_index,
        "edge_vals": edge_vals,
        "W_pass": W_pass,
        "b_pass": b_pass,
        "W_self": W_self,
        "b_self": b_self,
    }


def reference(X, edge_index, edge_vals, W_pass, b_pass, W_self, b_self):
    # Sparse branch of EdgeGCNConv.forward:
    # gather endpoint node features per edge
    src = edge_index[0]
    dst = edge_index[1]
    X1 = jnp.take(X, src, axis=0)
    X2 = jnp.take(X, dst, axis=0)
    X1, X2 = (X1 - X2) / 2.0, (X1 + X2) / 2.0
    E = jnp.concatenate([X1, X2], axis=-1)  # [n_edges, 2*D_N]
    pass_out = E @ W_pass.T + b_pass
    self_out = edge_vals @ W_self.T + b_self
    new_vals = jax.nn.relu(pass_out + self_out)  # activation=True
    # torch returns a sparse COO tensor with these values at edge_index;
    # we return the per-edge value matrix (the learned quantity).
    return new_vals

if __name__ == "__main__":
    import jax
    _d = setup_inputs()
    print(jax.jit(kernel)(*tuple(_d.values())))

</pallas_src>

<mosaic_0001>
#map = affine_map<(d0, d1) -> (0, 0)>
#map1 = affine_map<(d0, d1) -> (0)>
#map2 = affine_map<(d0, d1) -> (0, 0, 0, 0)>
module attributes {stable_mosaic.version = 14 : i64} {
  func.func @run(%arg0: i32, %arg1: i32, %arg2: memref<10000x16xf32, #tpu.memory_space<hbm>>, %arg3: memref<10000x16xf32, #tpu.memory_space<hbm>>, %arg4: memref<320000xi32, #tpu.memory_space<hbm>>, %arg5: memref<320000xi32, #tpu.memory_space<hbm>>, %arg6: memref<2x2500x8x128xf32, #tpu.memory_space<hbm>>, %arg7: memref<2x2500x8x128xf32, #tpu.memory_space<hbm>>, %arg8: memref<2x512xi32, #tpu.memory_space<vmem>>, %arg9: memref<2x512xi32, #tpu.memory_space<vmem>>, %arg10: memref<2x512x16xf32, #tpu.memory_space<vmem>>, %arg11: memref<2x512x16xf32, #tpu.memory_space<vmem>>, %arg12: memref<2x4x16x128xf32, #tpu.memory_space<vmem>>, %arg13: memref<2x4x16x128xf32, #tpu.memory_space<vmem>>, %arg14: memref<8704xf32, #tpu.memory_space<vmem>>, %arg15: memref<!tpu.dma_semaphore, #tpu.memory_space<semaphore_mem>>, %arg16: memref<!tpu.dma_semaphore, #tpu.memory_space<semaphore_mem>>, %arg17: memref<!tpu.dma_semaphore, #tpu.memory_space<semaphore_mem>>, %arg18: memref<!tpu.dma_semaphore, #tpu.memory_space<semaphore_mem>>, %arg19: memref<!tpu.dma_semaphore, #tpu.memory_space<semaphore_mem>>, %arg20: memref<!tpu.dma_semaphore, #tpu.memory_space<semaphore_mem>>) attributes {dimension_semantics = [#tpu.dimension_semantics<core_parallel>, #tpu.dimension_semantics<subcore_parallel>], iteration_bounds = array<i64: 2, 16>, scalar_prefetch = 0 : i64, scratch_operands = 13 : i64, tpu.core_type = #tpu.core_type<sc_vector_subcore>, window_params = [{transform_indices = #map}, {transform_indices = #map}, {transform_indices = #map1}, {transform_indices = #map1}, {transform_indices = #map2}, {transform_indices = #map2}]} {
    %mul3A = arith.constant 2 : i32
    %mul3A_0 = arith.muli %arg1, %mul3A : i32
    %add3A = arith.addi %mul3A_0, %arg0 : i32
    %iota3A = tpu.iota {dimensions = array<i32: 0>} : vector<16xi32>
    %mul3A_1 = arith.constant 17 : i32
    %mul3A_2 = vector.broadcast %mul3A_1 : i32 to vector<16xi32>
    %mul3A_3 = arith.muli %iota3A, %mul3A_2 : vector<16xi32>
    %sub3A = arith.constant 625 : i32
    %sub3A_4 = arith.subi %sub3A, %add3A : i32
    %add3A_5 = arith.constant 32 : i32
    %add3A_6 = arith.addi %sub3A_4, %add3A_5 : i32
    %sub3A_7 = arith.constant 1 : i32
    %sub3A_8 = arith.subi %add3A_6, %sub3A_7 : i32
    %jit3A = arith.constant 32 : i32
    %div3A = arith.divsi %sub3A_8, %jit3A : i32
    %sign3A = arith.constant 0 : i32
    %sign3A_9 = arith.cmpi sgt, %sub3A_8, %sign3A : i32
    %sign3A_10 = arith.extui %sign3A_9 : i1 to i32
    %sign3A_11 = arith.constant 0 : i32
    %sign3A_12 = arith.cmpi slt, %sub3A_8, %sign3A_11 : i32
    %sign3A_13 = arith.extui %sign3A_12 : i1 to i32
    %sign3A_14 = arith.subi %sign3A_10, %sign3A_13 : i32
    %sign3A_15 = arith.constant 0 : i32
    %sign3A_16 = arith.cmpi sgt, %jit3A, %sign3A_15 : i32
    %sign3A_17 = arith.extui %sign3A_16 : i1 to i32
    %sign3A_18 = arith.constant 0 : i32
    %sign3A_19 = arith.cmpi slt, %jit3A, %sign3A_18 : i32
    %sign3A_20 = arith.extui %sign3A_19 : i1 to i32
    %sign3A_21 = arith.subi %sign3A_17, %sign3A_20 : i32
    %ne3A = arith.cmpi ne, %sign3A_14, %sign3A_21 : i32
    %rem3A = arith.remsi %sub3A_8, %jit3A : i32
    %ne3A_22 = arith.constant 0 : i32
    %ne3A_23 = arith.cmpi ne, %rem3A, %ne3A_22 : i32
    %and3A = arith.andi %ne3A, %ne3A_23 : i1
    %sub3A_24 = arith.constant 1 : i32
    %sub3A_25 = arith.subi %div3A, %sub3A_24 : i32
    %select_n3A = arith.select %and3A, %sub3A_25, %div3A : i32
    %mul3A_26 = arith.constant 512 : i32
    %mul3A_27 = arith.muli %add3A, %mul3A_26 : i32
    %multiple_of3A = tpu.assume_multiple %mul3A_27, 8 : i32
    %mul3A_28 = arith.constant 4 : i32
    %mul3A_29 = arith.muli %add3A, %mul3A_28 : i32
    %multiple_of3A_30 = tpu.assume_multiple %mul3A_29, 4 : i32
    %run_scoped3A = arith.constant 0 : i32
    "tpu.region"() ({
      %run_scoped3A_227 = tpu.sem_alloc : memref<!tpu.dma_semaphore, #tpu.memory_space<semaphore_mem>>
      %dma_start3A_228 = arith.constant 0 : i32
      %dma_start3A_229 = tpu.memref_slice %arg8[%run_scoped3A, %dma_start3A_228] : memref<2x512xi32, #tpu.memory_space<vmem>> -> memref<1x512xi32, #tpu.memory_space<vmem>>
      %dma_start3A_230 = tpu.memref_squeeze %dma_start3A_229 : memref<1x512xi32, #tpu.memory_space<vmem>> -> memref<512xi32, #tpu.memory_space<vmem>>
      %dma_start3A_231 = tpu.memref_slice %arg4[%multiple_of3A] : memref<320000xi32, #tpu.memory_space<hbm>> -> memref<512xi32, #tpu.memory_space<hbm>>
      %dma_start3A_232 = arith.constant 0 : i32
      %dma_start3A_233 = tpu.memref_slice %arg8[%run_scoped3A, %dma_start3A_232] : memref<2x512xi32, #tpu.memory_space<vmem>> -> memref<1x512xi32, #tpu.memory_space<vmem>>
      %dma_start3A_234 = tpu.memref_squeeze %dma_start3A_233 : memref<1x512xi32, #tpu.memory_space<vmem>> -> memref<512xi32, #tpu.memory_space<vmem>>
      %dma_start3A_235 = tpu.memref_slice %arg4[%multiple_of3A] : memref<320000xi32, #tpu.memory_space<hbm>> -> memref<512xi32, #tpu.memory_space<hbm>>
      tpu.enqueue_dma source(%dma_start3A_235 : memref<512xi32, #tpu.memory_space<hbm>>) target(%dma_start3A_234 : memref<512xi32, #tpu.memory_space<vmem>>) target_semaphore(%run_scoped3A_227 : memref<!tpu.dma_semaphore, #tpu.memory_space<semaphore_mem>>)
      %dma_wait3A = arith.constant 0 : i32
      %dma_wait3A_236 = tpu.memref_slice %arg8[%run_scoped3A, %dma_wait3A] : memref<2x512xi32, #tpu.memory_space<vmem>> -> memref<1x512xi32, #tpu.memory_space<vmem>>
      %dma_wait3A_237 = tpu.memref_squeeze %dma_wait3A_236 : memref<1x512xi32, #tpu.memory_space<vmem>> -> memref<512xi32, #tpu.memory_space<vmem>>
      %dma_wait3A_238 = tpu.memref_slice %arg4[%multiple_of3A] : memref<320000xi32, #tpu.memory_space<hbm>> -> memref<512xi32, #tpu.memory_space<hbm>>
      %dma_wait3A_239 = arith.constant 0 : i32
      %dma_wait3A_240 = tpu.memref_slice %arg8[%run_scoped3A, %dma_wait3A_239] : memref<2x512xi32, #tpu.memory_space<vmem>> -> memref<1x512xi32, #tpu.memory_space<vmem>>
      %dma_wait3A_241 = tpu.memref_squeeze %dma_wait3A_240 : memref<1x512xi32, #tpu.memory_space<vmem>> -> memref<512xi32, #tpu.memory_space<vmem>>
      %dma_wait3A_242 = tpu.memref_slice %arg4[%multiple_of3A] : memref<320000xi32, #tpu.memory_space<hbm>> -> memref<512xi32, #tpu.memory_space<hbm>>
      tpu.wait_dma2 semaphore(%run_scoped3A_227 : memref<!tpu.dma_semaphore, #tpu.memory_space<semaphore_mem>>) src(%dma_wait3A_242 : memref<512xi32, #tpu.memory_space<hbm>>) dst(%dma_wait3A_241 : memref<512xi32, #tpu.memory_space<vmem>>)
      tpu.yield
    }) : () -> ()
    %run_scoped3A_31 = arith.constant 0 : i32
    "tpu.region"() ({
      %run_scoped3A_227 = tpu.sem_alloc : memref<!tpu.dma_semaphore, #tpu.memory_space<semaphore_mem>>
      %dma_start3A_228 = arith.constant 0 : i32
      %dma_start3A_229 = tpu.memref_slice %arg9[%run_scoped3A_31, %dma_start3A_228] : memref<2x512xi32, #tpu.memory_space<vmem>> -> memref<1x512xi32, #tpu.memory_space<vmem>>
      %dma_start3A_230 = tpu.memref_squeeze %dma_start3A_229 : memref<1x512xi32, #tpu.memory_space<vmem>> -> memref<512xi32, #tpu.memory_space<vmem>>
      %dma_start3A_231 = tpu.memref_slice %arg5[%multiple_of3A] : memref<320000xi32, #tpu.memory_space<hbm>> -> memref<512xi32, #tpu.memory_space<hbm>>
      %dma_start3A_232 = arith.constant 0 : i32
      %dma_start3A_233 = tpu.memref_slice %arg9[%run_scoped3A_31, %dma_start3A_232] : memref<2x512xi32, #tpu.memory_space<vmem>> -> memref<1x512xi32, #tpu.memory_space<vmem>>
      %dma_start3A_234 = tpu.memref_squeeze %dma_start3A_233 : memref<1x512xi32, #tpu.memory_space<vmem>> -> memref<512xi32, #tpu.memory_space<vmem>>
      %dma_start3A_235 = tpu.memref_slice %arg5[%multiple_of3A] : memref<320000xi32, #tpu.memory_space<hbm>> -> memref<512xi32, #tpu.memory_space<hbm>>
      tpu.enqueue_dma source(%dma_start3A_235 : memref<512xi32, #tpu.memory_space<hbm>>) target(%dma_start3A_234 : memref<512xi32, #tpu.memory_space<vmem>>) target_semaphore(%run_scoped3A_227 : memref<!tpu.dma_semaphore, #tpu.memory_space<semaphore_mem>>)
      %dma_wait3A = arith.constant 0 : i32
      %dma_wait3A_236 = tpu.memref_slice %arg9[%run_scoped3A_31, %dma_wait3A] : memref<2x512xi32, #tpu.memory_space<vmem>> -> memref<1x512xi32, #tpu.memory_space<vmem>>
      %dma_wait3A_237 = tpu.memref_squeeze %dma_wait3A_236 : memref<1x512xi32, #tpu.memory_space<vmem>> -> memref<512xi32, #tpu.memory_space<vmem>>
      %dma_wait3A_238 = tpu.memref_slice %arg5[%multiple_of3A] : memref<320000xi32, #tpu.memory_space<hbm>> -> memref<512xi32, #tpu.memory_space<hbm>>
      %dma_wait3A_239 = arith.constant 0 : i32
      %dma_wait3A_240 = tpu.memref_slice %arg9[%run_scoped3A_31, %dma_wait3A_239] : memref<2x512xi32, #tpu.memory_space<vmem>> -> memref<1x512xi32, #tpu.memory_space<vmem>>
      %dma_wait3A_241 = tpu.memref_squeeze %dma_wait3A_240 : memref<1x512xi32, #tpu.memory_space<vmem>> -> memref<512xi32, #tpu.memory_space<vmem>>
      %dma_wait3A_242 = tpu.memref_slice %arg5[%multiple_of3A] : memref<320000xi32, #tpu.memory_space<hbm>> -> memref<512xi32, #tpu.memory_space<hbm>>
      tpu.wait_dma2 semaphore(%run_scoped3A_227 : memref<!tpu.dma_semaphore, #tpu.memory_space<semaphore_mem>>) src(%dma_wait3A_242 : memref<512xi32, #tpu.memory_space<hbm>>) dst(%dma_wait3A_241 : memref<512xi32, #tpu.memory_space<vmem>>)
      tpu.yield
    }) : () -> ()
    %dma_start3A = arith.constant 0 : i32
    %dma_start3A_32 = arith.constant 0 : i32
    %dma_start3A_33 = arith.constant 0 : i32
    %dma_start3A_34 = arith.constant 0 : i32
    %dma_start3A_35 = tpu.memref_slice %arg10[%dma_start3A_32, %dma_start3A_33, %dma_start3A_34] : memref<2x512x16xf32, #tpu.memory_space<vmem>> -> memref<1x512x16xf32, #tpu.memory_space<vmem>>
    %dma_start3A_36 = tpu.memref_squeeze %dma_start3A_35 : memref<1x512x16xf32, #tpu.memory_space<vmem>> -> memref<512x16xf32, #tpu.memory_space<vmem>>
    %dma_start3A_37 = arith.constant 0 : i32
    %dma_start3A_38 = arith.constant 0 : i32
    %dma_start3A_39 = tpu.memref_slice %dma_start3A_36[%dma_start3A_37, %dma_start3A_38] : memref<512x16xf32, #tpu.memory_space<vmem>> -> memref<128x16xf32, #tpu.memory_space<vmem>>
    %dma_start3A_40 = arith.constant 0 : i32
    %dma_start3A_41 = tpu.memref_slice %arg8[%dma_start3A, %dma_start3A_40] : memref<2x512xi32, #tpu.memory_space<vmem>> -> memref<1x512xi32, #tpu.memory_space<vmem>>
    %dma_start3A_42 = tpu.memref_squeeze %dma_start3A_41 : memref<1x512xi32, #tpu.memory_space<vmem>> -> memref<512xi32, #tpu.memory_space<vmem>>
    %dma_start3A_43 = arith.constant 0 : i32
    %dma_start3A_44 = tpu.memref_slice %dma_start3A_42[%dma_start3A_43] : memref<512xi32, #tpu.memory_space<vmem>> -> memref<128xi32, #tpu.memory_space<vmem>>
    %dma_start3A_45 = arith.constant 0 : i32
    %dma_start3A_46 = arith.constant 0 : i32
    %dma_start3A_47 = tpu.memref_slice %arg2[%dma_start3A_45, %dma_start3A_46] : memref<10000x16xf32, #tpu.memory_space<hbm>> -> memref<10000x16xf32, #tpu.memory_space<hbm>>
    tpu.enqueue_indirect_dma source(%dma_start3A_47 : memref<10000x16xf32, #tpu.memory_space<hbm>>) target(%dma_start3A_39 : memref<128x16xf32, #tpu.memory_space<vmem>>) offsets(%dma_start3A_44 : memref<128xi32, #tpu.memory_space<vmem>>) semaphore(%arg15 : memref<!tpu.dma_semaphore, #tpu.memory_space<semaphore_mem>>)
    %dma_start3A_48 = arith.constant 0 : i32
    %dma_start3A_49 = arith.constant 0 : i32
    %dma_start3A_50 = arith.constant 0 : i32
    %dma_start3A_51 = arith.constant 0 : i32
    %dma_start3A_52 = tpu.memref_slice %arg11[%dma_start3A_49, %dma_start3A_50, %dma_start3A_51] : memref<2x512x16xf32, #tpu.memory_space<vmem>> -> memref<1x512x16xf32, #tpu.memory_space<vmem>>
    %dma_start3A_53 = tpu.memref_squeeze %dma_start3A_52 : memref<1x512x16xf32, #tpu.memory_space<vmem>> -> memref<512x16xf32, #tpu.memory_space<vmem>>
    %dma_start3A_54 = arith.constant 0 : i32
    %dma_start3A_55 = arith.constant 0 : i32
    %dma_start3A_56 = tpu.memref_slice %dma_start3A_53[%dma_start3A_54, %dma_start3A_55] : memref<512x16xf32, #tpu.memory_space<vmem>> -> memref<128x16xf32, #tpu.memory_space<vmem>>
    %dma_start3A_57 = arith.constant 0 : i32
    %dma_start3A_58 = tpu.memref_slice %arg9[%dma_start3A_48, %dma_start3A_57] : memref<2x512xi32, #tpu.memory_space<vmem>> -> memref<1x512xi32, #tpu.memory_space<vmem>>
    %dma_start3A_59 = tpu.memref_squeeze %dma_start3A_58 : memref<1x512xi32, #tpu.memory_space<vmem>> -> memref<512xi32, #tpu.memory_space<vmem>>
    %dma_start3A_60 = arith.constant 0 : i32
    %dma_start3A_61 = tpu.memref_slice %dma_start3A_59[%dma_start3A_60] : memref<512xi32, #tpu.memory_space<vmem>> -> memref<128xi32, #tpu.memory_space<vmem>>
    %dma_start3A_62 = arith.constant 0 : i32
    %dma_start3A_63 = arith.constant 0 : i32
    %dma_start3A_64 = tpu.memref_slice %arg3[%dma_start3A_62, %dma_start3A_63] : memref<10000x16xf32, #tpu.memory_space<hbm>> -> memref<10000x16xf32, #tpu.memory_space<hbm>>
    tpu.enqueue_indirect_dma source(%dma_start3A_64 : memref<10000x16xf32, #tpu.memory_space<hbm>>) target(%dma_start3A_56 : memref<128x16xf32, #tpu.memory_space<vmem>>) offsets(%dma_start3A_61 : memref<128xi32, #tpu.memory_space<vmem>>) semaphore(%arg16 : memref<!tpu.dma_semaphore, #tpu.memory_space<semaphore_mem>>)
    %dma_start3A_65 = arith.constant 0 : i32
    %dma_start3A_66 = arith.constant 0 : i32
    %dma_start3A_67 = arith.constant 0 : i32
    %dma_start3A_68 = arith.constant 0 : i32
    %dma_start3A_69 = tpu.memref_slice %arg10[%dma_start3A_66, %dma_start3A_67, %dma_start3A_68] : memref<2x512x16xf32, #tpu.memory_space<vmem>> -> memref<1x512x16xf32, #tpu.memory_space<vmem>>
    %dma_start3A_70 = tpu.memref_squeeze %dma_start3A_69 : memref<1x512x16xf32, #tpu.memory_space<vmem>> -> memref<512x16xf32, #tpu.memory_space<vmem>>
    %dma_start3A_71 = arith.constant 128 : i32
    %dma_start3A_72 = arith.constant 0 : i32
    %dma_start3A_73 = tpu.memref_slice %dma_start3A_70[%dma_start3A_71, %dma_start3A_72] : memref<512x16xf32, #tpu.memory_space<vmem>> -> memref<128x16xf32, #tpu.memory_space<vmem>>
    %dma_start3A_74 = arith.constant 0 : i32
    %dma_start3A_75 = tpu.memref_slice %arg8[%dma_start3A_65, %dma_start3A_74] : memref<2x512xi32, #tpu.memory_space<vmem>> -> memref<1x512xi32, #tpu.memory_space<vmem>>
    %dma_start3A_76 = tpu.memref_squeeze %dma_start3A_75 : memref<1x512xi32, #tpu.memory_space<vmem>> -> memref<512xi32, #tpu.memory_space<vmem>>
    %dma_start3A_77 = arith.constant 128 : i32
    %dma_start3A_78 = tpu.memref_slice %dma_start3A_76[%dma_start3A_77] : memref<512xi32, #tpu.memory_space<vmem>> -> memref<128xi32, #tpu.memory_space<vmem>>
    %dma_start3A_79 = arith.constant 0 : i32
    %dma_start3A_80 = arith.constant 0 : i32
    %dma_start3A_81 = tpu.memref_slice %arg2[%dma_start3A_79, %dma_start3A_80] : memref<10000x16xf32, #tpu.memory_space<hbm>> -> memref<10000x16xf32, #tpu.memory_space<hbm>>
    tpu.enqueue_indirect_dma source(%dma_start3A_81 : memref<10000x16xf32, #tpu.memory_space<hbm>>) target(%dma_start3A_73 : memref<128x16xf32, #tpu.memory_space<vmem>>) offsets(%dma_start3A_78 : memref<128xi32, #tpu.memory_space<vmem>>) semaphore(%arg15 : memref<!tpu.dma_semaphore, #tpu.memory_space<semaphore_mem>>)
    %dma_start3A_82 = arith.constant 0 : i32
    %dma_start3A_83 = arith.constant 0 : i32
    %dma_start3A_84 = arith.constant 0 : i32
    %dma_start3A_85 = arith.constant 0 : i32
    %dma_start3A_86 = tpu.memref_slice %arg11[%dma_start3A_83, %dma_start3A_84, %dma_start3A_85] : memref<2x512x16xf32, #tpu.memory_space<vmem>> -> memref<1x512x16xf32, #tpu.memory_space<vmem>>
    %dma_start3A_87 = tpu.memref_squeeze %dma_start3A_86 : memref<1x512x16xf32, #tpu.memory_space<vmem>> -> memref<512x16xf32, #tpu.memory_space<vmem>>
    %dma_start3A_88 = arith.constant 128 : i32
    %dma_start3A_89 = arith.constant 0 : i32
    %dma_start3A_90 = tpu.memref_slice %dma_start3A_87[%dma_start3A_88, %dma_start3A_89] : memref<512x16xf32, #tpu.memory_space<vmem>> -> memref<128x16xf32, #tpu.memory_space<vmem>>
    %dma_start3A_91 = arith.constant 0 : i32
    %dma_start3A_92 = tpu.memref_slice %arg9[%dma_start3A_82, %dma_start3A_91] : memref<2x512xi32, #tpu.memory_space<vmem>> -> memref<1x512xi32, #tpu.memory_space<vmem>>
    %dma_start3A_93 = tpu.memref_squeeze %dma_start3A_92 : memref<1x512xi32, #tpu.memory_space<vmem>> -> memref<512xi32, #tpu.memory_space<vmem>>
    %dma_start3A_94 = arith.constant 128 : i32
    %dma_start3A_95 = tpu.memref_slice %dma_start3A_93[%dma_start3A_94] : memref<512xi32, #tpu.memory_space<vmem>> -> memref<128xi32, #tpu.memory_space<vmem>>
    %dma_start3A_96 = arith.constant 0 : i32
    %dma_start3A_97 = arith.constant 0 : i32
    %dma_start3A_98 = tpu.memref_slice %arg3[%dma_start3A_96, %dma_start3A_97] : memref<10000x16xf32, #tpu.memory_space<hbm>> -> memref<10000x16xf32, #tpu.memory_space<hbm>>
    tpu.enqueue_indirect_dma source(%dma_start3A_98 : memref<10000x16xf32, #tpu.memory_space<hbm>>) target(%dma_start3A_90 : memref<128x16xf32, #tpu.memory_space<vmem>>) offsets(%dma_start3A_95 : memref<128xi32, #tpu.memory_space<vmem>>) semaphore(%arg16 : memref<!tpu.dma_semaphore, #tpu.memory_space<semaphore_mem>>)
    %dma_start3A_99 = arith.constant 0 : i32
    %dma_start3A_100 = arith.constant 0 : i32
    %dma_start3A_101 = arith.constant 0 : i32
    %dma_start3A_102 = arith.constant 0 : i32
    %dma_start3A_103 = tpu.memref_slice %arg10[%dma_start3A_100, %dma_start3A_101, %dma_start3A_102] : memref<2x512x16xf32, #tpu.memory_space<vmem>> -> memref<1x512x16xf32, #tpu.memory_space<vmem>>
    %dma_start3A_104 = tpu.memref_squeeze %dma_start3A_103 : memref<1x512x16xf32, #tpu.memory_space<vmem>> -> memref<512x16xf32, #tpu.memory_space<vmem>>
    %dma_start3A_105 = arith.constant 256 : i32
    %dma_start3A_106 = arith.constant 0 : i32
    %dma_start3A_107 = tpu.memref_slice %dma_start3A_104[%dma_start3A_105, %dma_start3A_106] : memref<512x16xf32, #tpu.memory_space<vmem>> -> memref<128x16xf32, #tpu.memory_space<vmem>>
    %dma_start3A_108 = arith.constant 0 : i32
    %dma_start3A_109 = tpu.memref_slice %arg8[%dma_start3A_99, %dma_start3A_108] : memref<2x512xi32, #tpu.memory_space<vmem>> -> memref<1x512xi32, #tpu.memory_space<vmem>>
    %dma_start3A_110 = tpu.memref_squeeze %dma_start3A_109 : memref<1x512xi32, #tpu.memory_space<vmem>> -> memref<512xi32, #tpu.memory_space<vmem>>
    %dma_start3A_111 = arith.constant 256 : i32
    %dma_start3A_112 = tpu.memref_slice %dma_start3A_110[%dma_start3A_111] : memref<512xi32, #tpu.memory_space<vmem>> -> memref<128xi32, #tpu.memory_space<vmem>>
    %dma_start3A_113 = arith.constant 0 : i32
    %dma_start3A_114 = arith.constant 0 : i32
    %dma_start3A_115 = tpu.memref_slice %arg2[%dma_start3A_113, %dma_start3A_114] : memref<10000x16xf32, #tpu.memory_space<hbm>> -> memref<10000x16xf32, #tpu.memory_space<hbm>>
    tpu.enqueue_indirect_dma source(%dma_start3A_115 : memref<10000x16xf32, #tpu.memory_space<hbm>>) target(%dma_start3A_107 : memref<128x16xf32, #tpu.memory_space<vmem>>) offsets(%dma_start3A_112 : memref<128xi32, #tpu.memory_space<vmem>>) semaphore(%arg15 : memref<!tpu.dma_semaphore, #tpu.memory_space<semaphore_mem>>)
    %dma_start3A_116 = arith.constant 0 : i32
    %dma_start3A_117 = arith.constant 0 : i32
    %dma_start3A_118 = arith.constant 0 : i32
    %dma_start3A_119 = arith.constant 0 : i32
    %dma_start3A_120 = tpu.memref_slice %arg11[%dma_start3A_117, %dma_start3A_118, %dma_start3A_119] : memref<2x512x16xf32, #tpu.memory_space<vmem>> -> memref<1x512x16xf32, #tpu.memory_space<vmem>>
    %dma_start3A_121 = tpu.memref_squeeze %dma_start3A_120 : memref<1x512x16xf32, #tpu.memory_space<vmem>> -> memref<512x16xf32, #tpu.memory_space<vmem>>
    %dma_start3A_122 = arith.constant 256 : i32
    %dma_start3A_123 = arith.constant 0 : i32
    %dma_start3A_124 = tpu.memref_slice %dma_start3A_121[%dma_start3A_122, %dma_start3A_123] : memref<512x16xf32, #tpu.memory_space<vmem>> -> memref<128x16xf32, #tpu.memory_space<vmem>>
    %dma_start3A_125 = arith.constant 0 : i32
    %dma_start3A_126 = tpu.memref_slice %arg9[%dma_start3A_116, %dma_start3A_125] : memref<2x512xi32, #tpu.memory_space<vmem>> -> memref<1x512xi32, #tpu.memory_space<vmem>>
    %dma_start3A_127 = tpu.memref_squeeze %dma_start3A_126 : memref<1x512xi32, #tpu.memory_space<vmem>> -> memref<512xi32, #tpu.memory_space<vmem>>
    %dma_start3A_128 = arith.constant 256 : i32
    %dma_start3A_129 = tpu.memref_slice %dma_start3A_127[%dma_start3A_128] : memref<512xi32, #tpu.memory_space<vmem>> -> memref<128xi32, #tpu.memory_space<vmem>>
    %dma_start3A_130 = arith.constant 0 : i32
    %dma_start3A_131 = arith.constant 0 : i32
    %dma_start3A_132 = tpu.memref_slice %arg3[%dma_start3A_130, %dma_start3A_131] : memref<10000x16xf32, #tpu.memory_space<hbm>> -> memref<10000x16xf32, #tpu.memory_space<hbm>>
    tpu.enqueue_indirect_dma source(%dma_start3A_132 : memref<10000x16xf32, #tpu.memory_space<hbm>>) target(%dma_start3A_124 : memref<128x16xf32, #tpu.memory_space<vmem>>) offsets(%dma_start3A_129 : memref<128xi32, #tpu.memory_space<vmem>>) semaphore(%arg16 : memref<!tpu.dma_semaphore, #tpu.memory_space<semaphore_mem>>)
    %dma_start3A_133 = arith.constant 0 : i32
    %dma_start3A_134 = arith.constant 0 : i32
    %dma_start3A_135 = arith.constant 0 : i32
    %dma_start3A_136 = arith.constant 0 : i32
    %dma_start3A_137 = tpu.memref_slice %arg10[%dma_start3A_134, %dma_start3A_135, %dma_start3A_136] : memref<2x512x16xf32, #tpu.memory_space<vmem>> -> memref<1x512x16xf32, #tpu.memory_space<vmem>>
    %dma_start3A_138 = tpu.memref_squeeze %dma_start3A_137 : memref<1x512x16xf32, #tpu.memory_space<vmem>> -> memref<512x16xf32, #tpu.memory_space<vmem>>
    %dma_start3A_139 = arith.constant 384 : i32
    %dma_start3A_140 = arith.constant 0 : i32
    %dma_start3A_141 = tpu.memref_slice %dma_start3A_138[%dma_start3A_139, %dma_start3A_140] : memref<512x16xf32, #tpu.memory_space<vmem>> -> memref<128x16xf32, #tpu.memory_space<vmem>>
    %dma_start3A_142 = arith.constant 0 : i32
    %dma_start3A_143 = tpu.memref_slice %arg8[%dma_start3A_133, %dma_start3A_142] : memref<2x512xi32, #tpu.memory_space<vmem>> -> memref<1x512xi32, #tpu.memory_space<vmem>>
    %dma_start3A_144 = tpu.memref_squeeze %dma_start3A_143 : memref<1x512xi32, #tpu.memory_space<vmem>> -> memref<512xi32, #tpu.memory_space<vmem>>
    %dma_start3A_145 = arith.constant 384 : i32
    %dma_start3A_146 = tpu.memref_slice %dma_start3A_144[%dma_start3A_145] : memref<512xi32, #tpu.memory_space<vmem>> -> memref<128xi32, #tpu.memory_space<vmem>>
    %dma_start3A_147 = arith.constant 0 : i32
    %dma_start3A_148 = arith.constant 0 : i32
    %dma_start3A_149 = tpu.memref_slice %arg2[%dma_start3A_147, %dma_start3A_148] : memref<10000x16xf32, #tpu.memory_space<hbm>> -> memref<10000x16xf32, #tpu.memory_space<hbm>>
    tpu.enqueue_indirect_dma source(%dma_start3A_149 : memref<10000x16xf32, #tpu.memory_space<hbm>>) target(%dma_start3A_141 : memref<128x16xf32, #tpu.memory_space<vmem>>) offsets(%dma_start3A_146 : memref<128xi32, #tpu.memory_space<vmem>>) semaphore(%arg15 : memref<!tpu.dma_semaphore, #tpu.memory_space<semaphore_mem>>)
    %dma_start3A_150 = arith.constant 0 : i32
    %dma_start3A_151 = arith.constant 0 : i32
    %dma_start3A_152 = arith.constant 0 : i32
    %dma_start3A_153 = arith.constant 0 : i32
    %dma_start3A_154 = tpu.memref_slice %arg11[%dma_start3A_151, %dma_start3A_152, %dma_start3A_153] : memref<2x512x16xf32, #tpu.memory_space<vmem>> -> memref<1x512x16xf32, #tpu.memory_space<vmem>>
    %dma_start3A_155 = tpu.memref_squeeze %dma_start3A_154 : memref<1x512x16xf32, #tpu.memory_space<vmem>> -> memref<512x16xf32, #tpu.memory_space<vmem>>
    %dma_start3A_156 = arith.constant 384 : i32
    %dma_start3A_157 = arith.constant 0 : i32
    %dma_start3A_158 = tpu.memref_slice %dma_start3A_155[%dma_start3A_156, %dma_start3A_157] : memref<512x16xf32, #tpu.memory_space<vmem>> -> memref<128x16xf32, #tpu.memory_space<vmem>>
    %dma_start3A_159 = arith.constant 0 : i32
    %dma_start3A_160 = tpu.memref_slice %arg9[%dma_start3A_150, %dma_start3A_159] : memref<2x512xi32, #tpu.memory_space<vmem>> -> memref<1x512xi32, #tpu.memory_space<vmem>>
    %dma_start3A_161 = tpu.memref_squeeze %dma_start3A_160 : memref<1x512xi32, #tpu.memory_space<vmem>> -> memref<512xi32, #tpu.memory_space<vmem>>
    %dma_start3A_162 = arith.constant 384 : i32
    %dma_start3A_163 = tpu.memref_slice %dma_start3A_161[%dma_start3A_162] : memref<512xi32, #tpu.memory_space<vmem>> -> memref<128xi32, #tpu.memory_space<vmem>>
    %dma_start3A_164 = arith.constant 0 : i32
    %dma_start3A_165 = arith.constant 0 : i32
    %dma_start3A_166 = tpu.memref_slice %arg3[%dma_start3A_164, %dma_start3A_165] : memref<10000x16xf32, #tpu.memory_space<hbm>> -> memref<10000x16xf32, #tpu.memory_space<hbm>>
    tpu.enqueue_indirect_dma source(%dma_start3A_166 : memref<10000x16xf32, #tpu.memory_space<hbm>>) target(%dma_start3A_158 : memref<128x16xf32, #tpu.memory_space<vmem>>) offsets(%dma_start3A_163 : memref<128xi32, #tpu.memory_space<vmem>>) semaphore(%arg16 : memref<!tpu.dma_semaphore, #tpu.memory_space<semaphore_mem>>)
    %dma_start3A_167 = arith.constant 0 : i32
    %dma_start3A_168 = arith.constant 0 : i32
    %dma_start3A_169 = arith.constant 0 : i32
    %dma_start3A_170 = arith.constant 0 : i32
    %dma_start3A_171 = arith.constant 0 : i32
    %dma_start3A_172 = tpu.memref_slice %arg12[%dma_start3A_168, %dma_start3A_169, %dma_start3A_170, %dma_start3A_171] : memref<2x4x16x128xf32, #tpu.memory_space<vmem>> -> memref<1x4x16x128xf32, #tpu.memory_space<vmem>>
    %dma_start3A_173 = tpu.memref_squeeze %dma_start3A_172 : memref<1x4x16x128xf32, #tpu.memory_space<vmem>> -> memref<4x16x128xf32, #tpu.memory_space<vmem>>
    %dma_start3A_174 = arith.constant 0 : i32
    %dma_start3A_175 = arith.constant 0 : i32
    %dma_start3A_176 = arith.constant 0 : i32
    %dma_start3A_177 = tpu.memref_slice %dma_start3A_173[%dma_start3A_174, %dma_start3A_175, %dma_start3A_176] : memref<4x16x128xf32, #tpu.memory_space<vmem>> -> memref<4x8x128xf32, #tpu.memory_space<vmem>>
    %dma_start3A_178 = arith.constant 0 : i32
    %dma_start3A_179 = arith.constant 0 : i32
    %dma_start3A_180 = tpu.memref_slice %arg6[%dma_start3A_167, %multiple_of3A_30, %dma_start3A_178, %dma_start3A_179] : memref<2x2500x8x128xf32, #tpu.memory_space<hbm>> -> memref<1x4x8x128xf32, #tpu.memory_space<hbm>>
    %dma_start3A_181 = tpu.memref_squeeze %dma_start3A_180 : memref<1x4x8x128xf32, #tpu.memory_space<hbm>> -> memref<4x8x128xf32, #tpu.memory_space<hbm>>
    %dma_start3A_182 = arith.constant 0 : i32
    %dma_start3A_183 = arith.constant 0 : i32
    %dma_start3A_184 = arith.constant 0 : i32
    %dma_start3A_185 = tpu.memref_slice %arg12[%dma_start3A_168, %dma_start3A_182, %dma_start3A_183, %dma_start3A_184] : memref<2x4x16x128xf32, #tpu.memory_space<vmem>> -> memref<1x4x16x128xf32, #tpu.memory_space<vmem>>
    %dma_start3A_186 = tpu.memref_squeeze %dma_start3A_185 : memref<1x4x16x128xf32, #tpu.memory_space<vmem>> -> memref<4x16x128xf32, #tpu.memory_space<vmem>>
    %dma_start3A_187 = arith.constant 0 : i32
    %dma_start3A_188 = arith.constant 0 : i32
    %dma_start3A_189 = arith.constant 0 : i32
    %dma_start3A_190 = tpu.memref_slice %dma_start3A_186[%dma_start3A_187, %dma_start3A_188, %dma_start3A_189] : memref<4x16x128xf32, #tpu.memory_space<vmem>> -> memref<4x8x128xf32, #tpu.memory_space<vmem>>
    %dma_start3A_191 = arith.constant 0 : i32
    %dma_start3A_192 = arith.constant 0 : i32
    %dma_start3A_193 = tpu.memref_slice %arg6[%dma_start3A_167, %multiple_of3A_30, %dma_start3A_191, %dma_start3A_192] : memref<2x2500x8x128xf32, #tpu.memory_space<hbm>> -> memref<1x4x8x128xf32, #tpu.memory_space<hbm>>
    %dma_start3A_194 = tpu.memref_squeeze %dma_start3A_193 : memref<1x4x8x128xf32, #tpu.memory_space<hbm>> -> memref<4x8x128xf32, #tpu.memory_space<hbm>>
    tpu.enqueue_dma source(%dma_start3A_194 : memref<4x8x128xf32, #tpu.memory_space<hbm>>) target(%dma_start3A_190 : memref<4x8x128xf32, #tpu.memory_space<vmem>>) target_semaphore(%arg17 : memref<!tpu.dma_semaphore, #tpu.memory_space<semaphore_mem>>)
    %dma_start3A_195 = arith.constant 1 : i32
    %dma_start3A_196 = arith.constant 0 : i32
    %dma_start3A_197 = arith.constant 0 : i32
    %dma_start3A_198 = arith.constant 0 : i32
    %dma_start3A_199 = arith.constant 0 : i32
    %dma_start3A_200 = tpu.memref_slice %arg12[%dma_start3A_196, %dma_start3A_197, %dma_start3A_198, %dma_start3A_199] : memref<2x4x16x128xf32, #tpu.memory_space<vmem>> -> memref<1x4x16x128xf32, #tpu.memory_space<vmem>>
    %dma_start3A_201 = tpu.memref_squeeze %dma_start3A_200 : memref<1x4x16x128xf32, #tpu.memory_space<vmem>> -> memref<4x16x128xf32, #tpu.memory_space<vmem>>
    %dma_start3A_202 = arith.constant 0 : i32
    %dma_start3A_203 = arith.constant 8 : i32
    %dma_start3A_204 = arith.constant 0 : i32
    %dma_start3A_205 = tpu.memref_slice %dma_start3A_201[%dma_start3A_202, %dma_start3A_203, %dma_start3A_204] : memref<4x16x128xf32, #tpu.memory_space<vmem>> -> memref<4x8x128xf32, #tpu.memory_space<vmem>>
    %dma_start3A_206 = arith.constant 0 : i32
    %dma_start3A_207 = arith.constant 0 : i32
    %dma_start3A_208 = tpu.memref_slice %arg6[%dma_start3A_195, %multiple_of3A_30, %dma_start3A_206, %dma_start3A_207] : memref<2x2500x8x128xf32, #tpu.memory_space<hbm>> -> memref<1x4x8x128xf32, #tpu.memory_space<hbm>>
    %dma_start3A_209 = tpu.memref_squeeze %dma_start3A_208 : memref<1x4x8x128xf32, #tpu.memory_space<hbm>> -> memref<4x8x128xf32, #tpu.memory_space<hbm>>
    %dma_start3A_210 = arith.constant 0 : i32
    %dma_start3A_211 = arith.constant 0 : i32
    %dma_start3A_212 = arith.constant 0 : i32
    %dma_start3A_213 = tpu.memref_slice %arg12[%dma_start3A_196, %dma_start3A_210, %dma_start3A_211, %dma_start3A_212] : memref<2x4x16x128xf32, #tpu.memory_space<vmem>> -> memref<1x4x16x128xf32, #tpu.memory_space<vmem>>
    %dma_start3A_214 = tpu.memref_squeeze %dma_start3A_213 : memref<1x4x16x128xf32, #tpu.memory_space<vmem>> -> memref<4x16x128xf32, #tpu.memory_space<vmem>>
    %dma_start3A_215 = arith.constant 0 : i32
    %dma_start3A_216 = arith.constant 8 : i32
    %dma_start3A_217 = arith.constant 0 : i32
    %dma_start3A_218 = tpu.memref_slice %dma_start3A_214[%dma_start3A_215, %dma_start3A_216, %dma_start3A_217] : memref<4x16x128xf32, #tpu.memory_space<vmem>> -> memref<4x8x128xf32, #tpu.memory_space<vmem>>
    %dma_start3A_219 = arith.constant 0 : i32
    %dma_start3A_220 = arith.constant 0 : i32
    %dma_start3A_221 = tpu.memref_slice %arg6[%dma_start3A_195, %multiple_of3A_30, %dma_start3A_219, %dma_start3A_220] : memref<2x2500x8x128xf32, #tpu.memory_space<hbm>> -> memref<1x4x8x128xf32, #tpu.memory_space<hbm>>
    %dma_start3A_222 = tpu.memref_squeeze %dma_start3A_221 : memref<1x4x8x128xf32, #tpu.memory_space<hbm>> -> memref<4x8x128xf32, #tpu.memory_space<hbm>>
    tpu.enqueue_dma source(%dma_start3A_222 : memref<4x8x128xf32, #tpu.memory_space<hbm>>) target(%dma_start3A_218 : memref<4x8x128xf32, #tpu.memory_space<vmem>>) target_semaphore(%arg17 : memref<!tpu.dma_semaphore, #tpu.memory_space<semaphore_mem>>)
    %scan3A = arith.constant 0 : i32
    %scan3A_223 = arith.constant 10 : i32
    %scan3A_224 = arith.addi %scan3A, %scan3A_223 : i32
    %scan3A_225 = arith.constant 1 : i32
    scf.for %scan3A_227 = %scan3A to %scan3A_224 step %scan3A_225  : i32 {
      %mul3A_228 = arith.constant 1 : i32
      %mul3A_229 = arith.muli %scan3A_227, %mul3A_228 : i32
      %add3A_230 = arith.constant 0 : i32
      %add3A_231 = arith.addi %add3A_230, %mul3A_229 : i32
      %mul3A_232 = arith.constant 2 : i32
      %mul3A_233 = arith.muli %mul3A_232, %add3A_231 : i32
      %add3A_234 = arith.constant 1 : i32
      %add3A_235 = arith.addi %mul3A_233, %add3A_234 : i32
      %mul3A_236 = arith.constant 2 : i32
      %mul3A_237 = arith.muli %mul3A_236, %add3A_231 : i32
      %mul3A_238 = arith.constant 32 : i32
      %mul3A_239 = arith.muli %mul3A_237, %mul3A_238 : i32
      %add3A_240 = arith.addi %add3A, %mul3A_239 : i32
      %mul3A_241 = arith.constant 32 : i32
      %mul3A_242 = arith.muli %add3A_235, %mul3A_241 : i32
      %add3A_243 = arith.addi %add3A, %mul3A_242 : i32
      %lt3A = arith.cmpi slt, %add3A_235, %select_n3A : i32
      %convert_element_type3A = arith.extui %lt3A : i1 to i32
      %cond3A = arith.constant 0 : i32
      %cond3A_244 = arith.cmpi ne, %convert_element_type3A, %cond3A : i32
      scf.if %cond3A_244 {
        %mul3A_462 = arith.constant 512 : i32
        %mul3A_463 = arith.muli %add3A_243, %mul3A_462 : i32
        %multiple_of3A_464 = tpu.assume_multiple %mul3A_463, 8 : i32
        %mul3A_465 = arith.constant 4 : i32
        %mul3A_466 = arith.muli %add3A_243, %mul3A_465 : i32
        %multiple_of3A_467 = tpu.assume_multiple %mul3A_466, 4 : i32
        %run_scoped3A_468 = arith.constant 1 : i32
        "tpu.region"() ({
          %run_scoped3A_662 = tpu.sem_alloc : memref<!tpu.dma_semaphore, #tpu.memory_space<semaphore_mem>>
          %dma_start3A_663 = arith.constant 0 : i32
          %dma_start3A_664 = tpu.memref_slice %arg8[%run_scoped3A_468, %dma_start3A_663] : memref<2x512xi32, #tpu.memory_space<vmem>> -> memref<1x512xi32, #tpu.memory_space<vmem>>
          %dma_start3A_665 = tpu.memref_squeeze %dma_start3A_664 : memref<1x512xi32, #tpu.memory_space<vmem>> -> memref<512xi32, #tpu.memory_space<vmem>>
          %dma_start3A_666 = tpu.memref_slice %arg4[%multiple_of3A_464] : memref<320000xi32, #tpu.memory_space<hbm>> -> memref<512xi32, #tpu.memory_space<hbm>>
          %dma_start3A_667 = arith.constant 0 : i32
          %dma_start3A_668 = tpu.memref_slice %arg8[%run_scoped3A_468, %dma_start3A_667] : memref<2x512xi32, #tpu.memory_space<vmem>> -> memref<1x512xi32, #tpu.memory_space<vmem>>
          %dma_start3A_669 = tpu.memref_squeeze %dma_start3A_668 : memref<1x512xi32, #tpu.memory_space<vmem>> -> memref<512xi32, #tpu.memory_space<vmem>>
          %dma_start3A_670 = tpu.memref_slice %arg4[%multiple_of3A_464] : memref<320000xi32, #tpu.memory_space<hbm>> -> memref<512xi32, #tpu.memory_space<hbm>>
          tpu.enqueue_dma source(%dma_start3A_670 : memref<512xi32, #tpu.memory_space<hbm>>) target(%dma_start3A_669 : memref<512xi32, #tpu.memory_space<vmem>>) target_semaphore(%run_scoped3A_662 : memref<!tpu.dma_semaphore, #tpu.memory_space<semaphore_mem>>)
          %dma_wait3A_671 = arith.constant 0 : i32
          %dma_wait3A_672 = tpu.memref_slice %arg8[%run_scoped3A_468, %dma_wait3A_671] : memref<2x512xi32, #tpu.memory_space<vmem>> -> memref<1x512xi32, #tpu.memory_space<vmem>>
          %dma_wait3A_673 = tpu.memref_squeeze %dma_wait3A_672 : memref<1x512xi32, #tpu.memory_space<vmem>> -> memref<512xi32, #tpu.memory_space<vmem>>
          %dma_wait3A_674 = tpu.memref_slice %arg4[%multiple_of3A_464] : memref<320000xi32, #tpu.memory_space<hbm>> -> memref<512xi32, #tpu.memory_space<hbm>>
          %dma_wait3A_675 = arith.constant 0 : i32
          %dma_wait3A_676 = tpu.memref_slice %arg8[%run_scoped3A_468, %dma_wait3A_675] : memref<2x512xi32, #tpu.memory_space<vmem>> -> memref<1x512xi32, #tpu.memory_space<vmem>>
          %dma_wait3A_677 = tpu.memref_squeeze %dma_wait3A_676 : memref<1x512xi32, #tpu.memory_space<vmem>> -> memref<512xi32, #tpu.memory_space<vmem>>
          %dma_wait3A_678 = tpu.memref_slice %arg4[%multiple_of3A_464] : memref<320000xi32, #tpu.memory_space<hbm>> -> memref<512xi32, #tpu.memory_space<hbm>>
          tpu.wait_dma2 semaphore(%run_scoped3A_662 : memref<!tpu.dma_semaphore, #tpu.memory_space<semaphore_mem>>) src(%dma_wait3A_678 : memref<512xi32, #tpu.memory_space<hbm>>) dst(%dma_wait3A_677 : memref<512xi32, #tpu.memory_space<vmem>>)
          tpu.yield
        }) : () -> ()
        %run_scoped3A_469 = arith.constant 1 : i32
        "tpu.region"() ({
          %run_scoped3A_662 = tpu.sem_alloc : memref<!tpu.dma_semaphore, #tpu.memory_space<semaphore_mem>>
          %dma_start3A_663 = arith.constant 0 : i32
          %dma_start3A_664 = tpu.memref_slice %arg9[%run_scoped3A_469, %dma_start3A_663] : memref<2x512xi32, #tpu.memory_space<vmem>> -> memref<1x512xi32, #tpu.memory_space<vmem>>
          %dma_start3A_665 = tpu.memref_squeeze %dma_start3A_664 : memref<1x512xi32, #tpu.memory_space<vmem>> -> memref<512xi32, #tpu.memory_space<vmem>>
          %dma_start3A_666 = tpu.memref_slice %arg5[%multiple_of3A_464] : memref<320000xi32, #tpu.memory_space<hbm>> -> memref<512xi32, #tpu.memory_space<hbm>>
          %dma_start3A_667 = arith.constant 0 : i32
          %dma_start3A_668 = tpu.memref_slice %arg9[%run_scoped3A_469, %dma_start3A_667] : memref<2x512xi32, #tpu.memory_space<vmem>> -> memref<1x512xi32, #tpu.memory_space<vmem>>
          %dma_start3A_669 = tpu.memref_squeeze %dma_start3A_668 : memref<1x512xi32, #tpu.memory_space<vmem>> -> memref<512xi32, #tpu.memory_space<vmem>>
          %dma_start3A_670 = tpu.memref_slice %arg5[%multiple_of3A_464] : memref<320000xi32, #tpu.memory_space<hbm>> -> memref<512xi32, #tpu.memory_space<hbm>>
          tpu.enqueue_dma source(%dma_start3A_670 : memref<512xi32, #tpu.memory_space<hbm>>) target(%dma_start3A_669 : memref<512xi32, #tpu.memory_space<vmem>>) target_semaphore(%run_scoped3A_662 : memref<!tpu.dma_semaphore, #tpu.memory_space<semaphore_mem>>)
          %dma_wait3A_671 = arith.constant 0 : i32
          %dma_wait3A_672 = tpu.memref_slice %arg9[%run_scoped3A_469, %dma_wait3A_671] : memref<2x512xi32, #tpu.memory_space<vmem>> -> memref<1x512xi32, #tpu.memory_space<vmem>>
          %dma_wait3A_673 = tpu.memref_squeeze %dma_wait3A_672 : memref<1x512xi32, #tpu.memory_space<vmem>> -> memref<512xi32, #tpu.memory_space<vmem>>
          %dma_wait3A_674 = tpu.memref_slice %arg5[%multiple_of3A_464] : memref<320000xi32, #tpu.memory_space<hbm>> -> memref<512xi32, #tpu.memory_space<hbm>>
          %dma_wait3A_675 = arith.constant 0 : i32
          %dma_wait3A_676 = tpu.memref_slice %arg9[%run_scoped3A_469, %dma_wait3A_675] : memref<2x512xi32, #tpu.memory_space<vmem>> -> memref<1x512xi32, #tpu.memory_space<vmem>>
          %dma_wait3A_677 = tpu.memref_squeeze %dma_wait3A_676 : memref<1x512xi32, #tpu.memory_space<vmem>> -> memref<512xi32, #tpu.memory_space<vmem>>
          %dma_wait3A_678 = tpu.memref_slice %arg5[%multiple_of3A_464] : memref<320000xi32, #tpu.memory_space<hbm>> -> memref<512xi32, #tpu.memory_space<hbm>>
          tpu.wait_dma2 semaphore(%run_scoped3A_662 : memref<!tpu.dma_semaphore, #tpu.memory_space<semaphore_mem>>) src(%dma_wait3A_678 : memref<512xi32, #tpu.memory_space<hbm>>) dst(%dma_wait3A_677 : memref<512xi32, #tpu.memory_space<vmem>>)
          tpu.yield
        }) : () -> ()
        %dma_start3A_470 = arith.constant 1 : i32
        %dma_start3A_471 = arith.constant 1 : i32
        %dma_start3A_472 = arith.constant 0 : i32
        %dma_start3A_473 = arith.constant 0 : i32
        %dma_start3A_474 = tpu.memref_slice %arg10[%dma_start3A_471, %dma_start3A_472, %dma_start3A_473] : memref<2x512x16xf32, #tpu.memory_space<vmem>> -> memref<1x512x16xf32, #tpu.memory_space<vmem>>
        %dma_start3A_475 = tpu.memref_squeeze %dma_start3A_474 : memref<1x512x16xf32, #tpu.memory_space<vmem>> -> memref<512x16xf32, #tpu.memory_space<vmem>>
        %dma_start3A_476 = arith.constant 0 : i32
        %dma_start3A_477 = arith.constant 0 : i32
        %dma_start3A_478 = tpu.memref_slice %dma_start3A_475[%dma_start3A_476, %dma_start3A_477] : memref<512x16xf32, #tpu.memory_space<vmem>> -> memref<128x16xf32, #tpu.memory_space<vmem>>
        %dma_start3A_479 = arith.constant 0 : i32
        %dma_start3A_480 = tpu.memref_slice %arg8[%dma_start3A_470, %dma_start3A_479] : memref<2x512xi32, #tpu.memory_space<vmem>> -> memref<1x512xi32, #tpu.memory_space<vmem>>
        %dma_start3A_481 = tpu.memref_squeeze %dma_start3A_480 : memref<1x512xi32, #tpu.memory_space<vmem>> -> memref<512xi32, #tpu.memory_space<vmem>>
        %dma_start3A_482 = arith.constant 0 : i32
        %dma_start3A_483 = tpu.memref_slice %dma_start3A_481[%dma_start3A_482] : memref<512xi32, #tpu.memory_space<vmem>> -> memref<128xi32, #tpu.memory_space<vmem>>
        %dma_start3A_484 = arith.constant 0 : i32
        %dma_start3A_485 = arith.constant 0 : i32
        %dma_start3A_486 = tpu.memref_slice %arg2[%dma_start3A_484, %dma_start3A_485] : memref<10000x16xf32, #tpu.memory_space<hbm>> -> memref<10000x16xf32, #tpu.memory_space<hbm>>
        tpu.enqueue_indirect_dma source(%dma_start3A_486 : memref<10000x16xf32, #tpu.memory_space<hbm>>) target(%dma_start3A_478 : memref<128x16xf32, #tpu.memory_space<vmem>>) offsets(%dma_start3A_483 : memref<128xi32, #tpu.memory_space<vmem>>) semaphore(%arg18 : memref<!tpu.dma_semaphore, #tpu.memory_space<semaphore_mem>>)
        %dma_start3A_487 = arith.constant 1 : i32
        %dma_start3A_488 = arith.constant 1 : i32
        %dma_start3A_489 = arith.constant 0 : i32
        %dma_start3A_490 = arith.constant 0 : i32
        %dma_start3A_491 = tpu.memref_slice %arg11[%dma_start3A_488, %dma_start3A_489, %dma_start3A_490] : memref<2x512x16xf32, #tpu.memory_space<vmem>> -> memref<1x512x16xf32, #tpu.memory_space<vmem>>
        %dma_start3A_492 = tpu.memref_squeeze %dma_start3A_491 : memref<1x512x16xf32, #tpu.memory_space<vmem>> -> memref<512x16xf32, #tpu.memory_space<vmem>>
        %dma_start3A_493 = arith.constant 0 : i32
        %dma_start3A_494 = arith.constant 0 : i32
        %dma_start3A_495 = tpu.memref_slice %dma_start3A_492[%dma_start3A_493, %dma_start3A_494] : memref<512x16xf32, #tpu.memory_space<vmem>> -> memref<128x16xf32, #tpu.memory_space<vmem>>
        %dma_start3A_496 = arith.constant 0 : i32
        %dma_start3A_497 = tpu.memref_slice %arg9[%dma_start3A_487, %dma_start3A_496] : memref<2x512xi32, #tpu.memory_space<vmem>> -> memref<1x512xi32, #tpu.memory_space<vmem>>
        %dma_start3A_498 = tpu.memref_squeeze %dma_start3A_497 : memref<1x512xi32, #tpu.memory_space<vmem>> -> memref<512xi32, #tpu.memory_space<vmem>>
        %dma_start3A_499 = arith.constant 0 : i32
        %dma_start3A_500 = tpu.memref_slice %dma_start3A_498[%dma_start3A_499] : memref<512xi32, #tpu.memory_space<vmem>> -> memref<128xi32, #tpu.memory_space<vmem>>
        %dma_start3A_501 = arith.constant 0 : i32
        %dma_start3A_502 = arith.constant 0 : i32
        %dma_start3A_503 = tpu.memref_slice %arg3[%dma_start3A_501, %dma_start3A_502] : memref<10000x16xf32, #tpu.memory_space<hbm>> -> memref<10000x16xf32, #tpu.memory_space<hbm>>
        tpu.enqueue_indirect_dma source(%dma_start3A_503 : memref<10000x16xf32, #tpu.memory_space<hbm>>) target(%dma_start3A_495 : memref<128x16xf32, #tpu.memory_space<vmem>>) offsets(%dma_start3A_500 : memref<128xi32, #tpu.memory_space<vmem>>) semaphore(%arg19 : memref<!tpu.dma_semaphore, #tpu.memory_space<semaphore_mem>>)
        %dma_start3A_504 = arith.constant 1 : i32
        %dma_start3A_505 = arith.constant 1 : i32
        %dma_start3A_506 = arith.constant 0 : i32
        %dma_start3A_507 = arith.constant 0 : i32
        %dma_start3A_508 = tpu.memref_slice %arg10[%dma_start3A_505, %dma_start3A_506, %dma_start3A_507] : memref<2x512x16xf32, #tpu.memory_space<vmem>> -> memref<1x512x16xf32, #tpu.memory_space<vmem>>
        %dma_start3A_509 = tpu.memref_squeeze %dma_start3A_508 : memref<1x512x16xf32, #tpu.memory_space<vmem>> -> memref<512x16xf32, #tpu.memory_space<vmem>>
        %dma_start3A_510 = arith.constant 128 : i32
        %dma_start3A_511 = arith.constant 0 : i32
        %dma_start3A_512 = tpu.memref_slice %dma_start3A_509[%dma_start3A_510, %dma_start3A_511] : memref<512x16xf32, #tpu.memory_space<vmem>> -> memref<128x16xf32, #tpu.memory_space<vmem>>
        %dma_start3A_513 = arith.constant 0 : i32
        %dma_start3A_514 = tpu.memref_slice %arg8[%dma_start3A_504, %dma_start3A_513] : memref<2x512xi32, #tpu.memory_space<vmem>> -> memref<1x512xi32, #tpu.memory_space<vmem>>
        %dma_start3A_515 = tpu.memref_squeeze %dma_start3A_514 : memref<1x512xi32, #tpu.memory_space<vmem>> -> memref<512xi32, #tpu.memory_space<vmem>>
        %dma_start3A_516 = arith.constant 128 : i32
        %dma_start3A_517 = tpu.memref_slice %dma_start3A_515[%dma_start3A_516] : memref<512xi32, #tpu.memory_space<vmem>> -> memref<128xi32, #tpu.memory_space<vmem>>
        %dma_start3A_518 = arith.constant 0 : i32
        %dma_start3A_519 = arith.constant 0 : i32
        %dma_start3A_520 = tpu.memref_slice %arg2[%dma_start3A_518, %dma_start3A_519] : memref<10000x16xf32, #tpu.memory_space<hbm>> -> memref<10000x16xf32, #tpu.memory_space<hbm>>
        tpu.enqueue_indirect_dma source(%dma_start3A_520 : memref<10000x16xf32, #tpu.memory_space<hbm>>) target(%dma_start3A_512 : memref<128x16xf32, #tpu.memory_space<vmem>>) offsets(%dma_start3A_517 : memref<128xi32, #tpu.memory_space<vmem>>) semaphore(%arg18 : memref<!tpu.dma_semaphore, #tpu.memory_space<semaphore_mem>>)
        %dma_start3A_521 = arith.constant 1 : i32
        %dma_start3A_522 = arith.constant 1 : i32
        %dma_start3A_523 = arith.constant 0 : i32
        %dma_start3A_524 = arith.constant 0 : i32
        %dma_start3A_525 = tpu.memref_slice %arg11[%dma_start3A_522, %dma_start3A_523, %dma_start3A_524] : memref<2x512x16xf32, #tpu.memory_space<vmem>> -> memref<1x512x16xf32, #tpu.memory_space<vmem>>
        %dma_start3A_526 = tpu.memref_squeeze %dma_start3A_525 : memref<1x512x16xf32, #tpu.memory_space<vmem>> -> memref<512x16xf32, #tpu.memory_space<vmem>>
        %dma_start3A_527 = arith.constant 128 : i32
        %dma_start3A_528 = arith.constant 0 : i32
        %dma_start3A_529 = tpu.memref_slice %dma_start3A_526[%dma_start3A_527, %dma_start3A_528] : memref<512x16xf32, #tpu.memory_space<vmem>> -> memref<128x16xf32, #tpu.memory_space<vmem>>
        %dma_start3A_530 = arith.constant 0 : i32
        %dma_start3A_531 = tpu.memref_slice %arg9[%dma_start3A_521, %dma_start3A_530] : memref<2x512xi32, #tpu.memory_space<vmem>> -> memref<1x512xi32, #tpu.memory_space<vmem>>
        %dma_start3A_532 = tpu.memref_squeeze %dma_start3A_531 : memref<1x512xi32, #tpu.memory_space<vmem>> -> memref<512xi32, #tpu.memory_space<vmem>>
        %dma_start3A_533 = arith.constant 128 : i32
        %dma_start3A_534 = tpu.memref_slice %dma_start3A_532[%dma_start3A_533] : memref<512xi32, #tpu.memory_space<vmem>> -> memref<128xi32, #tpu.memory_space<vmem>>
        %dma_start3A_535 = arith.constant 0 : i32
        %dma_start3A_536 = arith.constant 0 : i32
        %dma_start3A_537 = tpu.memref_slice %arg3[%dma_start3A_535, %dma_start3A_536] : memref<10000x16xf32, #tpu.memory_space<hbm>> -> memref<10000x16xf32, #tpu.memory_space<hbm>>
        tpu.enqueue_indirect_dma source(%dma_start3A_537 : memref<10000x16xf32, #tpu.memory_space<hbm>>) target(%dma_start3A_529 : memref<128x16xf32, #tpu.memory_space<vmem>>) offsets(%dma_start3A_534 : memref<128xi32, #tpu.memory_space<vmem>>) semaphore(%arg19 : memref<!tpu.dma_semaphore, #tpu.memory_space<semaphore_mem>>)
        %dma_start3A_538 = arith.constant 1 : i32
        %dma_start3A_539 = arith.constant 1 : i32
        %dma_start3A_540 = arith.constant 0 : i32
        %dma_start3A_541 = arith.constant 0 : i32
        %dma_start3A_542 = tpu.memref_slice %arg10[%dma_start3A_539, %dma_start3A_540, %dma_start3A_541] : memref<2x512x16xf32, #tpu.memory_space<vmem>> -> memref<1x512x16xf32, #tpu.memory_space<vmem>>
        %dma_start3A_543 = tpu.memref_squeeze %dma_start3A_542 : memref<1x512x16xf32, #tpu.memory_space<vmem>> -> memref<512x16xf32, #tpu.memory_space<vmem>>
        %dma_start3A_544 = arith.constant 256 : i32
        %dma_start3A_545 = arith.constant 0 : i32
        %dma_start3A_546 = tpu.memref_slice %dma_start3A_543[%dma_start3A_544, %dma_start3A_545] : memref<512x16xf32, #tpu.memory_space<vmem>> -> memref<128x16xf32, #tpu.memory_space<vmem>>
        %dma_start3A_547 = arith.constant 0 : i32
        %dma_start3A_548 = tpu.memref_slice %arg8[%dma_start3A_538, %dma_start3A_547] : memref<2x512xi32, #tpu.memory_space<vmem>> -> memref<1x512xi32, #tpu.memory_space<vmem>>
        %dma_start3A_549 = tpu.memref_squeeze %dma_start3A_548 : memref<1x512xi32, #tpu.memory_space<vmem>> -> memref<512xi32, #tpu.memory_space<vmem>>
        %dma_start3A_550 = arith.constant 256 : i32
        %dma_start3A_551 = tpu.memref_slice %dma_start3A_549[%dma_start3A_550] : memref<512xi32, #tpu.memory_space<vmem>> -> memref<128xi32, #tpu.memory_space<vmem>>
        %dma_start3A_552 = arith.constant 0 : i32
        %dma_start3A_553 = arith.constant 0 : i32
        %dma_start3A_554 = tpu.memref_slice %arg2[%dma_start3A_552, %dma_start3A_553] : memref<10000x16xf32, #tpu.memory_space<hbm>> -> memref<10000x16xf32, #tpu.memory_space<hbm>>
        tpu.enqueue_indirect_dma source(%dma_start3A_554 : memref<10000x16xf32, #tpu.memory_space<hbm>>) target(%dma_start3A_546 : memref<128x16xf32, #tpu.memory_space<vmem>>) offsets(%dma_start3A_551 : memref<128xi32, #tpu.memory_space<vmem>>) semaphore(%arg18 : memref<!tpu.dma_semaphore, #tpu.memory_space<semaphore_mem>>)
        %dma_start3A_555 = arith.constant 1 : i32
        %dma_start3A_556 = arith.constant 1 : i32
        %dma_start3A_557 = arith.constant 0 : i32
        %dma_start3A_558 = arith.constant 0 : i32
        %dma_start3A_559 = tpu.memref_slice %arg11[%dma_start3A_556, %dma_start3A_557, %dma_start3A_558] : memref<2x512x16xf32, #tpu.memory_space<vmem>> -> memref<1x512x16xf32, #tpu.memory_space<vmem>>
        %dma_start3A_560 = tpu.memref_squeeze %dma_start3A_559 : memref<1x512x16xf32, #tpu.memory_space<vmem>> -> memref<512x16xf32, #tpu.memory_space<vmem>>
        %dma_start3A_561 = arith.constant 256 : i32
        %dma_start3A_562 = arith.constant 0 : i32
        %dma_start3A_563 = tpu.memref_slice %dma_start3A_560[%dma_start3A_561, %dma_start3A_562] : memref<512x16xf32, #tpu.memory_space<vmem>> -> memref<128x16xf32, #tpu.memory_space<vmem>>
        %dma_start3A_564 = arith.constant 0 : i32
        %dma_start3A_565 = tpu.memref_slice %arg9[%dma_start3A_555, %dma_start3A_564] : memref<2x512xi32, #tpu.memory_space<vmem>> -> memref<1x512xi32, #tpu.memory_space<vmem>>
        %dma_start3A_566 = tpu.memref_squeeze %dma_start3A_565 : memref<1x512xi32, #tpu.memory_space<vmem>> -> memref<512xi32, #tpu.memory_space<vmem>>
        %dma_start3A_567 = arith.constant 256 : i32
        %dma_start3A_568 = tpu.memref_slice %dma_start3A_566[%dma_start3A_567] : memref<512xi32, #tpu.memory_space<vmem>> -> memref<128xi32, #tpu.memory_space<vmem>>
        %dma_start3A_569 = arith.constant 0 : i32
        %dma_start3A_570 = arith.constant 0 : i32
        %dma_start3A_571 = tpu.memref_slice %arg3[%dma_start3A_569, %dma_start3A_570] : memref<10000x16xf32, #tpu.memory_space<hbm>> -> memref<10000x16xf32, #tpu.memory_space<hbm>>
        tpu.enqueue_indirect_dma source(%dma_start3A_571 : memref<10000x16xf32, #tpu.memory_space<hbm>>) target(%dma_start3A_563 : memref<128x16xf32, #tpu.memory_space<vmem>>) offsets(%dma_start3A_568 : memref<128xi32, #tpu.memory_space<vmem>>) semaphore(%arg19 : memref<!tpu.dma_semaphore, #tpu.memory_space<semaphore_mem>>)
        %dma_start3A_572 = arith.constant 1 : i32
        %dma_start3A_573 = arith.constant 1 : i32
        %dma_start3A_574 = arith.constant 0 : i32
        %dma_start3A_575 = arith.constant 0 : i32
        %dma_start3A_576 = tpu.memref_slice %arg10[%dma_start3A_573, %dma_start3A_574, %dma_start3A_575] : memref<2x512x16xf32, #tpu.memory_space<vmem>> -> memref<1x512x16xf32, #tpu.memory_space<vmem>>
        %dma_start3A_577 = tpu.memref_squeeze %dma_start3A_576 : memref<1x512x16xf32, #tpu.memory_space<vmem>> -> memref<512x16xf32, #tpu.memory_space<vmem>>
        %dma_start3A_578 = arith.constant 384 : i32
        %dma_start3A_579 = arith.constant 0 : i32
        %dma_start3A_580 = tpu.memref_slice %dma_start3A_577[%dma_start3A_578, %dma_start3A_579] : memref<512x16xf32, #tpu.memory_space<vmem>> -> memref<128x16xf32, #tpu.memory_space<vmem>>
        %dma_start3A_581 = arith.constant 0 : i32
        %dma_start3A_582 = tpu.memref_slice %arg8[%dma_start3A_572, %dma_start3A_581] : memref<2x512xi32, #tpu.memory_space<vmem>> -> memref<1x512xi32, #tpu.memory_space<vmem>>
        %dma_start3A_583 = tpu.memref_squeeze %dma_start3A_582 : memref<1x512xi32, #tpu.memory_space<vmem>> -> memref<512xi32, #tpu.memory_space<vmem>>
        %dma_start3A_584 = arith.constant 384 : i32
        %dma_start3A_585 = tpu.memref_slice %dma_start3A_583[%dma_start3A_584] : memref<512xi32, #tpu.memory_space<vmem>> -> memref<128xi32, #tpu.memory_space<vmem>>
        %dma_start3A_586 = arith.constant 0 : i32
        %dma_start3A_587 = arith.constant 0 : i32
        %dma_start3A_588 = tpu.memref_slice %arg2[%dma_start3A_586, %dma_start3A_587] : memref<10000x16xf32, #tpu.memory_space<hbm>> -> memref<10000x16xf32, #tpu.memory_space<hbm>>
        tpu.enqueue_indirect_dma source(%dma_start3A_588 : memref<10000x16xf32, #tpu.memory_space<hbm>>) target(%dma_start3A_580 : memref<128x16xf32, #tpu.memory_space<vmem>>) offsets(%dma_start3A_585 : memref<128xi32, #tpu.memory_space<vmem>>) semaphore(%arg18 : memref<!tpu.dma_semaphore, #tpu.memory_space<semaphore_mem>>)
        %dma_start3A_589 = arith.constant 1 : i32
        %dma_start3A_590 = arith.constant 1 : i32
        %dma_start3A_591 = arith.constant 0 : i32
        %dma_start3A_592 = arith.constant 0 : i32
        %dma_start3A_593 = tpu.memref_slice %arg11[%dma_start3A_590, %dma_start3A_591, %dma_start3A_592] : memref<2x512x16xf32, #tpu.memory_space<vmem>> -> memref<1x512x16xf32, #tpu.memory_space<vmem>>
        %dma_start3A_594 = tpu.memref_squeeze %dma_start3A_593 : memref<1x512x16xf32, #tpu.memory_space<vmem>> -> memref<512x16xf32, #tpu.memory_space<vmem>>
        %dma_start3A_595 = arith.constant 384 : i32
        %dma_start3A_596 = arith.constant 0 : i32
        %dma_start3A_597 = tpu.memref_slice %dma_start3A_594[%dma_start3A_595, %dma_start3A_596] : memref<512x16xf32, #tpu.memory_space<vmem>> -> memref<128x16xf32, #tpu.memory_space<vmem>>
        %dma_start3A_598 = arith.constant 0 : i32
        %dma_start3A_599 = tpu.memref_slice %arg9[%dma_start3A_589, %dma_start3A_598] : memref<2x512xi32, #tpu.memory_space<vmem>> -> memref<1x512xi32, #tpu.memory_space<vmem>>
        %dma_start3A_600 = tpu.memref_squeeze %dma_start3A_599 : memref<1x512xi32, #tpu.memory_space<vmem>> -> memref<512xi32, #tpu.memory_space<vmem>>
        %dma_start3A_601 = arith.constant 384 : i32
        %dma_start3A_602 = tpu.memref_slice %dma_start3A_600[%dma_start3A_601] : memref<512xi32, #tpu.memory_space<vmem>> -> memref<128xi32, #tpu.memory_space<vmem>>
        %dma_start3A_603 = arith.constant 0 : i32
        %dma_start3A_604 = arith.constant 0 : i32
        %dma_start3A_605 = tpu.memref_slice %arg3[%dma_start3A_603, %dma_start3A_604] : memref<10000x16xf32, #tpu.memory_space<hbm>> -> memref<10000x16xf32, #tpu.memory_space<hbm>>
        tpu.enqueue_indirect_dma source(%dma_start3A_605 : memref<10000x16xf32, #tpu.memory_space<hbm>>) target(%dma_start3A_597 : memref<128x16xf32, #tpu.memory_space<vmem>>) offsets(%dma_start3A_602 : memref<128xi32, #tpu.memory_space<vmem>>) semaphore(%arg19 : memref<!tpu.dma_semaphore, #tpu.memory_space<semaphore_mem>>)
        %dma_start3A_606 = arith.constant 0 : i32
        %dma_start3A_607 = arith.constant 1 : i32
        %dma_start3A_608 = arith.constant 0 : i32
        %dma_start3A_609 = arith.constant 0 : i32
        %dma_start3A_610 = arith.constant 0 : i32
        %dma_start3A_611 = tpu.memref_slice %arg12[%dma_start3A_607, %dma_start3A_608, %dma_start3A_609, %dma_start3A_610] : memref<2x4x16x128xf32, #tpu.memory_space<vmem>> -> memref<1x4x16x128xf32, #tpu.memory_space<vmem>>
        %dma_start3A_612 = tpu.memref_squeeze %dma_start3A_611 : memref<1x4x16x128xf32, #tpu.memory_space<vmem>> -> memref<4x16x128xf32, #tpu.memory_space<vmem>>
        %dma_start3A_613 = arith.constant 0 : i32
        %dma_start3A_614 = arith.constant 0 : i32
        %dma_start3A_615 = arith.constant 0 : i32
        %dma_start3A_616 = tpu.memref_slice %dma_start3A_612[%dma_start3A_613, %dma_start3A_614, %dma_start3A_615] : memref<4x16x128xf32, #tpu.memory_space<vmem>> -> memref<4x8x128xf32, #tpu.memory_space<vmem>>
        %dma_start3A_617 = arith.constant 0 : i32
        %dma_start3A_618 = arith.constant 0 : i32
        %dma_start3A_619 = tpu.memref_slice %arg6[%dma_start3A_606, %multiple_of3A_467, %dma_start3A_617, %dma_start3A_618] : memref<2x2500x8x128xf32, #tpu.memory_space<hbm>> -> memref<1x4x8x128xf32, #tpu.memory_space<hbm>>
        %dma_start3A_620 = tpu.memref_squeeze %dma_start3A_619 : memref<1x4x8x128xf32, #tpu.memory_space<hbm>> -> memref<4x8x128xf32, #tpu.memory_space<hbm>>
        %dma_start3A_621 = arith.constant 0 : i32
        %dma_start3A_622 = arith.constant 0 : i32
        %dma_start3A_623 = arith.constant 0 : i32
        %dma_start3A_624 = tpu.memref_slice %arg12[%dma_start3A_607, %dma_start3A_621, %dma_start3A_622, %dma_start3A_623] : memref<2x4x16x128xf32, #tpu.memory_space<vmem>> -> memref<1x4x16x128xf32, #tpu.memory_space<vmem>>
        %dma_start3A_625 = tpu.memref_squeeze %dma_start3A_624 : memref<1x4x16x128xf32, #tpu.memory_space<vmem>> -> memref<4x16x128xf32, #tpu.memory_space<vmem>>
        %dma_start3A_626 = arith.constant 0 : i32
        %dma_start3A_627 = arith.constant 0 : i32
        %dma_start3A_628 = arith.constant 0 : i32
        %dma_start3A_629 = tpu.memref_slice %dma_start3A_625[%dma_start3A_626, %dma_start3A_627, %dma_start3A_628] : memref<4x16x128xf32, #tpu.memory_space<vmem>> -> memref<4x8x128xf32, #tpu.memory_space<vmem>>
        %dma_start3A_630 = arith.constant 0 : i32
        %dma_start3A_631 = arith.constant 0 : i32
        %dma_start3A_632 = tpu.memref_slice %arg6[%dma_start3A_606, %multiple_of3A_467, %dma_start3A_630, %dma_start3A_631] : memref<2x2500x8x128xf32, #tpu.memory_space<hbm>> -> memref<1x4x8x128xf32, #tpu.memory_space<hbm>>
        %dma_start3A_633 = tpu.memref_squeeze %dma_start3A_632 : memref<1x4x8x128xf32, #tpu.memory_space<hbm>> -> memref<4x8x128xf32, #tpu.memory_space<hbm>>
        tpu.enqueue_dma source(%dma_start3A_633 : memref<4x8x128xf32, #tpu.memory_space<hbm>>) target(%dma_start3A_629 : memref<4x8x128xf32, #tpu.memory_space<vmem>>) target_semaphore(%arg20 : memref<!tpu.dma_semaphore, #tpu.memory_space<semaphore_mem>>)
        %dma_start3A_634 = arith.constant 1 : i32
        %dma_start3A_635 = arith.constant 1 : i32
        %dma_start3A_636 = arith.constant 0 : i32
        %dma_start3A_637 = arith.constant 0 : i32
        %dma_start3A_638 = arith.constant 0 : i32
        %dma_start3A_639 = tpu.memref_slice %arg12[%dma_start3A_635, %dma_start3A_636, %dma_start3A_637, %dma_start3A_638] : memref<2x4x16x128xf32, #tpu.memory_space<vmem>> -> memref<1x4x16x128xf32, #tpu.memory_space<vmem>>
        %dma_start3A_640 = tpu.memref_squeeze %dma_start3A_639 : memref<1x4x16x128xf32, #tpu.memory_space<vmem>> -> memref<4x16x128xf32, #tpu.memory_space<vmem>>
        %dma_start3A_641 = arith.constant 0 : i32
        %dma_start3A_642 = arith.constant 8 : i32
        %dma_start3A_643 = arith.constant 0 : i32
        %dma_start3A_644 = tpu.memref_slice %dma_start3A_640[%dma_start3A_641, %dma_start3A_642, %dma_start3A_643] : memref<4x16x128xf32, #tpu.memory_space<vmem>> -> memref<4x8x128xf32, #tpu.memory_space<vmem>>
        %dma_start3A_645 = arith.constant 0 : i32
        %dma_start3A_646 = arith.constant 0 : i32
        %dma_start3A_647 = tpu.memref_slice %arg6[%dma_start3A_634, %multiple_of3A_467, %dma_start3A_645, %dma_start3A_646] : memref<2x2500x8x128xf32, #tpu.memory_space<hbm>> -> memref<1x4x8x128xf32, #tpu.memory_space<hbm>>
        %dma_start3A_648 = tpu.memref_squeeze %dma_start3A_647 : memref<1x4x8x128xf32, #tpu.memory_space<hbm>> -> memref<4x8x128xf32, #tpu.memory_space<hbm>>
        %dma_start3A_649 = arith.constant 0 : i32
        %dma_start3A_650 = arith.constant 0 : i32
        %dma_start3A_651 = arith.constant 0 : i32
        %dma_start3A_652 = tpu.memref_slice %arg12[%dma_start3A_635, %dma_start3A_649, %dma_start3A_650, %dma_start3A_651] : memref<2x4x16x128xf32, #tpu.memory_space<vmem>> -> memref<1x4x16x128xf32, #tpu.memory_space<vmem>>
        %dma_start3A_653 = tpu.memref_squeeze %dma_start3A_652 : memref<1x4x16x128xf32, #tpu.memory_space<vmem>> -> memref<4x16x128xf32, #tpu.memory_space<vmem>>
        %dma_start3A_654 = arith.constant 0 : i32
        %dma_start3A_655 = arith.constant 8 : i32
        %dma_start3A_656 = arith.constant 0 : i32
        %dma_start3A_657 = tpu.memref_slice %dma_start3A_653[%dma_start3A_654, %dma_start3A_655, %dma_start3A_656] : memref<4x16x128xf32, #tpu.memory_space<vmem>> -> memref<4x8x128xf32, #tpu.memory_space<vmem>>
        %dma_start3A_658 = arith.constant 0 : i32
        %dma_start3A_659 = arith.constant 0 : i32
        %dma_start3A_660 = tpu.memref_slice %arg6[%dma_start3A_634, %multiple_of3A_467, %dma_start3A_658, %dma_start3A_659] : memref<2x2500x8x128xf32, #tpu.memory_space<hbm>> -> memref<1x4x8x128xf32, #tpu.memory_space<hbm>>
        %dma_start3A_661 = tpu.memref_squeeze %dma_start3A_660 : memref<1x4x8x128xf32, #tpu.memory_space<hbm>> -> memref<4x8x128xf32, #tpu.memory_space<hbm>>
        tpu.enqueue_dma source(%dma_start3A_661 : memref<4x8x128xf32, #tpu.memory_space<hbm>>) target(%dma_start3A_657 : memref<4x8x128xf32, #tpu.memory_space<vmem>>) target_semaphore(%arg20 : memref<!tpu.dma_semaphore, #tpu.memory_space<semaphore_mem>>)
      } else {
      }
      %mul3A_245 = arith.constant 4 : i32
      %mul3A_246 = arith.muli %add3A_240, %mul3A_245 : i32
      %multiple_of3A_247 = tpu.assume_multiple %mul3A_246, 4 : i32
      %dma_wait3A = arith.constant 0 : i32
      %dma_wait3A_248 = arith.constant 0 : i32
      %dma_wait3A_249 = arith.constant 0 : i32
      %dma_wait3A_250 = arith.constant 0 : i32
      %dma_wait3A_251 = tpu.memref_slice %arg10[%dma_wait3A_248, %dma_wait3A_249, %dma_wait3A_250] : memref<2x512x16xf32, #tpu.memory_space<vmem>> -> memref<1x512x16xf32, #tpu.memory_space<vmem>>
      %dma_wait3A_252 = tpu.memref_squeeze %dma_wait3A_251 : memref<1x512x16xf32, #tpu.memory_space<vmem>> -> memref<512x16xf32, #tpu.memory_space<vmem>>
      %dma_wait3A_253 = arith.constant 0 : i32
      %dma_wait3A_254 = arith.constant 0 : i32
      %dma_wait3A_255 = tpu.memref_slice %dma_wait3A_252[%dma_wait3A_253, %dma_wait3A_254] : memref<512x16xf32, #tpu.memory_space<vmem>> -> memref<128x16xf32, #tpu.memory_space<vmem>>
      %dma_wait3A_256 = arith.constant 0 : i32
      %dma_wait3A_257 = tpu.memref_slice %arg8[%dma_wait3A, %dma_wait3A_256] : memref<2x512xi32, #tpu.memory_space<vmem>> -> memref<1x512xi32, #tpu.memory_space<vmem>>
      %dma_wait3A_258 = tpu.memref_squeeze %dma_wait3A_257 : memref<1x512xi32, #tpu.memory_space<vmem>> -> memref<512xi32, #tpu.memory_space<vmem>>
      %dma_wait3A_259 = arith.constant 0 : i32
      %dma_wait3A_260 = tpu.memref_slice %dma_wait3A_258[%dma_wait3A_259] : memref<512xi32, #tpu.memory_space<vmem>> -> memref<128xi32, #tpu.memory_space<vmem>>
      %dma_wait3A_261 = arith.constant 0 : i32
      %dma_wait3A_262 = arith.constant 0 : i32
      %dma_wait3A_263 = tpu.memref_slice %arg2[%dma_wait3A_261, %dma_wait3A_262] : memref<10000x16xf32, #tpu.memory_space<hbm>> -> memref<10000x16xf32, #tpu.memory_space<hbm>>
      tpu.wait_indirect_dma semaphore(%arg15 : memref<!tpu.dma_semaphore, #tpu.memory_space<semaphore_mem>>) src(%dma_wait3A_263 : memref<10000x16xf32, #tpu.memory_space<hbm>>) dst(%dma_wait3A_255 : memref<128x16xf32, #tpu.memory_space<vmem>>)
      %dma_wait3A_264 = arith.constant 0 : i32
      %dma_wait3A_265 = arith.constant 0 : i32
      %dma_wait3A_266 = arith.constant 0 : i32
      %dma_wait3A_267 = arith.constant 0 : i32
      %dma_wait3A_268 = tpu.memref_slice %arg11[%dma_wait3A_265, %dma_wait3A_266, %dma_wait3A_267] : memref<2x512x16xf32, #tpu.memory_space<vmem>> -> memref<1x512x16xf32, #tpu.memory_space<vmem>>
      %dma_wait3A_269 = tpu.memref_squeeze %dma_wait3A_268 : memref<1x512x16xf32, #tpu.memory_space<vmem>> -> memref<512x16xf32, #tpu.memory_space<vmem>>
      %dma_wait3A_270 = arith.constant 0 : i32
      %dma_wait3A_271 = arith.constant 0 : i32
      %dma_wait3A_272 = tpu.memref_slice %dma_wait3A_269[%dma_wait3A_270, %dma_wait3A_271] : memref<512x16xf32, #tpu.memory_space<vmem>> -> memref<128x16xf32, #tpu.memory_space<vmem>>
      %dma_wait3A_273 = arith.constant 0 : i32
      %dma_wait3A_274 = tpu.memref_slice %arg9[%dma_wait3A_264, %dma_wait3A_273] : memref<2x512xi32, #tpu.memory_space<vmem>> -> memref<1x512xi32, #tpu.memory_space<vmem>>
      %dma_wait3A_275 = tpu.memref_squeeze %dma_wait3A_274 : memref<1x512xi32, #tpu.memory_space<vmem>> -> memref<512xi32, #tpu.memory_space<vmem>>
      %dma_wait3A_276 = arith.constant 0 : i32
      %dma_wait3A_277 = tpu.memref_slice %dma_wait3A_275[%dma_wait3A_276] : memref<512xi32, #tpu.memory_space<vmem>> -> memref<128xi32, #tpu.memory_space<vmem>>
      %dma_wait3A_278 = arith.constant 0 : i32
      %dma_wait3A_279 = arith.constant 0 : i32
      %dma_wait3A_280 = tpu.memref_slice %arg3[%dma_wait3A_278, %dma_wait3A_279] : memref<10000x16xf32, #tpu.memory_space<hbm>> -> memref<10000x16xf32, #tpu.memory_space<hbm>>
      tpu.wait_indirect_dma semaphore(%arg16 : memref<!tpu.dma_semaphore, #tpu.memory_space<semaphore_mem>>) src(%dma_wait3A_280 : memref<10000x16xf32, #tpu.memory_space<hbm>>) dst(%dma_wait3A_272 : memref<128x16xf32, #tpu.memory_space<vmem>>)
      %dma_wait3A_281 = arith.constant 0 : i32
      %dma_wait3A_282 = arith.constant 0 : i32
      %dma_wait3A_283 = arith.constant 0 : i32
      %dma_wait3A_284 = arith.constant 0 : i32
      %dma_wait3A_285 = tpu.memref_slice %arg10[%dma_wait3A_282, %dma_wait3A_283, %dma_wait3A_284] : memref<2x512x16xf32, #tpu.memory_space<vmem>> -> memref<1x512x16xf32, #tpu.memory_space<vmem>>
      %dma_wait3A_286 = tpu.memref_squeeze %dma_wait3A_285 : memref<1x512x16xf32, #tpu.memory_space<vmem>> -> memref<512x16xf32, #tpu.memory_space<vmem>>
      %dma_wait3A_287 = arith.constant 128 : i32
      %dma_wait3A_288 = arith.constant 0 : i32
      %dma_wait3A_289 = tpu.memref_slice %dma_wait3A_286[%dma_wait3A_287, %dma_wait3A_288] : memref<512x16xf32, #tpu.memory_space<vmem>> -> memref<128x16xf32, #tpu.memory_space<vmem>>
      %dma_wait3A_290 = arith.constant 0 : i32
      %dma_wait3A_291 = tpu.memref_slice %arg8[%dma_wait3A_281, %dma_wait3A_290] : memref<2x512xi32, #tpu.memory_space<vmem>> -> memref<1x512xi32, #tpu.memory_space<vmem>>
      %dma_wait3A_292 = tpu.memref_squeeze %dma_wait3A_291 : memref<1x512xi32, #tpu.memory_space<vmem>> -> memref<512xi32, #tpu.memory_space<vmem>>
      %dma_wait3A_293 = arith.constant 128 : i32
      %dma_wait3A_294 = tpu.memref_slice %dma_wait3A_292[%dma_wait3A_293] : memref<512xi32, #tpu.memory_space<vmem>> -> memref<128xi32, #tpu.memory_space<vmem>>
      %dma_wait3A_295 = arith.constant 0 : i32
      %dma_wait3A_296 = arith.constant 0 : i32
      %dma_wait3A_297 = tpu.memref_slice %arg2[%dma_wait3A_295, %dma_wait3A_296] : memref<10000x16xf32, #tpu.memory_space<hbm>> -> memref<10000x16xf32, #tpu.memory_space<hbm>>
      tpu.wait_indirect_dma semaphore(%arg15 : memref<!tpu.dma_semaphore, #tpu.memory_space<semaphore_mem>>) src(%dma_wait3A_297 : memref<10000x16xf32, #tpu.memory_space<hbm>>) dst(%dma_wait3A_289 : memref<128x16xf32, #tpu.memory_space<vmem>>)
      %dma_wait3A_298 = arith.constant 0 : i32
      %dma_wait3A_299 = arith.constant 0 : i32
      %dma_wait3A_300 = arith.constant 0 : i32
      %dma_wait3A_301 = arith.constant 0 : i32
      %dma_wait3A_302 = tpu.memref_slice %arg11[%dma_wait3A_299, %dma_wait3A_300, %dma_wait3A_301] : memref<2x512x16xf32, #tpu.memory_space<vmem>> -> memref<1x512x16xf32, #tpu.memory_space<vmem>>
      %dma_wait3A_303 = tpu.memref_squeeze %dma_wait3A_302 : memref<1x512x16xf32, #tpu.memory_space<vmem>> -> memref<512x16xf32, #tpu.memory_space<vmem>>
      %dma_wait3A_304 = arith.constant 128 : i32
      %dma_wait3A_305 = arith.constant 0 : i32
      %dma_wait3A_306 = tpu.memref_slice %dma_wait3A_303[%dma_wait3A_304, %dma_wait3A_305] : memref<512x16xf32, #tpu.memory_space<vmem>> -> memref<128x16xf32, #tpu.memory_space<vmem>>
      %dma_wait3A_307 = arith.constant 0 : i32
      %dma_wait3A_308 = tpu.memref_slice %arg9[%dma_wait3A_298, %dma_wait3A_307] : memref<2x512xi32, #tpu.memory_space<vmem>> -> memref<1x512xi32, #tpu.memory_space<vmem>>
      %dma_wait3A_309 = tpu.memref_squeeze %dma_wait3A_308 : memref<1x512xi32, #tpu.memory_space<vmem>> -> memref<512xi32, #tpu.memory_space<vmem>>
      %dma_wait3A_310 = arith.constant 128 : i32
      %dma_wait3A_311 = tpu.memref_slice %dma_wait3A_309[%dma_wait3A_310] : memref<512xi32, #tpu.memory_space<vmem>> -> memref<128xi32, #tpu.memory_space<vmem>>
      %dma_wait3A_312 = arith.constant 0 : i32
      %dma_wait3A_313 = arith.constant 0 : i32
      %dma_wait3A_314 = tpu.memref_slice %arg3[%dma_wait3A_312, %dma_wait3A_313] : memref<10000x16xf32, #tpu.memory_space<hbm>> -> memref<10000x16xf32, #tpu.memory_space<hbm>>
      tpu.wait_indirect_dma semaphore(%arg16 : memref<!tpu.dma_semaphore, #tpu.memory_space<semaphore_mem>>) src(%dma_wait3A_314 : memref<10000x16xf32, #tpu.memory_space<hbm>>) dst(%dma_wait3A_306 : memref<128x16xf32, #tpu.memory_space<vmem>>)
      %dma_wait3A_315 = arith.constant 0 : i32
      %dma_wait3A_316 = arith.constant 0 : i32
      %dma_wait3A_317 = arith.constant 0 : i32
      %dma_wait3A_318 = arith.constant 0 : i32
      %dma_wait3A_319 = tpu.memref_slice %arg10[%dma_wait3A_316, %dma_wait3A_317, %dma_wait3A_318] : memref<2x512x16xf32, #tpu.memory_space<vmem>> -> memref<1x512x16xf32, #tpu.memory_space<vmem>>
      %dma_wait3A_320 = tpu.memref_squeeze %dma_wait3A_319 : memref<1x512x16xf32, #tpu.memory_space<vmem>> -> memref<512x16xf32, #tpu.memory_space<vmem>>
      %dma_wait3A_321 = arith.constant 256 : i32
      %dma_wait3A_322 = arith.constant 0 : i32
      %dma_wait3A_323 = tpu.memref_slice %dma_wait3A_320[%dma_wait3A_321, %dma_wait3A_322] : memref<512x16xf32, #tpu.memory_space<vmem>> -> memref<128x16xf32, #tpu.memory_space<vmem>>
      %dma_wait3A_324 = arith.constant 0 : i32
      %dma_wait3A_325 = tpu.memref_slice %arg8[%dma_wait3A_315, %dma_wait3A_324] : memref<2x512xi32, #tpu.memory_space<vmem>> -> memref<1x512xi32, #tpu.memory_space<vmem>>
      %dma_wait3A_326 = tpu.memref_squeeze %dma_wait3A_325 : memref<1x512xi32, #tpu.memory_space<vmem>> -> memref<512xi32, #tpu.memory_space<vmem>>
      %dma_wait3A_327 = arith.constant 256 : i32
      %dma_wait3A_328 = tpu.memref_slice %dma_wait3A_326[%dma_wait3A_327] : memref<512xi32, #tpu.memory_space<vmem>> -> memref<128xi32, #tpu.memory_space<vmem>>
      %dma_wait3A_329 = arith.constant 0 : i32
      %dma_wait3A_330 = arith.constant 0 : i32
      %dma_wait3A_331 = tpu.memref_slice %arg2[%dma_wait3A_329, %dma_wait3A_330] : memref<10000x16xf32, #tpu.memory_space<hbm>> -> memref<10000x16xf32, #tpu.memory_space<hbm>>
      tpu.wait_indirect_dma semaphore(%arg15 : memref<!tpu.dma_semaphore, #tpu.memory_space<semaphore_mem>>) src(%dma_wait3A_331 : memref<10000x16xf32, #tpu.memory_space<hbm>>) dst(%dma_wait3A_323 : memref<128x16xf32, #tpu.memory_space<vmem>>)
      %dma_wait3A_332 = arith.constant 0 : i32
      %dma_wait3A_333 = arith.constant 0 : i32
      %dma_wait3A_334 = arith.constant 0 : i32
      %dma_wait3A_335 = arith.constant 0 : i32
      %dma_wait3A_336 = tpu.memref_slice %arg11[%dma_wait3A_333, %dma_wait3A_334, %dma_wait3A_335] : memref<2x512x16xf32, #tpu.memory_space<vmem>> -> memref<1x512x16xf32, #tpu.memory_space<vmem>>
      %dma_wait3A_337 = tpu.memref_squeeze %dma_wait3A_336 : memref<1x512x16xf32, #tpu.memory_space<vmem>> -> memref<512x16xf32, #tpu.memory_space<vmem>>
      %dma_wait3A_338 = arith.constant 256 : i32
      %dma_wait3A_339 = arith.constant 0 : i32
      %dma_wait3A_340 = tpu.memref_slice %dma_wait3A_337[%dma_wait3A_338, %dma_wait3A_339] : memref<512x16xf32, #tpu.memory_space<vmem>> -> memref<128x16xf32, #tpu.memory_space<vmem>>
      %dma_wait3A_341 = arith.constant 0 : i32
      %dma_wait3A_342 = tpu.memref_slice %arg9[%dma_wait3A_332, %dma_wait3A_341] : memref<2x512xi32, #tpu.memory_space<vmem>> -> memref<1x512xi32, #tpu.memory_space<vmem>>
      %dma_wait3A_343 = tpu.memref_squeeze %dma_wait3A_342 : memref<1x512xi32, #tpu.memory_space<vmem>> -> memref<512xi32, #tpu.memory_space<vmem>>
      %dma_wait3A_344 = arith.constant 256 : i32
      %dma_wait3A_345 = tpu.memref_slice %dma_wait3A_343[%dma_wait3A_344] : memref<512xi32, #tpu.memory_space<vmem>> -> memref<128xi32, #tpu.memory_space<vmem>>
      %dma_wait3A_346 = arith.constant 0 : i32
      %dma_wait3A_347 = arith.constant 0 : i32
      %dma_wait3A_348 = tpu.memref_slice %arg3[%dma_wait3A_346, %dma_wait3A_347] : memref<10000x16xf32, #tpu.memory_space<hbm>> -> memref<10000x16xf32, #tpu.memory_space<hbm>>
      tpu.wait_indirect_dma semaphore(%arg16 : memref<!tpu.dma_semaphore, #tpu.memory_space<semaphore_mem>>) src(%dma_wait3A_348 : memref<10000x16xf32, #tpu.memory_space<hbm>>) dst(%dma_wait3A_340 : memref<128x16xf32, #tpu.memory_space<vmem>>)
      %dma_wait3A_349 = arith.constant 0 : i32
      %dma_wait3A_350 = arith.constant 0 : i32
      %dma_wait3A_351 = arith.constant 0 : i32
      %dma_wait3A_352 = arith.constant 0 : i32
      %dma_wait3A_353 = tpu.memref_slice %arg10[%dma_wait3A_350, %dma_wait3A_351, %dma_wait3A_352] : memref<2x512x16xf32, #tpu.memory_space<vmem>> -> memref<1x512x16xf32, #tpu.memory_space<vmem>>
      %dma_wait3A_354 = tpu.memref_squeeze %dma_wait3A_353 : memref<1x512x16xf32, #tpu.memory_space<vmem>> -> memref<512x16xf32, #tpu.memory_space<vmem>>
      %dma_wait3A_355 = arith.constant 384 : i32
      %dma_wait3A_356 = arith.constant 0 : i32
      %dma_wait3A_357 = tpu.memref_slice %dma_wait3A_354[%dma_wait3A_355, %dma_wait3A_356] : memref<512x16xf32, #tpu.memory_space<vmem>> -> memref<128x16xf32, #tpu.memory_space<vmem>>
      %dma_wait3A_358 = arith.constant 0 : i32
      %dma_wait3A_359 = tpu.memref_slice %arg8[%dma_wait3A_349, %dma_wait3A_358] : memref<2x512xi32, #tpu.memory_space<vmem>> -> memref<1x512xi32, #tpu.memory_space<vmem>>
      %dma_wait3A_360 = tpu.memref_squeeze %dma_wait3A_359 : memref<1x512xi32, #tpu.memory_space<vmem>> -> memref<512xi32, #tpu.memory_space<vmem>>
      %dma_wait3A_361 = arith.constant 384 : i32
      %dma_wait3A_362 = tpu.memref_slice %dma_wait3A_360[%dma_wait3A_361] : memref<512xi32, #tpu.memory_space<vmem>> -> memref<128xi32, #tpu.memory_space<vmem>>
      %dma_wait3A_363 = arith.constant 0 : i32
      %dma_wait3A_364 = arith.constant 0 : i32
      %dma_wait3A_365 = tpu.memref_slice %arg2[%dma_wait3A_363, %dma_wait3A_364] : memref<10000x16xf32, #tpu.memory_space<hbm>> -> memref<10000x16xf32, #tpu.memory_space<hbm>>
      tpu.wait_indirect_dma semaphore(%arg15 : memref<!tpu.dma_semaphore, #tpu.memory_space<semaphore_mem>>) src(%dma_wait3A_365 : memref<10000x16xf32, #tpu.memory_space<hbm>>) dst(%dma_wait3A_357 : memref<128x16xf32, #tpu.memory_space<vmem>>)
      %dma_wait3A_366 = arith.constant 0 : i32
      %dma_wait3A_367 = arith.constant 0 : i32
      %dma_wait3A_368 = arith.constant 0 : i32
      %dma_wait3A_369 = arith.constant 0 : i32
      %dma_wait3A_370 = tpu.memref_slice %arg11[%dma_wait3A_367, %dma_wait3A_368, %dma_wait3A_369] : memref<2x512x16xf32, #tpu.memory_space<vmem>> -> memref<1x512x16xf32, #tpu.memory_space<vmem>>
      %dma_wait3A_371 = tpu.memref_squeeze %dma_wait3A_370 : memref<1x512x16xf32, #tpu.memory_space<vmem>> -> memref<512x16xf32, #tpu.memory_space<vmem>>
      %dma_wait3A_372 = arith.constant 384 : i32
      %dma_wait3A_373 = arith.constant 0 : i32
      %dma_wait3A_374 = tpu.memref_slice %dma_wait3A_371[%dma_wait3A_372, %dma_wait3A_373] : memref<512x16xf32, #tpu.memory_space<vmem>> -> memref<128x16xf32, #tpu.memory_space<vmem>>
      %dma_wait3A_375 = arith.constant 0 : i32
      %dma_wait3A_376 = tpu.memref_slice %arg9[%dma_wait3A_366, %dma_wait3A_375] : memref<2x512xi32, #tpu.memory_space<vmem>> -> memref<1x512xi32, #tpu.memory_space<vmem>>
      %dma_wait3A_377 = tpu.memref_squeeze %dma_wait3A_376 : memref<1x512xi32, #tpu.memory_space<vmem>> -> memref<512xi32, #tpu.memory_space<vmem>>
      %dma_wait3A_378 = arith.constant 384 : i32
      %dma_wait3A_379 = tpu.memref_slice %dma_wait3A_377[%dma_wait3A_378] : memref<512xi32, #tpu.memory_space<vmem>> -> memref<128xi32, #tpu.memory_space<vmem>>
      %dma_wait3A_380 = arith.constant 0 : i32
      %dma_wait3A_381 = arith.constant 0 : i32
      %dma_wait3A_382 = tpu.memref_slice %arg3[%dma_wait3A_380, %dma_wait3A_381] : memref<10000x16xf32, #tpu.memory_space<hbm>> -> memref<10000x16xf32, #tpu.memory_space<hbm>>
      tpu.wait_indirect_dma semaphore(%arg16 : memref<!tpu.dma_semaphore, #tpu.memory_space<semaphore_mem>>) src(%dma_wait3A_382 : memref<10000x16xf32, #tpu.memory_space<hbm>>) dst(%dma_wait3A_374 : memref<128x16xf32, #tpu.memory_space<vmem>>)
      %dma_wait3A_383 = arith.constant 0 : i32
      %dma_wait3A_384 = arith.constant 0 : i32
      %dma_wait3A_385 = arith.constant 0 : i32
      %dma_wait3A_386 = arith.constant 0 : i32
      %dma_wait3A_387 = arith.constant 0 : i32
      %dma_wait3A_388 = tpu.memref_slice %arg12[%dma_wait3A_384, %dma_wait3A_385, %dma_wait3A_386, %dma_wait3A_387] : memref<2x4x16x128xf32, #tpu.memory_space<vmem>> -> memref<1x4x16x128xf32, #tpu.memory_space<vmem>>
      %dma_wait3A_389 = tpu.memref_squeeze %dma_wait3A_388 : memref<1x4x16x128xf32, #tpu.memory_space<vmem>> -> memref<4x16x128xf32, #tpu.memory_space<vmem>>
      %dma_wait3A_390 = arith.constant 0 : i32
      %dma_wait3A_391 = arith.constant 0 : i32
      %dma_wait3A_392 = arith.constant 0 : i32
      %dma_wait3A_393 = tpu.memref_slice %dma_wait3A_389[%dma_wait3A_390, %dma_wait3A_391, %dma_wait3A_392] : memref<4x16x128xf32, #tpu.memory_space<vmem>> -> memref<4x8x128xf32, #tpu.memory_space<vmem>>
      %dma_wait3A_394 = arith.constant 0 : i32
      %dma_wait3A_395 = arith.constant 0 : i32
      %dma_wait3A_396 = tpu.memref_slice %arg6[%dma_wait3A_383, %multiple_of3A_247, %dma_wait3A_394, %dma_wait3A_395] : memref<2x2500x8x128xf32, #tpu.memory_space<hbm>> -> memref<1x4x8x128xf32, #tpu.memory_space<hbm>>
      %dma_wait3A_397 = tpu.memref_squeeze %dma_wait3A_396 : memref<1x4x8x128xf32, #tpu.memory_space<hbm>> -> memref<4x8x128xf32, #tpu.memory_space<hbm>>
      %dma_wait3A_398 = arith.constant 0 : i32
      %dma_wait3A_399 = arith.constant 0 : i32
      %dma_wait3A_400 = arith.constant 0 : i32
      %dma_wait3A_401 = tpu.memref_slice %arg12[%dma_wait3A_384, %dma_wait3A_398, %dma_wait3A_399, %dma_wait3A_400] : memref<2x4x16x128xf32, #tpu.memory_space<vmem>> -> memref<1x4x16x128xf32, #tpu.memory_space<vmem>>
      %dma_wait3A_402 = tpu.memref_squeeze %dma_wait3A_401 : memref<1x4x16x128xf32, #tpu.memory_space<vmem>> -> memref<4x16x128xf32, #tpu.memory_space<vmem>>
      %dma_wait3A_403 = arith.constant 0 : i32
      %dma_wait3A_404 = arith.constant 0 : i32
      %dma_wait3A_405 = arith.constant 0 : i32
      %dma_wait3A_406 = tpu.memref_slice %dma_wait3A_402[%dma_wait3A_403, %dma_wait3A_404, %dma_wait3A_405] : memref<4x16x128xf32, #tpu.memory_space<vmem>> -> memref<4x8x128xf32, #tpu.memory_space<vmem>>
      %dma_wait3A_407 = arith.constant 0 : i32
      %dma_wait3A_408 = arith.constant 0 : i32
      %dma_wait3A_409 = tpu.memref_slice %arg6[%dma_wait3A_383, %multiple_of3A_247, %dma_wait3A_407, %dma_wait3A_408] : memref<2x2500x8x128xf32, #tpu.memory_space<hbm>> -> memref<1x4x8x128xf32, #tpu.memory_space<hbm>>
      %dma_wait3A_410 = tpu.memref_squeeze %dma_wait3A_409 : memref<1x4x8x128xf32, #tpu.memory_space<hbm>> -> memref<4x8x128xf32, #tpu.memory_space<hbm>>
      tpu.wait_dma2 semaphore(%arg17 : memref<!tpu.dma_semaphore, #tpu.memory_space<semaphore_mem>>) src(%dma_wait3A_410 : memref<4x8x128xf32, #tpu.memory_space<hbm>>) dst(%dma_wait3A_406 : memref<4x8x128xf32, #tpu.memory_space<vmem>>)
      %dma_wait3A_411 = arith.constant 1 : i32
      %dma_wait3A_412 = arith.constant 0 : i32
      %dma_wait3A_413 = arith.constant 0 : i32
      %dma_wait3A_414 = arith.constant 0 : i32
      %dma_wait3A_415 = arith.constant 0 : i32
      %dma_wait3A_416 = tpu.memref_slice %arg12[%dma_wait3A_412, %dma_wait3A_413, %dma_wait3A_414, %dma_wait3A_415] : memref<2x4x16x128xf32, #tpu.memory_space<vmem>> -> memref<1x4x16x128xf32, #tpu.memory_space<vmem>>
      %dma_wait3A_417 = tpu.memref_squeeze %dma_wait3A_416 : memref<1x4x16x128xf32, #tpu.memory_space<vmem>> -> memref<4x16x128xf32, #tpu.memory_space<vmem>>
      %dma_wait3A_418 = arith.constant 0 : i32
      %dma_wait3A_419 = arith.constant 8 : i32
      %dma_wait3A_420 = arith.constant 0 : i32
      %dma_wait3A_421 = tpu.memref_slice %dma_wait3A_417[%dma_wait3A_418, %dma_wait3A_419, %dma_wait3A_420] : memref<4x16x128xf32, #tpu.memory_space<vmem>> -> memref<4x8x128xf32, #tpu.memory_space<vmem>>
      %dma_wait3A_422 = arith.constant 0 : i32
      %dma_wait3A_423 = arith.constant 0 : i32
      %dma_wait3A_424 = tpu.memref_slice %arg6[%dma_wait3A_411, %multiple_of3A_247, %dma_wait3A_422, %dma_wait3A_423] : memref<2x2500x8x128xf32, #tpu.memory_space<hbm>> -> memref<1x4x8x128xf32, #tpu.memory_space<hbm>>
      %dma_wait3A_425 = tpu.memref_squeeze %dma_wait3A_424 : memref<1x4x8x128xf32, #tpu.memory_space<hbm>> -> memref<4x8x128xf32, #tpu.memory_space<hbm>>
      %dma_wait3A_426 = arith.constant 0 : i32
      %dma_wait3A_427 = arith.constant 0 : i32
      %dma_wait3A_428 = arith.constant 0 : i32
      %dma_wait3A_429 = tpu.memref_slice %arg12[%dma_wait3A_412, %dma_wait3A_426, %dma_wait3A_427, %dma_wait3A_428] : memref<2x4x16x128xf32, #tpu.memory_space<vmem>> -> memref<1x4x16x128xf32, #tpu.memory_space<vmem>>
      %dma_wait3A_430 = tpu.memref_squeeze %dma_wait3A_429 : memref<1x4x16x128xf32, #tpu.memory_space<vmem>> -> memref<4x16x128xf32, #tpu.memory_space<vmem>>
      %dma_wait3A_431 = arith.constant 0 : i32
      %dma_wait3A_432 = arith.constant 8 : i32
      %dma_wait3A_433 = arith.constant 0 : i32
      %dma_wait3A_434 = tpu.memref_slice %dma_wait3A_430[%dma_wait3A_431, %dma_wait3A_432, %dma_wait3A_433] : memref<4x16x128xf32, #tpu.memory_space<vmem>> -> memref<4x8x128xf32, #tpu.memory_space<vmem>>
      %dma_wait3A_435 = arith.constant 0 : i32
      %dma_wait3A_436 = arith.constant 0 : i32
      %dma_wait3A_437 = tpu.memref_slice %arg6[%dma_wait3A_411, %multiple_of3A_247, %dma_wait3A_435, %dma_wait3A_436] : memref<2x2500x8x128xf32, #tpu.memory_space<hbm>> -> memref<1x4x8x128xf32, #tpu.memory_space<hbm>>
      %dma_wait3A_438 = tpu.memref_squeeze %dma_wait3A_437 : memref<1x4x8x128xf32, #tpu.memory_space<hbm>> -> memref<4x8x128xf32, #tpu.memory_space<hbm>>
      tpu.wait_dma2 semaphore(%arg17 : memref<!tpu.dma_semaphore, #tpu.memory_space<semaphore_mem>>) src(%dma_wait3A_438 : memref<4x8x128xf32, #tpu.memory_space<hbm>>) dst(%dma_wait3A_434 : memref<4x8x128xf32, #tpu.memory_space<vmem>>)
      %parallel_loop3A = arith.constant 0 : i32
      %parallel_loop3A_439 = arith.constant 512 : i32
      %parallel_loop3A_440 = arith.constant 1 : i32
      %parallel_loop3A_441 = arith.constant 0 : i32
      %parallel_loop3A_442 = arith.constant 0 : i32
      scf.for %parallel_loop3A_462 = %parallel_loop3A to %parallel_loop3A_439 step %parallel_loop3A_440  : i32 {
        %parallel_loop3A_463 = arith.constant 0 : i32
        %parallel_loop3A_464 = arith.constant 0 : i32
        %parallel_loop3A_465 = tpu.memref_slice %arg10[%parallel_loop3A_441, %parallel_loop3A_463, %parallel_loop3A_464] : memref<2x512x16xf32, #tpu.memory_space<vmem>> -> memref<1x512x16xf32, #tpu.memory_space<vmem>>
        %parallel_loop3A_466 = tpu.memref_squeeze %parallel_loop3A_465 : memref<1x512x16xf32, #tpu.memory_space<vmem>> -> memref<512x16xf32, #tpu.memory_space<vmem>>
        %parallel_loop3A_467 = arith.index_cast %parallel_loop3A_462 : i32 to index
        %parallel_loop3A_468 = arith.constant 0 : index
        %parallel_loop3A_469 = tpu.vector_load %parallel_loop3A_466[%parallel_loop3A_467, %parallel_loop3A_468] {strides = array<i32>} : memref<512x16xf32, #tpu.memory_space<vmem>>, vector<16xf32>,
        %parallel_loop3A_470 = arith.constant 0 : i32
        %parallel_loop3A_471 = arith.constant 0 : i32
        %parallel_loop3A_472 = tpu.memref_slice %arg11[%parallel_loop3A_442, %parallel_loop3A_470, %parallel_loop3A_471] : memref<2x512x16xf32, #tpu.memory_space<vmem>> -> memref<1x512x16xf32, #tpu.memory_space<vmem>>
        %parallel_loop3A_473 = tpu.memref_squeeze %parallel_loop3A_472 : memref<1x512x16xf32, #tpu.memory_space<vmem>> -> memref<512x16xf32, #tpu.memory_space<vmem>>
        %parallel_loop3A_474 = arith.index_cast %parallel_loop3A_462 : i32 to index
        %parallel_loop3A_475 = arith.constant 0 : index
        %parallel_loop3A_476 = tpu.vector_load %parallel_loop3A_473[%parallel_loop3A_474, %parallel_loop3A_475] {strides = array<i32>} : memref<512x16xf32, #tpu.memory_space<vmem>>, vector<16xf32>,
        %parallel_loop3A_477 = arith.addf %parallel_loop3A_469, %parallel_loop3A_476 : vector<16xf32>
        %parallel_loop3A_478 = arith.constant 17 : i32
        %parallel_loop3A_479 = arith.muli %parallel_loop3A_462, %parallel_loop3A_478 : i32
        %parallel_loop3A_480 = arith.index_cast %parallel_loop3A_479 : i32 to index
        %parallel_loop3A_481 = tpu.vector_load %arg14[%parallel_loop3A_480] {strides = array<i32>} : memref<8704xf32, #tpu.memory_space<vmem>>, vector<16xf32>,
        tpu.vector_store %arg14[%parallel_loop3A_480], %parallel_loop3A_477 {strides = array<i32>} : memref<8704xf32, #tpu.memory_space<vmem>>, vector<16xf32>,
      } {sc.loop_unroll_factor = 8 : i64, sc.parallel_access}
      %parallel_loop3A_443 = arith.constant 0 : i32
      %parallel_loop3A_444 = arith.constant 512 : i32
      %parallel_loop3A_445 = arith.constant 1 : i32
      %parallel_loop3A_446 = arith.constant 0 : i32
      %parallel_loop3A_447 = arith.constant 0 : i32
      scf.for %parallel_loop3A_462 = %parallel_loop3A_443 to %parallel_loop3A_444 step %parallel_loop3A_445  : i32 {
        %parallel_loop3A_463 = arith.constant 128 : i32
        %parallel_loop3A_464 = arith.divsi %parallel_loop3A_462, %parallel_loop3A_463 : i32
        %parallel_loop3A_465 = arith.constant 0 : i32
        %parallel_loop3A_466 = arith.cmpi sgt, %parallel_loop3A_462, %parallel_loop3A_465 : i32
        %parallel_loop3A_467 = arith.extui %parallel_loop3A_466 : i1 to i32
        %parallel_loop3A_468 = arith.constant 0 : i32
        %parallel_loop3A_469 = arith.cmpi slt, %parallel_loop3A_462, %parallel_loop3A_468 : i32
        %parallel_loop3A_470 = arith.extui %parallel_loop3A_469 : i1 to i32
        %parallel_loop3A_471 = arith.subi %parallel_loop3A_467, %parallel_loop3A_470 : i32
        %parallel_loop3A_472 = arith.constant 0 : i32
        %parallel_loop3A_473 = arith.cmpi sgt, %parallel_loop3A_463, %parallel_loop3A_472 : i32
        %parallel_loop3A_474 = arith.extui %parallel_loop3A_473 : i1 to i32
        %parallel_loop3A_475 = arith.constant 0 : i32
        %parallel_loop3A_476 = arith.cmpi slt, %parallel_loop3A_463, %parallel_loop3A_475 : i32
        %parallel_loop3A_477 = arith.extui %parallel_loop3A_476 : i1 to i32
        %parallel_loop3A_478 = arith.subi %parallel_loop3A_474, %parallel_loop3A_477 : i32
        %parallel_loop3A_479 = arith.cmpi ne, %parallel_loop3A_471, %parallel_loop3A_478 : i32
        %parallel_loop3A_480 = arith.remsi %parallel_loop3A_462, %parallel_loop3A_463 : i32
        %parallel_loop3A_481 = arith.constant 0 : i32
        %parallel_loop3A_482 = arith.cmpi ne, %parallel_loop3A_480, %parallel_loop3A_481 : i32
        %parallel_loop3A_483 = arith.andi %parallel_loop3A_479, %parallel_loop3A_482 : i1
        %parallel_loop3A_484 = arith.constant 1 : i32
        %parallel_loop3A_485 = arith.subi %parallel_loop3A_464, %parallel_loop3A_484 : i32
        %parallel_loop3A_486 = arith.select %parallel_loop3A_483, %parallel_loop3A_485, %parallel_loop3A_464 : i32
        %parallel_loop3A_487 = arith.constant 128 : i32
        %parallel_loop3A_488 = arith.constant 0 : i32
        %parallel_loop3A_489 = arith.cmpi eq, %parallel_loop3A_487, %parallel_loop3A_488 : i32
        %parallel_loop3A_490 = arith.constant 1 : i32
        %parallel_loop3A_491 = arith.select %parallel_loop3A_489, %parallel_loop3A_490, %parallel_loop3A_487 : i32
        %parallel_loop3A_492 = arith.remsi %parallel_loop3A_462, %parallel_loop3A_491 : i32
        %parallel_loop3A_493 = arith.constant 0 : i32
        %parallel_loop3A_494 = arith.cmpi ne, %parallel_loop3A_492, %parallel_loop3A_493 : i32
        %parallel_loop3A_495 = arith.constant 0 : i32
        %parallel_loop3A_496 = arith.cmpi slt, %parallel_loop3A_492, %parallel_loop3A_495 : i32
        %parallel_loop3A_497 = arith.constant 0 : i32
        %parallel_loop3A_498 = arith.cmpi slt, %parallel_loop3A_491, %parallel_loop3A_497 : i32
        %parallel_loop3A_499 = arith.xori %parallel_loop3A_496, %parallel_loop3A_498 : i1
        %parallel_loop3A_500 = arith.andi %parallel_loop3A_499, %parallel_loop3A_494 : i1
        %parallel_loop3A_501 = arith.addi %parallel_loop3A_492, %parallel_loop3A_491 : i32
        %parallel_loop3A_502 = arith.select %parallel_loop3A_500, %parallel_loop3A_501, %parallel_loop3A_492 : i32
        %parallel_loop3A_503 = arith.constant 8 : i32
        %parallel_loop3A_504 = arith.divsi %parallel_loop3A_502, %parallel_loop3A_503 : i32
        %parallel_loop3A_505 = arith.constant 0 : i32
        %parallel_loop3A_506 = arith.cmpi sgt, %parallel_loop3A_502, %parallel_loop3A_505 : i32
        %parallel_loop3A_507 = arith.extui %parallel_loop3A_506 : i1 to i32
        %parallel_loop3A_508 = arith.constant 0 : i32
        %parallel_loop3A_509 = arith.cmpi slt, %parallel_loop3A_502, %parallel_loop3A_508 : i32
        %parallel_loop3A_510 = arith.extui %parallel_loop3A_509 : i1 to i32
        %parallel_loop3A_511 = arith.subi %parallel_loop3A_507, %parallel_loop3A_510 : i32
        %parallel_loop3A_512 = arith.constant 0 : i32
        %parallel_loop3A_513 = arith.cmpi sgt, %parallel_loop3A_503, %parallel_loop3A_512 : i32
        %parallel_loop3A_514 = arith.extui %parallel_loop3A_513 : i1 to i32
        %parallel_loop3A_515 = arith.constant 0 : i32
        %parallel_loop3A_516 = arith.cmpi slt, %parallel_loop3A_503, %parallel_loop3A_515 : i32
        %parallel_loop3A_517 = arith.extui %parallel_loop3A_516 : i1 to i32
        %parallel_loop3A_518 = arith.subi %parallel_loop3A_514, %parallel_loop3A_517 : i32
        %parallel_loop3A_519 = arith.cmpi ne, %parallel_loop3A_511, %parallel_loop3A_518 : i32
        %parallel_loop3A_520 = arith.remsi %parallel_loop3A_502, %parallel_loop3A_503 : i32
        %parallel_loop3A_521 = arith.constant 0 : i32
        %parallel_loop3A_522 = arith.cmpi ne, %parallel_loop3A_520, %parallel_loop3A_521 : i32
        %parallel_loop3A_523 = arith.andi %parallel_loop3A_519, %parallel_loop3A_522 : i1
        %parallel_loop3A_524 = arith.constant 1 : i32
        %parallel_loop3A_525 = arith.subi %parallel_loop3A_504, %parallel_loop3A_524 : i32
        %parallel_loop3A_526 = arith.select %parallel_loop3A_523, %parallel_loop3A_525, %parallel_loop3A_504 : i32
        %parallel_loop3A_527 = arith.constant 8 : i32
        %parallel_loop3A_528 = arith.constant 0 : i32
        %parallel_loop3A_529 = arith.cmpi eq, %parallel_loop3A_527, %parallel_loop3A_528 : i32
        %parallel_loop3A_530 = arith.constant 1 : i32
        %parallel_loop3A_531 = arith.select %parallel_loop3A_529, %parallel_loop3A_530, %parallel_loop3A_527 : i32
        %parallel_loop3A_532 = arith.remsi %parallel_loop3A_502, %parallel_loop3A_531 : i32
        %parallel_loop3A_533 = arith.constant 0 : i32
        %parallel_loop3A_534 = arith.cmpi ne, %parallel_loop3A_532, %parallel_loop3A_533 : i32
        %parallel_loop3A_535 = arith.constant 0 : i32
        %parallel_loop3A_536 = arith.cmpi slt, %parallel_loop3A_532, %parallel_loop3A_535 : i32
        %parallel_loop3A_537 = arith.constant 0 : i32
        %parallel_loop3A_538 = arith.cmpi slt, %parallel_loop3A_531, %parallel_loop3A_537 : i32
        %parallel_loop3A_539 = arith.xori %parallel_loop3A_536, %parallel_loop3A_538 : i1
        %parallel_loop3A_540 = arith.andi %parallel_loop3A_539, %parallel_loop3A_534 : i1
        %parallel_loop3A_541 = arith.addi %parallel_loop3A_532, %parallel_loop3A_531 : i32
        %parallel_loop3A_542 = arith.select %parallel_loop3A_540, %parallel_loop3A_541, %parallel_loop3A_532 : i32
        %parallel_loop3A_543 = arith.constant 128 : i32
        %parallel_loop3A_544 = arith.muli %parallel_loop3A_486, %parallel_loop3A_543 : i32
        %parallel_loop3A_545 = arith.constant 16 : i32
        %parallel_loop3A_546 = arith.muli %parallel_loop3A_542, %parallel_loop3A_545 : i32
        %parallel_loop3A_547 = arith.addi %parallel_loop3A_544, %parallel_loop3A_546 : i32
        %parallel_loop3A_548 = arith.constant 17 : i32
        %parallel_loop3A_549 = arith.muli %parallel_loop3A_547, %parallel_loop3A_548 : i32
        %parallel_loop3A_550 = arith.addi %parallel_loop3A_549, %parallel_loop3A_526 : i32
        %parallel_loop3A_551 = vector.broadcast %parallel_loop3A_550 : i32 to vector<16xi32>
        %parallel_loop3A_552 = arith.addi %mul3A_3, %parallel_loop3A_551 : vector<16xi32>
        %parallel_loop3A_553 = tpu.vector_load_idx %arg14[%parallel_loop3A_552] : memref<8704xf32, #tpu.memory_space<vmem>>[vector<16xi32>], vector<16xf32>,
        %parallel_loop3A_554 = arith.constant 16 : i32
        %parallel_loop3A_555 = arith.muli %parallel_loop3A_542, %parallel_loop3A_554 : i32
        %parallel_loop3A_556 = arith.constant 0 : i32
        %parallel_loop3A_557 = arith.constant 0 : i32
        %parallel_loop3A_558 = arith.constant 0 : i32
        %parallel_loop3A_559 = tpu.memref_slice %arg12[%parallel_loop3A_446, %parallel_loop3A_556, %parallel_loop3A_557, %parallel_loop3A_558] : memref<2x4x16x128xf32, #tpu.memory_space<vmem>> -> memref<1x4x16x128xf32, #tpu.memory_space<vmem>>
        %parallel_loop3A_560 = tpu.memref_squeeze %parallel_loop3A_559 : memref<1x4x16x128xf32, #tpu.memory_space<vmem>> -> memref<4x16x128xf32, #tpu.memory_space<vmem>>
        %parallel_loop3A_561 = arith.index_cast %parallel_loop3A_486 : i32 to index
        %parallel_loop3A_562 = arith.index_cast %parallel_loop3A_526 : i32 to index
        %parallel_loop3A_563 = arith.index_cast %parallel_loop3A_555 : i32 to index
        %parallel_loop3A_564 = tpu.vector_load %parallel_loop3A_560[%parallel_loop3A_561, %parallel_loop3A_562, %parallel_loop3A_563] {strides = array<i32>} : memref<4x16x128xf32, #tpu.memory_space<vmem>>, vector<16xf32>,
        %parallel_loop3A_565 = arith.addf %parallel_loop3A_553, %parallel_loop3A_564 : vector<16xf32>
        %parallel_loop3A_566 = arith.constant 0.000000e+00 : f32
        %parallel_loop3A_567 = vector.broadcast %parallel_loop3A_566 : f32 to vector<16xf32>
        %parallel_loop3A_568 = arith.maximumf %parallel_loop3A_565, %parallel_loop3A_567 : vector<16xf32>
        %parallel_loop3A_569 = arith.constant 16 : i32
        %parallel_loop3A_570 = arith.muli %parallel_loop3A_542, %parallel_loop3A_569 : i32
        %parallel_loop3A_571 = arith.constant 0 : i32
        %parallel_loop3A_572 = arith.constant 0 : i32
        %parallel_loop3A_573 = arith.constant 0 : i32
        %parallel_loop3A_574 = tpu.memref_slice %arg13[%parallel_loop3A_447, %parallel_loop3A_571, %parallel_loop3A_572, %parallel_loop3A_573] : memref<2x4x16x128xf32, #tpu.memory_space<vmem>> -> memref<1x4x16x128xf32, #tpu.memory_space<vmem>>
        %parallel_loop3A_575 = tpu.memref_squeeze %parallel_loop3A_574 : memref<1x4x16x128xf32, #tpu.memory_space<vmem>> -> memref<4x16x128xf32, #tpu.memory_space<vmem>>
        %parallel_loop3A_576 = arith.index_cast %parallel_loop3A_486 : i32 to index
        %parallel_loop3A_577 = arith.index_cast %parallel_loop3A_526 : i32 to index
        %parallel_loop3A_578 = arith.index_cast %parallel_loop3A_570 : i32 to index
        %parallel_loop3A_579 = tpu.vector_load %parallel_loop3A_575[%parallel_loop3A_576, %parallel_loop3A_577, %parallel_loop3A_578] {strides = array<i32>} : memref<4x16x128xf32, #tpu.memory_space<vmem>>, vector<16xf32>,
        tpu.vector_store %parallel_loop3A_575[%parallel_loop3A_576, %parallel_loop3A_577, %parallel_loop3A_578], %parallel_loop3A_568 {strides = array<i32>} : memref<4x16x128xf32, #tpu.memory_space<vmem>>, vector<16xf32>,
      } {sc.loop_unroll_factor = 8 : i64, sc.parallel_access}
      %run_scoped3A_448 = arith.constant 0 : i32
      %run_scoped3A_449 = arith.constant 0 : i32
      "tpu.region"() ({
        %run_scoped3A_462 = tpu.sem_alloc : memref<!tpu.dma_semaphore, #tpu.memory_space<semaphore_mem>>
        %dma_start3A_463 = arith.constant 0 : i32
        %dma_start3A_464 = arith.constant 0 : i32
        %dma_start3A_465 = arith.constant 0 : i32
        %dma_start3A_466 = tpu.memref_slice %arg13[%run_scoped3A_448, %dma_start3A_463, %dma_start3A_464, %dma_start3A_465] : memref<2x4x16x128xf32, #tpu.memory_space<vmem>> -> memref<1x4x16x128xf32, #tpu.memory_space<vmem>>
        %dma_start3A_467 = tpu.memref_squeeze %dma_start3A_466 : memref<1x4x16x128xf32, #tpu.memory_space<vmem>> -> memref<4x16x128xf32, #tpu.memory_space<vmem>>
        %dma_start3A_468 = arith.constant 0 : i32
        %dma_start3A_469 = arith.constant 0 : i32
        %dma_start3A_470 = arith.constant 0 : i32
        %dma_start3A_471 = tpu.memref_slice %dma_start3A_467[%dma_start3A_468, %dma_start3A_469, %dma_start3A_470] : memref<4x16x128xf32, #tpu.memory_space<vmem>> -> memref<4x8x128xf32, #tpu.memory_space<vmem>>
        %dma_start3A_472 = arith.constant 0 : i32
        %dma_start3A_473 = arith.constant 0 : i32
        %dma_start3A_474 = tpu.memref_slice %arg7[%run_scoped3A_449, %multiple_of3A_247, %dma_start3A_472, %dma_start3A_473] : memref<2x2500x8x128xf32, #tpu.memory_space<hbm>> -> memref<1x4x8x128xf32, #tpu.memory_space<hbm>>
        %dma_start3A_475 = tpu.memref_squeeze %dma_start3A_474 : memref<1x4x8x128xf32, #tpu.memory_space<hbm>> -> memref<4x8x128xf32, #tpu.memory_space<hbm>>
        %dma_start3A_476 = arith.constant 0 : i32
        %dma_start3A_477 = arith.constant 0 : i32
        %dma_start3A_478 = tpu.memref_slice %arg7[%run_scoped3A_449, %multiple_of3A_247, %dma_start3A_476, %dma_start3A_477] : memref<2x2500x8x128xf32, #tpu.memory_space<hbm>> -> memref<1x4x8x128xf32, #tpu.memory_space<hbm>>
        %dma_start3A_479 = tpu.memref_squeeze %dma_start3A_478 : memref<1x4x8x128xf32, #tpu.memory_space<hbm>> -> memref<4x8x128xf32, #tpu.memory_space<hbm>>
        %dma_start3A_480 = arith.constant 0 : i32
        %dma_start3A_481 = arith.constant 0 : i32
        %dma_start3A_482 = arith.constant 0 : i32
        %dma_start3A_483 = tpu.memref_slice %arg13[%run_scoped3A_448, %dma_start3A_480, %dma_start3A_481, %dma_start3A_482] : memref<2x4x16x128xf32, #tpu.memory_space<vmem>> -> memref<1x4x16x128xf32, #tpu.memory_space<vmem>>
        %dma_start3A_484 = tpu.memref_squeeze %dma_start3A_483 : memref<1x4x16x128xf32, #tpu.memory_space<vmem>> -> memref<4x16x128xf32, #tpu.memory_space<vmem>>
        %dma_start3A_485 = arith.constant 0 : i32
        %dma_start3A_486 = arith.constant 0 : i32
        %dma_start3A_487 = arith.constant 0 : i32
        %dma_start3A_488 = tpu.memref_slice %dma_start3A_484[%dma_start3A_485, %dma_start3A_486, %dma_start3A_487] : memref<4x16x128xf32, #tpu.memory_space<vmem>> -> memref<4x8x128xf32, #tpu.memory_space<vmem>>
        tpu.enqueue_dma source(%dma_start3A_488 : memref<4x8x128xf32, #tpu.memory_space<vmem>>) target(%dma_start3A_479 : memref<4x8x128xf32, #tpu.memory_space<hbm>>) target_semaphore(%run_scoped3A_462 : memref<!tpu.dma_semaphore, #tpu.memory_space<semaphore_mem>>)
        %dma_wait3A_489 = arith.constant 0 : i32
        %dma_wait3A_490 = arith.constant 0 : i32
        %dma_wait3A_491 = arith.constant 0 : i32
        %dma_wait3A_492 = tpu.memref_slice %arg13[%run_scoped3A_448, %dma_wait3A_489, %dma_wait3A_490, %dma_wait3A_491] : memref<2x4x16x128xf32, #tpu.memory_space<vmem>> -> memref<1x4x16x128xf32, #tpu.memory_space<vmem>>
        %dma_wait3A_493 = tpu.memref_squeeze %dma_wait3A_492 : memref<1x4x16x128xf32, #tpu.memory_space<vmem>> -> memref<4x16x128xf32, #tpu.memory_space<vmem>>
        %dma_wait3A_494 = arith.constant 0 : i32
        %dma_wait3A_495 = arith.constant 0 : i32
        %dma_wait3A_496 = arith.constant 0 : i32
        %dma_wait3A_497 = tpu.memref_slice %dma_wait3A_493[%dma_wait3A_494, %dma_wait3A_495, %dma_wait3A_496] : memref<4x16x128xf32, #tpu.memory_space<vmem>> -> memref<4x8x128xf32, #tpu.memory_space<vmem>>
        %dma_wait3A_498 = arith.constant 0 : i32
        %dma_wait3A_499 = arith.constant 0 : i32
        %dma_wait3A_500 = tpu.memref_slice %arg7[%run_scoped3A_449, %multiple_of3A_247, %dma_wait3A_498, %dma_wait3A_499] : memref<2x2500x8x128xf32, #tpu.memory_space<hbm>> -> memref<1x4x8x128xf32, #tpu.memory_space<hbm>>
        %dma_wait3A_501 = tpu.memref_squeeze %dma_wait3A_500 : memref<1x4x8x128xf32, #tpu.memory_space<hbm>> -> memref<4x8x128xf32, #tpu.memory_space<hbm>>
        %dma_wait3A_502 = arith.constant 0 : i32
        %dma_wait3A_503 = arith.constant 0 : i32
        %dma_wait3A_504 = tpu.memref_slice %arg7[%run_scoped3A_449, %multiple_of3A_247, %dma_wait3A_502, %dma_wait3A_503] : memref<2x2500x8x128xf32, #tpu.memory_space<hbm>> -> memref<1x4x8x128xf32, #tpu.memory_space<hbm>>
        %dma_wait3A_505 = tpu.memref_squeeze %dma_wait3A_504 : memref<1x4x8x128xf32, #tpu.memory_space<hbm>> -> memref<4x8x128xf32, #tpu.memory_space<hbm>>
        %dma_wait3A_506 = arith.constant 0 : i32
        %dma_wait3A_507 = arith.constant 0 : i32
        %dma_wait3A_508 = arith.constant 0 : i32
        %dma_wait3A_509 = tpu.memref_slice %arg13[%run_scoped3A_448, %dma_wait3A_506, %dma_wait3A_507, %dma_wait3A_508] : memref<2x4x16x128xf32, #tpu.memory_space<vmem>> -> memref<1x4x16x128xf32, #tpu.memory_space<vmem>>
        %dma_wait3A_510 = tpu.memref_squeeze %dma_wait3A_509 : memref<1x4x16x128xf32, #tpu.memory_space<vmem>> -> memref<4x16x128xf32, #tpu.memory_space<vmem>>
        %dma_wait3A_511 = arith.constant 0 : i32
        %dma_wait3A_512 = arith.constant 0 : i32
        %dma_wait3A_513 = arith.constant 0 : i32
        %dma_wait3A_514 = tpu.memref_slice %dma_wait3A_510[%dma_wait3A_511, %dma_wait3A_512, %dma_wait3A_513] : memref<4x16x128xf32, #tpu.memory_space<vmem>> -> memref<4x8x128xf32, #tpu.memory_space<vmem>>
        tpu.wait_dma2 semaphore(%run_scoped3A_462 : memref<!tpu.dma_semaphore, #tpu.memory_space<semaphore_mem>>) src(%dma_wait3A_514 : memref<4x8x128xf32, #tpu.memory_space<vmem>>) dst(%dma_wait3A_505 : memref<4x8x128xf32, #tpu.memory_space<hbm>>)
        tpu.yield
      }) : () -> ()
      %run_scoped3A_450 = arith.constant 0 : i32
      %run_scoped3A_451 = arith.constant 1 : i32
      "tpu.region"() ({
        %run_scoped3A_462 = tpu.sem_alloc : memref<!tpu.dma_semaphore, #tpu.memory_space<semaphore_mem>>
        %dma_start3A_463 = arith.constant 0 : i32
        %dma_start3A_464 = arith.constant 0 : i32
        %dma_start3A_465 = arith.constant 0 : i32
        %dma_start3A_466 = tpu.memref_slice %arg13[%run_scoped3A_450, %dma_start3A_463, %dma_start3A_464, %dma_start3A_465] : memref<2x4x16x128xf32, #tpu.memory_space<vmem>> -> memref<1x4x16x128xf32, #tpu.memory_space<vmem>>
        %dma_start3A_467 = tpu.memref_squeeze %dma_start3A_466 : memref<1x4x16x128xf32, #tpu.memory_space<vmem>> -> memref<4x16x128xf32, #tpu.memory_space<vmem>>
        %dma_start3A_468 = arith.constant 0 : i32
        %dma_start3A_469 = arith.constant 8 : i32
        %dma_start3A_470 = arith.constant 0 : i32
        %dma_start3A_471 = tpu.memref_slice %dma_start3A_467[%dma_start3A_468, %dma_start3A_469, %dma_start3A_470] : memref<4x16x128xf32, #tpu.memory_space<vmem>> -> memref<4x8x128xf32, #tpu.memory_space<vmem>>
        %dma_start3A_472 = arith.constant 0 : i32
        %dma_start3A_473 = arith.constant 0 : i32
        %dma_start3A_474 = tpu.memref_slice %arg7[%run_scoped3A_451, %multiple_of3A_247, %dma_start3A_472, %dma_start3A_473] : memref<2x2500x8x128xf32, #tpu.memory_space<hbm>> -> memref<1x4x8x128xf32, #tpu.memory_space<hbm>>
        %dma_start3A_475 = tpu.memref_squeeze %dma_start3A_474 : memref<1x4x8x128xf32, #tpu.memory_space<hbm>> -> memref<4x8x128xf32, #tpu.memory_space<hbm>>
        %dma_start3A_476 = arith.constant 0 : i32
        %dma_start3A_477 = arith.constant 0 : i32
        %dma_start3A_478 = tpu.memref_slice %arg7[%run_scoped3A_451, %multiple_of3A_247, %dma_start3A_476, %dma_start3A_477] : memref<2x2500x8x128xf32, #tpu.memory_space<hbm>> -> memref<1x4x8x128xf32, #tpu.memory_space<hbm>>
        %dma_start3A_479 = tpu.memref_squeeze %dma_start3A_478 : memref<1x4x8x128xf32, #tpu.memory_space<hbm>> -> memref<4x8x128xf32, #tpu.memory_space<hbm>>
        %dma_start3A_480 = arith.constant 0 : i32
        %dma_start3A_481 = arith.constant 0 : i32
        %dma_start3A_482 = arith.constant 0 : i32
        %dma_start3A_483 = tpu.memref_slice %arg13[%run_scoped3A_450, %dma_start3A_480, %dma_start3A_481, %dma_start3A_482] : memref<2x4x16x128xf32, #tpu.memory_space<vmem>> -> memref<1x4x16x128xf32, #tpu.memory_space<vmem>>
        %dma_start3A_484 = tpu.memref_squeeze %dma_start3A_483 : memref<1x4x16x128xf32, #tpu.memory_space<vmem>> -> memref<4x16x128xf32, #tpu.memory_space<vmem>>
        %dma_start3A_485 = arith.constant 0 : i32
        %dma_start3A_486 = arith.constant 8 : i32
        %dma_start3A_487 = arith.constant 0 : i32
        %dma_start3A_488 = tpu.memref_slice %dma_start3A_484[%dma_start3A_485, %dma_start3A_486, %dma_start3A_487] : memref<4x16x128xf32, #tpu.memory_space<vmem>> -> memref<4x8x128xf32, #tpu.memory_space<vmem>>
        tpu.enqueue_dma source(%dma_start3A_488 : memref<4x8x128xf32, #tpu.memory_space<vmem>>) target(%dma_start3A_479 : memref<4x8x128xf32, #tpu.memory_space<hbm>>) target_semaphore(%run_scoped3A_462 : memref<!tpu.dma_semaphore, #tpu.memory_space<semaphore_mem>>)
        %dma_wait3A_489 = arith.constant 0 : i32
        %dma_wait3A_490 = arith.constant 0 : i32
        %dma_wait3A_491 = arith.constant 0 : i32
        %dma_wait3A_492 = tpu.memref_slice %arg13[%run_scoped3A_450, %dma_wait3A_489, %dma_wait3A_490, %dma_wait3A_491] : memref<2x4x16x128xf32, #tpu.memory_space<vmem>> -> memref<1x4x16x128xf32, #tpu.memory_space<vmem>>
        %dma_wait3A_493 = tpu.memref_squeeze %dma_wait3A_492 : memref<1x4x16x128xf32, #tpu.memory_space<vmem>> -> memref<4x16x128xf32, #tpu.memory_space<vmem>>
        %dma_wait3A_494 = arith.constant 0 : i32
        %dma_wait3A_495 = arith.constant 8 : i32
        %dma_wait3A_496 = arith.constant 0 : i32
        %dma_wait3A_497 = tpu.memref_slice %dma_wait3A_493[%dma_wait3A_494, %dma_wait3A_495, %dma_wait3A_496] : memref<4x16x128xf32, #tpu.memory_space<vmem>> -> memref<4x8x128xf32, #tpu.memory_space<vmem>>
        %dma_wait3A_498 = arith.constant 0 : i32
        %dma_wait3A_499 = arith.constant 0 : i32
        %dma_wait3A_500 = tpu.memref_slice %arg7[%run_scoped3A_451, %multiple_of3A_247, %dma_wait3A_498, %dma_wait3A_499] : memref<2x2500x8x128xf32, #tpu.memory_space<hbm>> -> memref<1x4x8x128xf32, #tpu.memory_space<hbm>>
        %dma_wait3A_501 = tpu.memref_squeeze %dma_wait3A_500 : memref<1x4x8x128xf32, #tpu.memory_space<hbm>> -> memref<4x8x128xf32, #tpu.memory_space<hbm>>
        %dma_wait3A_502 = arith.constant 0 : i32
        %dma_wait3A_503 = arith.constant 0 : i32
        %dma_wait3A_504 = tpu.memref_slice %arg7[%run_scoped3A_451, %multiple_of3A_247, %dma_wait3A_502, %dma_wait3A_503] : memref<2x2500x8x128xf32, #tpu.memory_space<hbm>> -> memref<1x4x8x128xf32, #tpu.memory_space<hbm>>
        %dma_wait3A_505 = tpu.memref_squeeze %dma_wait3A_504 : memref<1x4x8x128xf32, #tpu.memory_space<hbm>> -> memref<4x8x128xf32, #tpu.memory_space<hbm>>
        %dma_wait3A_506 = arith.constant 0 : i32
        %dma_wait3A_507 = arith.constant 0 : i32
        %dma_wait3A_508 = arith.constant 0 : i32
        %dma_wait3A_509 = tpu.memref_slice %arg13[%run_scoped3A_450, %dma_wait3A_506, %dma_wait3A_507, %dma_wait3A_508] : memref<2x4x16x128xf32, #tpu.memory_space<vmem>> -> memref<1x4x16x128xf32, #tpu.memory_space<vmem>>
        %dma_wait3A_510 = tpu.memref_squeeze %dma_wait3A_509 : memref<1x4x16x128xf32, #tpu.memory_space<vmem>> -> memref<4x16x128xf32, #tpu.memory_space<vmem>>
        %dma_wait3A_511 = arith.constant 0 : i32
        %dma_wait3A_512 = arith.constant 8 : i32
        %dma_wait3A_513 = arith.constant 0 : i32
        %dma_wait3A_514 = tpu.memref_slice %dma_wait3A_510[%dma_wait3A_511, %dma_wait3A_512, %dma_wait3A_513] : memref<4x16x128xf32, #tpu.memory_space<vmem>> -> memref<4x8x128xf32, #tpu.memory_space<vmem>>
        tpu.wait_dma2 semaphore(%run_scoped3A_462 : memref<!tpu.dma_semaphore, #tpu.memory_space<semaphore_mem>>) src(%dma_wait3A_514 : memref<4x8x128xf32, #tpu.memory_space<vmem>>) dst(%dma_wait3A_505 : memref<4x8x128xf32, #tpu.memory_space<hbm>>)
        tpu.yield
      }) : () -> ()
      %add3A_452 = arith.constant 1 : i32
      %add3A_453 = arith.addi %add3A_235, %add3A_452 : i32
      %lt3A_454 = arith.cmpi slt, %add3A_453, %select_n3A : i32
      %convert_element_type3A_455 = arith.extui %lt3A_454 : i1 to i32
      %cond3A_456 = arith.constant 0 : i32
      %cond3A_457 = arith.cmpi ne, %convert_element_type3A_455, %cond3A_456 : i32
      scf.if %cond3A_457 {
        %add3A_462 = arith.constant 32 : i32
        %add3A_463 = arith.addi %add3A_243, %add3A_462 : i32
        %mul3A_464 = arith.constant 512 : i32
        %mul3A_465 = arith.muli %add3A_463, %mul3A_464 : i32
        %multiple_of3A_466 = tpu.assume_multiple %mul3A_465, 8 : i32
        %mul3A_467 = arith.constant 4 : i32
        %mul3A_468 = arith.muli %add3A_463, %mul3A_467 : i32
        %multiple_of3A_469 = tpu.assume_multiple %mul3A_468, 4 : i32
        %run_scoped3A_470 = arith.constant 0 : i32
        "tpu.region"() ({
          %run_scoped3A_664 = tpu.sem_alloc : memref<!tpu.dma_semaphore, #tpu.memory_space<semaphore_mem>>
          %dma_start3A_665 = arith.constant 0 : i32
          %dma_start3A_666 = tpu.memref_slice %arg8[%run_scoped3A_470, %dma_start3A_665] : memref<2x512xi32, #tpu.memory_space<vmem>> -> memref<1x512xi32, #tpu.memory_space<vmem>>
          %dma_start3A_667 = tpu.memref_squeeze %dma_start3A_666 : memref<1x512xi32, #tpu.memory_space<vmem>> -> memref<512xi32, #tpu.memory_space<vmem>>
          %dma_start3A_668 = tpu.memref_slice %arg4[%multiple_of3A_466] : memref<320000xi32, #tpu.memory_space<hbm>> -> memref<512xi32, #tpu.memory_space<hbm>>
          %dma_start3A_669 = arith.constant 0 : i32
          %dma_start3A_670 = tpu.memref_slice %arg8[%run_scoped3A_470, %dma_start3A_669] : memref<2x512xi32, #tpu.memory_space<vmem>> -> memref<1x512xi32, #tpu.memory_space<vmem>>
          %dma_start3A_671 = tpu.memref_squeeze %dma_start3A_670 : memref<1x512xi32, #tpu.memory_space<vmem>> -> memref<512xi32, #tpu.memory_space<vmem>>
          %dma_start3A_672 = tpu.memref_slice %arg4[%multiple_of3A_466] : memref<320000xi32, #tpu.memory_space<hbm>> -> memref<512xi32, #tpu.memory_space<hbm>>
          tpu.enqueue_dma source(%dma_start3A_672 : memref<512xi32, #tpu.memory_space<hbm>>) target(%dma_start3A_671 : memref<512xi32, #tpu.memory_space<vmem>>) target_semaphore(%run_scoped3A_664 : memref<!tpu.dma_semaphore, #tpu.memory_space<semaphore_mem>>)
          %dma_wait3A_673 = arith.constant 0 : i32
          %dma_wait3A_674 = tpu.memref_slice %arg8[%run_scoped3A_470, %dma_wait3A_673] : memref<2x512xi32, #tpu.memory_space<vmem>> -> memref<1x512xi32, #tpu.memory_space<vmem>>
          %dma_wait3A_675 = tpu.memref_squeeze %dma_wait3A_674 : memref<1x512xi32, #tpu.memory_space<vmem>> -> memref<512xi32, #tpu.memory_space<vmem>>
          %dma_wait3A_676 = tpu.memref_slice %arg4[%multiple_of3A_466] : memref<320000xi32, #tpu.memory_space<hbm>> -> memref<512xi32, #tpu.memory_space<hbm>>
          %dma_wait3A_677 = arith.constant 0 : i32
          %dma_wait3A_678 = tpu.memref_slice %arg8[%run_scoped3A_470, %dma_wait3A_677] : memref<2x512xi32, #tpu.memory_space<vmem>> -> memref<1x512xi32, #tpu.memory_space<vmem>>
          %dma_wait3A_679 = tpu.memref_squeeze %dma_wait3A_678 : memref<1x512xi32, #tpu.memory_space<vmem>> -> memref<512xi32, #tpu.memory_space<vmem>>
          %dma_wait3A_680 = tpu.memref_slice %arg4[%multiple_of3A_466] : memref<320000xi32, #tpu.memory_space<hbm>> -> memref<512xi32, #tpu.memory_space<hbm>>
          tpu.wait_dma2 semaphore(%run_scoped3A_664 : memref<!tpu.dma_semaphore, #tpu.memory_space<semaphore_mem>>) src(%dma_wait3A_680 : memref<512xi32, #tpu.memory_space<hbm>>) dst(%dma_wait3A_679 : memref<512xi32, #tpu.memory_space<vmem>>)
          tpu.yield
        }) : () -> ()
        %run_scoped3A_471 = arith.constant 0 : i32
        "tpu.region"() ({
          %run_scoped3A_664 = tpu.sem_alloc : memref<!tpu.dma_semaphore, #tpu.memory_space<semaphore_mem>>
          %dma_start3A_665 = arith.constant 0 : i32
          %dma_start3A_666 = tpu.memref_slice %arg9[%run_scoped3A_471, %dma_start3A_665] : memref<2x512xi32, #tpu.memory_space<vmem>> -> memref<1x512xi32, #tpu.memory_space<vmem>>
          %dma_start3A_667 = tpu.memref_squeeze %dma_start3A_666 : memref<1x512xi32, #tpu.memory_space<vmem>> -> memref<512xi32, #tpu.memory_space<vmem>>
          %dma_start3A_668 = tpu.memref_slice %arg5[%multiple_of3A_466] : memref<320000xi32, #tpu.memory_space<hbm>> -> memref<512xi32, #tpu.memory_space<hbm>>
          %dma_start3A_669 = arith.constant 0 : i32
          %dma_start3A_670 = tpu.memref_slice %arg9[%run_scoped3A_471, %dma_start3A_669] : memref<2x512xi32, #tpu.memory_space<vmem>> -> memref<1x512xi32, #tpu.memory_space<vmem>>
          %dma_start3A_671 = tpu.memref_squeeze %dma_start3A_670 : memref<1x512xi32, #tpu.memory_space<vmem>> -> memref<512xi32, #tpu.memory_space<vmem>>
          %dma_start3A_672 = tpu.memref_slice %arg5[%multiple_of3A_466] : memref<320000xi32, #tpu.memory_space<hbm>> -> memref<512xi32, #tpu.memory_space<hbm>>
          tpu.enqueue_dma source(%dma_start3A_672 : memref<512xi32, #tpu.memory_space<hbm>>) target(%dma_start3A_671 : memref<512xi32, #tpu.memory_space<vmem>>) target_semaphore(%run_scoped3A_664 : memref<!tpu.dma_semaphore, #tpu.memory_space<semaphore_mem>>)
          %dma_wait3A_673 = arith.constant 0 : i32
          %dma_wait3A_674 = tpu.memref_slice %arg9[%run_scoped3A_471, %dma_wait3A_673] : memref<2x512xi32, #tpu.memory_space<vmem>> -> memref<1x512xi32, #tpu.memory_space<vmem>>
          %dma_wait3A_675 = tpu.memref_squeeze %dma_wait3A_674 : memref<1x512xi32, #tpu.memory_space<vmem>> -> memref<512xi32, #tpu.memory_space<vmem>>
          %dma_wait3A_676 = tpu.memref_slice %arg5[%multiple_of3A_466] : memref<320000xi32, #tpu.memory_space<hbm>> -> memref<512xi32, #tpu.memory_space<hbm>>
          %dma_wait3A_677 = arith.constant 0 : i32
          %dma_wait3A_678 = tpu.memref_slice %arg9[%run_scoped3A_471, %dma_wait3A_677] : memref<2x512xi32, #tpu.memory_space<vmem>> -> memref<1x512xi32, #tpu.memory_space<vmem>>
          %dma_wait3A_679 = tpu.memref_squeeze %dma_wait3A_678 : memref<1x512xi32, #tpu.memory_space<vmem>> -> memref<512xi32, #tpu.memory_space<vmem>>
          %dma_wait3A_680 = tpu.memref_slice %arg5[%multiple_of3A_466] : memref<320000xi32, #tpu.memory_space<hbm>> -> memref<512xi32, #tpu.memory_space<hbm>>
          tpu.wait_dma2 semaphore(%run_scoped3A_664 : memref<!tpu.dma_semaphore, #tpu.memory_space<semaphore_mem>>) src(%dma_wait3A_680 : memref<512xi32, #tpu.memory_space<hbm>>) dst(%dma_wait3A_679 : memref<512xi32, #tpu.memory_space<vmem>>)
          tpu.yield
        }) : () -> ()
        %dma_start3A_472 = arith.constant 0 : i32
        %dma_start3A_473 = arith.constant 0 : i32
        %dma_start3A_474 = arith.constant 0 : i32
        %dma_start3A_475 = arith.constant 0 : i32
        %dma_start3A_476 = tpu.memref_slice %arg10[%dma_start3A_473, %dma_start3A_474, %dma_start3A_475] : memref<2x512x16xf32, #tpu.memory_space<vmem>> -> memref<1x512x16xf32, #tpu.memory_space<vmem>>
        %dma_start3A_477 = tpu.memref_squeeze %dma_start3A_476 : memref<1x512x16xf32, #tpu.memory_space<vmem>> -> memref<512x16xf32, #tpu.memory_space<vmem>>
        %dma_start3A_478 = arith.constant 0 : i32
        %dma_start3A_479 = arith.constant 0 : i32
        %dma_start3A_480 = tpu.memref_slice %dma_start3A_477[%dma_start3A_478, %dma_start3A_479] : memref<512x16xf32, #tpu.memory_space<vmem>> -> memref<128x16xf32, #tpu.memory_space<vmem>>
        %dma_start3A_481 = arith.constant 0 : i32
        %dma_start3A_482 = tpu.memref_slice %arg8[%dma_start3A_472, %dma_start3A_481] : memref<2x512xi32, #tpu.memory_space<vmem>> -> memref<1x512xi32, #tpu.memory_space<vmem>>
        %dma_start3A_483 = tpu.memref_squeeze %dma_start3A_482 : memref<1x512xi32, #tpu.memory_space<vmem>> -> memref<512xi32, #tpu.memory_space<vmem>>
        %dma_start3A_484 = arith.constant 0 : i32
        %dma_start3A_485 = tpu.memref_slice %dma_start3A_483[%dma_start3A_484] : memref<512xi32, #tpu.memory_space<vmem>> -> memref<128xi32, #tpu.memory_space<vmem>>
        %dma_start3A_486 = arith.constant 0 : i32
        %dma_start3A_487 = arith.constant 0 : i32
        %dma_start3A_488 = tpu.memref_slice %arg2[%dma_start3A_486, %dma_start3A_487] : memref<10000x16xf32, #tpu.memory_space<hbm>> -> memref<10000x16xf32, #tpu.memory_space<hbm>>
        tpu.enqueue_indirect_dma source(%dma_start3A_488 : memref<10000x16xf32, #tpu.memory_space<hbm>>) target(%dma_start3A_480 : memref<128x16xf32, #tpu.memory_space<vmem>>) offsets(%dma_start3A_485 : memref<128xi32, #tpu.memory_space<vmem>>) semaphore(%arg15 : memref<!tpu.dma_semaphore, #tpu.memory_space<semaphore_mem>>)
        %dma_start3A_489 = arith.constant 0 : i32
        %dma_start3A_490 = arith.constant 0 : i32
        %dma_start3A_491 = arith.constant 0 : i32
        %dma_start3A_492 = arith.constant 0 : i32
        %dma_start3A_493 = tpu.memref_slice %arg11[%dma_start3A_490, %dma_start3A_491, %dma_start3A_492] : memref<2x512x16xf32, #tpu.memory_space<vmem>> -> memref<1x512x16xf32, #tpu.memory_space<vmem>>
        %dma_start3A_494 = tpu.memref_squeeze %dma_start3A_493 : memref<1x512x16xf32, #tpu.memory_space<vmem>> -> memref<512x16xf32, #tpu.memory_space<vmem>>
        %dma_start3A_495 = arith.constant 0 : i32
        %dma_start3A_496 = arith.constant 0 : i32
        %dma_start3A_497 = tpu.memref_slice %dma_start3A_494[%dma_start3A_495, %dma_start3A_496] : memref<512x16xf32, #tpu.memory_space<vmem>> -> memref<128x16xf32, #tpu.memory_space<vmem>>
        %dma_start3A_498 = arith.constant 0 : i32
        %dma_start3A_499 = tpu.memref_slice %arg9[%dma_start3A_489, %dma_start3A_498] : memref<2x512xi32, #tpu.memory_space<vmem>> -> memref<1x512xi32, #tpu.memory_space<vmem>>
        %dma_start3A_500 = tpu.memref_squeeze %dma_start3A_499 : memref<1x512xi32, #tpu.memory_space<vmem>> -> memref<512xi32, #tpu.memory_space<vmem>>
        %dma_start3A_501 = arith.constant 0 : i32
        %dma_start3A_502 = tpu.memref_slice %dma_start3A_500[%dma_start3A_501] : memref<512xi32, #tpu.memory_space<vmem>> -> memref<128xi32, #tpu.memory_space<vmem>>
        %dma_start3A_503 = arith.constant 0 : i32
        %dma_start3A_504 = arith.constant 0 : i32
        %dma_start3A_505 = tpu.memref_slice %arg3[%dma_start3A_503, %dma_start3A_504] : memref<10000x16xf32, #tpu.memory_space<hbm>> -> memref<10000x16xf32, #tpu.memory_space<hbm>>
        tpu.enqueue_indirect_dma source(%dma_start3A_505 : memref<10000x16xf32, #tpu.memory_space<hbm>>) target(%dma_start3A_497 : memref<128x16xf32, #tpu.memory_space<vmem>>) offsets(%dma_start3A_502 : memref<128xi32, #tpu.memory_space<vmem>>) semaphore(%arg16 : memref<!tpu.dma_semaphore, #tpu.memory_space<semaphore_mem>>)
        %dma_start3A_506 = arith.constant 0 : i32
        %dma_start3A_507 = arith.constant 0 : i32
        %dma_start3A_508 = arith.constant 0 : i32
        %dma_start3A_509 = arith.constant 0 : i32
        %dma_start3A_510 = tpu.memref_slice %arg10[%dma_start3A_507, %dma_start3A_508, %dma_start3A_509] : memref<2x512x16xf32, #tpu.memory_space<vmem>> -> memref<1x512x16xf32, #tpu.memory_space<vmem>>
        %dma_start3A_511 = tpu.memref_squeeze %dma_start3A_510 : memref<1x512x16xf32, #tpu.memory_space<vmem>> -> memref<512x16xf32, #tpu.memory_space<vmem>>
        %dma_start3A_512 = arith.constant 128 : i32
        %dma_start3A_513 = arith.constant 0 : i32
        %dma_start3A_514 = tpu.memref_slice %dma_start3A_511[%dma_start3A_512, %dma_start3A_513] : memref<512x16xf32, #tpu.memory_space<vmem>> -> memref<128x16xf32, #tpu.memory_space<vmem>>
        %dma_start3A_515 = arith.constant 0 : i32
        %dma_start3A_516 = tpu.memref_slice %arg8[%dma_start3A_506, %dma_start3A_515] : memref<2x512xi32, #tpu.memory_space<vmem>> -> memref<1x512xi32, #tpu.memory_space<vmem>>
        %dma_start3A_517 = tpu.memref_squeeze %dma_start3A_516 : memref<1x512xi32, #tpu.memory_space<vmem>> -> memref<512xi32, #tpu.memory_space<vmem>>
        %dma_start3A_518 = arith.constant 128 : i32
        %dma_start3A_519 = tpu.memref_slice %dma_start3A_517[%dma_start3A_518] : memref<512xi32, #tpu.memory_space<vmem>> -> memref<128xi32, #tpu.memory_space<vmem>>
        %dma_start3A_520 = arith.constant 0 : i32
        %dma_start3A_521 = arith.constant 0 : i32
        %dma_start3A_522 = tpu.memref_slice %arg2[%dma_start3A_520, %dma_start3A_521] : memref<10000x16xf32, #tpu.memory_space<hbm>> -> memref<10000x16xf32, #tpu.memory_space<hbm>>
        tpu.enqueue_indirect_dma source(%dma_start3A_522 : memref<10000x16xf32, #tpu.memory_space<hbm>>) target(%dma_start3A_514 : memref<128x16xf32, #tpu.memory_space<vmem>>) offsets(%dma_start3A_519 : memref<128xi32, #tpu.memory_space<vmem>>) semaphore(%arg15 : memref<!tpu.dma_semaphore, #tpu.memory_space<semaphore_mem>>)
        %dma_start3A_523 = arith.constant 0 : i32
        %dma_start3A_524 = arith.constant 0 : i32
        %dma_start3A_525 = arith.constant 0 : i32
        %dma_start3A_526 = arith.constant 0 : i32
        %dma_start3A_527 = tpu.memref_slice %arg11[%dma_start3A_524, %dma_start3A_525, %dma_start3A_526] : memref<2x512x16xf32, #tpu.memory_space<vmem>> -> memref<1x512x16xf32, #tpu.memory_space<vmem>>
        %dma_start3A_528 = tpu.memref_squeeze %dma_start3A_527 : memref<1x512x16xf32, #tpu.memory_space<vmem>> -> memref<512x16xf32, #tpu.memory_space<vmem>>
        %dma_start3A_529 = arith.constant 128 : i32
        %dma_start3A_530 = arith.constant 0 : i32
        %dma_start3A_531 = tpu.memref_slice %dma_start3A_528[%dma_start3A_529, %dma_start3A_530] : memref<512x16xf32, #tpu.memory_space<vmem>> -> memref<128x16xf32, #tpu.memory_space<vmem>>
        %dma_start3A_532 = arith.constant 0 : i32
        %dma_start3A_533 = tpu.memref_slice %arg9[%dma_start3A_523, %dma_start3A_532] : memref<2x512xi32, #tpu.memory_space<vmem>> -> memref<1x512xi32, #tpu.memory_space<vmem>>
        %dma_start3A_534 = tpu.memref_squeeze %dma_start3A_533 : memref<1x512xi32, #tpu.memory_space<vmem>> -> memref<512xi32, #tpu.memory_space<vmem>>
        %dma_start3A_535 = arith.constant 128 : i32
        %dma_start3A_536 = tpu.memref_slice %dma_start3A_534[%dma_start3A_535] : memref<512xi32, #tpu.memory_space<vmem>> -> memref<128xi32, #tpu.memory_space<vmem>>
        %dma_start3A_537 = arith.constant 0 : i32
        %dma_start3A_538 = arith.constant 0 : i32
        %dma_start3A_539 = tpu.memref_slice %arg3[%dma_start3A_537, %dma_start3A_538] : memref<10000x16xf32, #tpu.memory_space<hbm>> -> memref<10000x16xf32, #tpu.memory_space<hbm>>
        tpu.enqueue_indirect_dma source(%dma_start3A_539 : memref<10000x16xf32, #tpu.memory_space<hbm>>) target(%dma_start3A_531 : memref<128x16xf32, #tpu.memory_space<vmem>>) offsets(%dma_start3A_536 : memref<128xi32, #tpu.memory_space<vmem>>) semaphore(%arg16 : memref<!tpu.dma_semaphore, #tpu.memory_space<semaphore_mem>>)
        %dma_start3A_540 = arith.constant 0 : i32
        %dma_start3A_541 = arith.constant 0 : i32
        %dma_start3A_542 = arith.constant 0 : i32
        %dma_start3A_543 = arith.constant 0 : i32
        %dma_start3A_544 = tpu.memref_slice %arg10[%dma_start3A_541, %dma_start3A_542, %dma_start3A_543] : memref<2x512x16xf32, #tpu.memory_space<vmem>> -> memref<1x512x16xf32, #tpu.memory_space<vmem>>
        %dma_start3A_545 = tpu.memref_squeeze %dma_start3A_544 : memref<1x512x16xf32, #tpu.memory_space<vmem>> -> memref<512x16xf32, #tpu.memory_space<vmem>>
        %dma_start3A_546 = arith.constant 256 : i32
        %dma_start3A_547 = arith.constant 0 : i32
        %dma_start3A_548 = tpu.memref_slice %dma_start3A_545[%dma_start3A_546, %dma_start3A_547] : memref<512x16xf32, #tpu.memory_space<vmem>> -> memref<128x16xf32, #tpu.memory_space<vmem>>
        %dma_start3A_549 = arith.constant 0 : i32
        %dma_start3A_550 = tpu.memref_slice %arg8[%dma_start3A_540, %dma_start3A_549] : memref<2x512xi32, #tpu.memory_space<vmem>> -> memref<1x512xi32, #tpu.memory_space<vmem>>
        %dma_start3A_551 = tpu.memref_squeeze %dma_start3A_550 : memref<1x512xi32, #tpu.memory_space<vmem>> -> memref<512xi32, #tpu.memory_space<vmem>>
        %dma_start3A_552 = arith.constant 256 : i32
        %dma_start3A_553 = tpu.memref_slice %dma_start3A_551[%dma_start3A_552] : memref<512xi32, #tpu.memory_space<vmem>> -> memref<128xi32, #tpu.memory_space<vmem>>
        %dma_start3A_554 = arith.constant 0 : i32
        %dma_start3A_555 = arith.constant 0 : i32
        %dma_start3A_556 = tpu.memref_slice %arg2[%dma_start3A_554, %dma_start3A_555] : memref<10000x16xf32, #tpu.memory_space<hbm>> -> memref<10000x16xf32, #tpu.memory_space<hbm>>
        tpu.enqueue_indirect_dma source(%dma_start3A_556 : memref<10000x16xf32, #tpu.memory_space<hbm>>) target(%dma_start3A_548 : memref<128x16xf32, #tpu.memory_space<vmem>>) offsets(%dma_start3A_553 : memref<128xi32, #tpu.memory_space<vmem>>) semaphore(%arg15 : memref<!tpu.dma_semaphore, #tpu.memory_space<semaphore_mem>>)
        %dma_start3A_557 = arith.constant 0 : i32
        %dma_start3A_558 = arith.constant 0 : i32
        %dma_start3A_559 = arith.constant 0 : i32
        %dma_start3A_560 = arith.constant 0 : i32
        %dma_start3A_561 = tpu.memref_slice %arg11[%dma_start3A_558, %dma_start3A_559, %dma_start3A_560] : memref<2x512x16xf32, #tpu.memory_space<vmem>> -> memref<1x512x16xf32, #tpu.memory_space<vmem>>
        %dma_start3A_562 = tpu.memref_squeeze %dma_start3A_561 : memref<1x512x16xf32, #tpu.memory_space<vmem>> -> memref<512x16xf32, #tpu.memory_space<vmem>>
        %dma_start3A_563 = arith.constant 256 : i32
        %dma_start3A_564 = arith.constant 0 : i32
        %dma_start3A_565 = tpu.memref_slice %dma_start3A_562[%dma_start3A_563, %dma_start3A_564] : memref<512x16xf32, #tpu.memory_space<vmem>> -> memref<128x16xf32, #tpu.memory_space<vmem>>
        %dma_start3A_566 = arith.constant 0 : i32
        %dma_start3A_567 = tpu.memref_slice %arg9[%dma_start3A_557, %dma_start3A_566] : memref<2x512xi32, #tpu.memory_space<vmem>> -> memref<1x512xi32, #tpu.memory_space<vmem>>
        %dma_start3A_568 = tpu.memref_squeeze %dma_start3A_567 : memref<1x512xi32, #tpu.memory_space<vmem>> -> memref<512xi32, #tpu.memory_space<vmem>>
        %dma_start3A_569 = arith.constant 256 : i32
        %dma_start3A_570 = tpu.memref_slice %dma_start3A_568[%dma_start3A_569] : memref<512xi32, #tpu.memory_space<vmem>> -> memref<128xi32, #tpu.memory_space<vmem>>
        %dma_start3A_571 = arith.constant 0 : i32
        %dma_start3A_572 = arith.constant 0 : i32
        %dma_start3A_573 = tpu.memref_slice %arg3[%dma_start3A_571, %dma_start3A_572] : memref<10000x16xf32, #tpu.memory_space<hbm>> -> memref<10000x16xf32, #tpu.memory_space<hbm>>
        tpu.enqueue_indirect_dma source(%dma_start3A_573 : memref<10000x16xf32, #tpu.memory_space<hbm>>) target(%dma_start3A_565 : memref<128x16xf32, #tpu.memory_space<vmem>>) offsets(%dma_start3A_570 : memref<128xi32, #tpu.memory_space<vmem>>) semaphore(%arg16 : memref<!tpu.dma_semaphore, #tpu.memory_space<semaphore_mem>>)
        %dma_start3A_574 = arith.constant 0 : i32
        %dma_start3A_575 = arith.constant 0 : i32
        %dma_start3A_576 = arith.constant 0 : i32
        %dma_start3A_577 = arith.constant 0 : i32
        %dma_start3A_578 = tpu.memref_slice %arg10[%dma_start3A_575, %dma_start3A_576, %dma_start3A_577] : memref<2x512x16xf32, #tpu.memory_space<vmem>> -> memref<1x512x16xf32, #tpu.memory_space<vmem>>
        %dma_start3A_579 = tpu.memref_squeeze %dma_start3A_578 : memref<1x512x16xf32, #tpu.memory_space<vmem>> -> memref<512x16xf32, #tpu.memory_space<vmem>>
        %dma_start3A_580 = arith.constant 384 : i32
        %dma_start3A_581 = arith.constant 0 : i32
        %dma_start3A_582 = tpu.memref_slice %dma_start3A_579[%dma_start3A_580, %dma_start3A_581] : memref<512x16xf32, #tpu.memory_space<vmem>> -> memref<128x16xf32, #tpu.memory_space<vmem>>
        %dma_start3A_583 = arith.constant 0 : i32
        %dma_start3A_584 = tpu.memref_slice %arg8[%dma_start3A_574, %dma_start3A_583] : memref<2x512xi32, #tpu.memory_space<vmem>> -> memref<1x512xi32, #tpu.memory_space<vmem>>
        %dma_start3A_585 = tpu.memref_squeeze %dma_start3A_584 : memref<1x512xi32, #tpu.memory_space<vmem>> -> memref<512xi32, #tpu.memory_space<vmem>>
        %dma_start3A_586 = arith.constant 384 : i32
        %dma_start3A_587 = tpu.memref_slice %dma_start3A_585[%dma_start3A_586] : memref<512xi32, #tpu.memory_space<vmem>> -> memref<128xi32, #tpu.memory_space<vmem>>
        %dma_start3A_588 = arith.constant 0 : i32
        %dma_start3A_589 = arith.constant 0 : i32
        %dma_start3A_590 = tpu.memref_slice %arg2[%dma_start3A_588, %dma_start3A_589] : memref<10000x16xf32, #tpu.memory_space<hbm>> -> memref<10000x16xf32, #tpu.memory_space<hbm>>
        tpu.enqueue_indirect_dma source(%dma_start3A_590 : memref<10000x16xf32, #tpu.memory_space<hbm>>) target(%dma_start3A_582 : memref<128x16xf32, #tpu.memory_space<vmem>>) offsets(%dma_start3A_587 : memref<128xi32, #tpu.memory_space<vmem>>) semaphore(%arg15 : memref<!tpu.dma_semaphore, #tpu.memory_space<semaphore_mem>>)
        %dma_start3A_591 = arith.constant 0 : i32
        %dma_start3A_592 = arith.constant 0 : i32
        %dma_start3A_593 = arith.constant 0 : i32
        %dma_start3A_594 = arith.constant 0 : i32
        %dma_start3A_595 = tpu.memref_slice %arg11[%dma_start3A_592, %dma_start3A_593, %dma_start3A_594] : memref<2x512x16xf32, #tpu.memory_space<vmem>> -> memref<1x512x16xf32, #tpu.memory_space<vmem>>
        %dma_start3A_596 = tpu.memref_squeeze %dma_start3A_595 : memref<1x512x16xf32, #tpu.memory_space<vmem>> -> memref<512x16xf32, #tpu.memory_space<vmem>>
        %dma_start3A_597 = arith.constant 384 : i32
        %dma_start3A_598 = arith.constant 0 : i32
        %dma_start3A_599 = tpu.memref_slice %dma_start3A_596[%dma_start3A_597, %dma_start3A_598] : memref<512x16xf32, #tpu.memory_space<vmem>> -> memref<128x16xf32, #tpu.memory_space<vmem>>
        %dma_start3A_600 = arith.constant 0 : i32
        %dma_start3A_601 = tpu.memref_slice %arg9[%dma_start3A_591, %dma_start3A_600] : memref<2x512xi32, #tpu.memory_space<vmem>> -> memref<1x512xi32, #tpu.memory_space<vmem>>
        %dma_start3A_602 = tpu.memref_squeeze %dma_start3A_601 : memref<1x512xi32, #tpu.memory_space<vmem>> -> memref<512xi32, #tpu.memory_space<vmem>>
        %dma_start3A_603 = arith.constant 384 : i32
        %dma_start3A_604 = tpu.memref_slice %dma_start3A_602[%dma_start3A_603] : memref<512xi32, #tpu.memory_space<vmem>> -> memref<128xi32, #tpu.memory_space<vmem>>
        %dma_start3A_605 = arith.constant 0 : i32
        %dma_start3A_606 = arith.constant 0 : i32
        %dma_start3A_607 = tpu.memref_slice %arg3[%dma_start3A_605, %dma_start3A_606] : memref<10000x16xf32, #tpu.memory_space<hbm>> -> memref<10000x16xf32, #tpu.memory_space<hbm>>
        tpu.enqueue_indirect_dma source(%dma_start3A_607 : memref<10000x16xf32, #tpu.memory_space<hbm>>) target(%dma_start3A_599 : memref<128x16xf32, #tpu.memory_space<vmem>>) offsets(%dma_start3A_604 : memref<128xi32, #tpu.memory_space<vmem>>) semaphore(%arg16 : memref<!tpu.dma_semaphore, #tpu.memory_space<semaphore_mem>>)
        %dma_start3A_608 = arith.constant 0 : i32
        %dma_start3A_609 = arith.constant 0 : i32
        %dma_start3A_610 = arith.constant 0 : i32
        %dma_start3A_611 = arith.constant 0 : i32
        %dma_start3A_612 = arith.constant 0 : i32
        %dma_start3A_613 = tpu.memref_slice %arg12[%dma_start3A_609, %dma_start3A_610, %dma_start3A_611, %dma_start3A_612] : memref<2x4x16x128xf32, #tpu.memory_space<vmem>> -> memref<1x4x16x128xf32, #tpu.memory_space<vmem>>
        %dma_start3A_614 = tpu.memref_squeeze %dma_start3A_613 : memref<1x4x16x128xf32, #tpu.memory_space<vmem>> -> memref<4x16x128xf32, #tpu.memory_space<vmem>>
        %dma_start3A_615 = arith.constant 0 : i32
        %dma_start3A_616 = arith.constant 0 : i32
        %dma_start3A_617 = arith.constant 0 : i32
        %dma_start3A_618 = tpu.memref_slice %dma_start3A_614[%dma_start3A_615, %dma_start3A_616, %dma_start3A_617] : memref<4x16x128xf32, #tpu.memory_space<vmem>> -> memref<4x8x128xf32, #tpu.memory_space<vmem>>
        %dma_start3A_619 = arith.constant 0 : i32
        %dma_start3A_620 = arith.constant 0 : i32
        %dma_start3A_621 = tpu.memref_slice %arg6[%dma_start3A_608, %multiple_of3A_469, %dma_start3A_619, %dma_start3A_620] : memref<2x2500x8x128xf32, #tpu.memory_space<hbm>> -> memref<1x4x8x128xf32, #tpu.memory_space<hbm>>
        %dma_start3A_622 = tpu.memref_squeeze %dma_start3A_621 : memref<1x4x8x128xf32, #tpu.memory_space<hbm>> -> memref<4x8x128xf32, #tpu.memory_space<hbm>>
        %dma_start3A_623 = arith.constant 0 : i32
        %dma_start3A_624 = arith.constant 0 : i32
        %dma_start3A_625 = arith.constant 0 : i32
        %dma_start3A_626 = tpu.memref_slice %arg12[%dma_start3A_609, %dma_start3A_623, %dma_start3A_624, %dma_start3A_625] : memref<2x4x16x128xf32, #tpu.memory_space<vmem>> -> memref<1x4x16x128xf32, #tpu.memory_space<vmem>>
        %dma_start3A_627 = tpu.memref_squeeze %dma_start3A_626 : memref<1x4x16x128xf32, #tpu.memory_space<vmem>> -> memref<4x16x128xf32, #tpu.memory_space<vmem>>
        %dma_start3A_628 = arith.constant 0 : i32
        %dma_start3A_629 = arith.constant 0 : i32
        %dma_start3A_630 = arith.constant 0 : i32
        %dma_start3A_631 = tpu.memref_slice %dma_start3A_627[%dma_start3A_628, %dma_start3A_629, %dma_start3A_630] : memref<4x16x128xf32, #tpu.memory_space<vmem>> -> memref<4x8x128xf32, #tpu.memory_space<vmem>>
        %dma_start3A_632 = arith.constant 0 : i32
        %dma_start3A_633 = arith.constant 0 : i32
        %dma_start3A_634 = tpu.memref_slice %arg6[%dma_start3A_608, %multiple_of3A_469, %dma_start3A_632, %dma_start3A_633] : memref<2x2500x8x128xf32, #tpu.memory_space<hbm>> -> memref<1x4x8x128xf32, #tpu.memory_space<hbm>>
        %dma_start3A_635 = tpu.memref_squeeze %dma_start3A_634 : memref<1x4x8x128xf32, #tpu.memory_space<hbm>> -> memref<4x8x128xf32, #tpu.memory_space<hbm>>
        tpu.enqueue_dma source(%dma_start3A_635 : memref<4x8x128xf32, #tpu.memory_space<hbm>>) target(%dma_start3A_631 : memref<4x8x128xf32, #tpu.memory_space<vmem>>) target_semaphore(%arg17 : memref<!tpu.dma_semaphore, #tpu.memory_space<semaphore_mem>>)
        %dma_start3A_636 = arith.constant 1 : i32
        %dma_start3A_637 = arith.constant 0 : i32
        %dma_start3A_638 = arith.constant 0 : i32
        %dma_start3A_639 = arith.constant 0 : i32
        %dma_start3A_640 = arith.constant 0 : i32
        %dma_start3A_641 = tpu.memref_slice %arg12[%dma_start3A_637, %dma_start3A_638, %dma_start3A_639, %dma_start3A_640] : memref<2x4x16x128xf32, #tpu.memory_space<vmem>> -> memref<1x4x16x128xf32, #tpu.memory_space<vmem>>
        %dma_start3A_642 = tpu.memref_squeeze %dma_start3A_641 : memref<1x4x16x128xf32, #tpu.memory_space<vmem>> -> memref<4x16x128xf32, #tpu.memory_space<vmem>>
        %dma_start3A_643 = arith.constant 0 : i32
        %dma_start3A_644 = arith.constant 8 : i32
        %dma_start3A_645 = arith.constant 0 : i32
        %dma_start3A_646 = tpu.memref_slice %dma_start3A_642[%dma_start3A_643, %dma_start3A_644, %dma_start3A_645] : memref<4x16x128xf32, #tpu.memory_space<vmem>> -> memref<4x8x128xf32, #tpu.memory_space<vmem>>
        %dma_start3A_647 = arith.constant 0 : i32
        %dma_start3A_648 = arith.constant 0 : i32
        %dma_start3A_649 = tpu.memref_slice %arg6[%dma_start3A_636, %multiple_of3A_469, %dma_start3A_647, %dma_start3A_648] : memref<2x2500x8x128xf32, #tpu.memory_space<hbm>> -> memref<1x4x8x128xf32, #tpu.memory_space<hbm>>
        %dma_start3A_650 = tpu.memref_squeeze %dma_start3A_649 : memref<1x4x8x128xf32, #tpu.memory_space<hbm>> -> memref<4x8x128xf32, #tpu.memory_space<hbm>>
        %dma_start3A_651 = arith.constant 0 : i32
        %dma_start3A_652 = arith.constant 0 : i32
        %dma_start3A_653 = arith.constant 0 : i32
        %dma_start3A_654 = tpu.memref_slice %arg12[%dma_start3A_637, %dma_start3A_651, %dma_start3A_652, %dma_start3A_653] : memref<2x4x16x128xf32, #tpu.memory_space<vmem>> -> memref<1x4x16x128xf32, #tpu.memory_space<vmem>>
        %dma_start3A_655 = tpu.memref_squeeze %dma_start3A_654 : memref<1x4x16x128xf32, #tpu.memory_space<vmem>> -> memref<4x16x128xf32, #tpu.memory_space<vmem>>
        %dma_start3A_656 = arith.constant 0 : i32
        %dma_start3A_657 = arith.constant 8 : i32
        %dma_start3A_658 = arith.constant 0 : i32
        %dma_start3A_659 = tpu.memref_slice %dma_start3A_655[%dma_start3A_656, %dma_start3A_657, %dma_start3A_658] : memref<4x16x128xf32, #tpu.memory_space<vmem>> -> memref<4x8x128xf32, #tpu.memory_space<vmem>>
        %dma_start3A_660 = arith.constant 0 : i32
        %dma_start3A_661 = arith.constant 0 : i32
        %dma_start3A_662 = tpu.memref_slice %arg6[%dma_start3A_636, %multiple_of3A_469, %dma_start3A_660, %dma_start3A_661] : memref<2x2500x8x128xf32, #tpu.memory_space<hbm>> -> memref<1x4x8x128xf32, #tpu.memory_space<hbm>>
        %dma_start3A_663 = tpu.memref_squeeze %dma_start3A_662 : memref<1x4x8x128xf32, #tpu.memory_space<hbm>> -> memref<4x8x128xf32, #tpu.memory_space<hbm>>
        tpu.enqueue_dma source(%dma_start3A_663 : memref<4x8x128xf32, #tpu.memory_space<hbm>>) target(%dma_start3A_659 : memref<4x8x128xf32, #tpu.memory_space<vmem>>) target_semaphore(%arg17 : memref<!tpu.dma_semaphore, #tpu.memory_space<semaphore_mem>>)
      } else {
      }
      %lt3A_458 = arith.cmpi slt, %add3A_235, %select_n3A : i32
      %convert_element_type3A_459 = arith.extui %lt3A_458 : i1 to i32
      %cond3A_460 = arith.constant 0 : i32
      %cond3A_461 = arith.cmpi ne, %convert_element_type3A_459, %cond3A_460 : i32
      scf.if %cond3A_461 {
        %mul3A_462 = arith.constant 4 : i32
        %mul3A_463 = arith.muli %add3A_243, %mul3A_462 : i32
        %multiple_of3A_464 = tpu.assume_multiple %mul3A_463, 4 : i32
        %dma_wait3A_465 = arith.constant 1 : i32
        %dma_wait3A_466 = arith.constant 1 : i32
        %dma_wait3A_467 = arith.constant 0 : i32
        %dma_wait3A_468 = arith.constant 0 : i32
        %dma_wait3A_469 = tpu.memref_slice %arg10[%dma_wait3A_466, %dma_wait3A_467, %dma_wait3A_468] : memref<2x512x16xf32, #tpu.memory_space<vmem>> -> memref<1x512x16xf32, #tpu.memory_space<vmem>>
        %dma_wait3A_470 = tpu.memref_squeeze %dma_wait3A_469 : memref<1x512x16xf32, #tpu.memory_space<vmem>> -> memref<512x16xf32, #tpu.memory_space<vmem>>
        %dma_wait3A_471 = arith.constant 0 : i32
        %dma_wait3A_472 = arith.constant 0 : i32
        %dma_wait3A_473 = tpu.memref_slice %dma_wait3A_470[%dma_wait3A_471, %dma_wait3A_472] : memref<512x16xf32, #tpu.memory_space<vmem>> -> memref<128x16xf32, #tpu.memory_space<vmem>>
        %dma_wait3A_474 = arith.constant 0 : i32
        %dma_wait3A_475 = tpu.memref_slice %arg8[%dma_wait3A_465, %dma_wait3A_474] : memref<2x512xi32, #tpu.memory_space<vmem>> -> memref<1x512xi32, #tpu.memory_space<vmem>>
        %dma_wait3A_476 = tpu.memref_squeeze %dma_wait3A_475 : memref<1x512xi32, #tpu.memory_space<vmem>> -> memref<512xi32, #tpu.memory_space<vmem>>
        %dma_wait3A_477 = arith.constant 0 : i32
        %dma_wait3A_478 = tpu.memref_slice %dma_wait3A_476[%dma_wait3A_477] : memref<512xi32, #tpu.memory_space<vmem>> -> memref<128xi32, #tpu.memory_space<vmem>>
        %dma_wait3A_479 = arith.constant 0 : i32
        %dma_wait3A_480 = arith.constant 0 : i32
        %dma_wait3A_481 = tpu.memref_slice %arg2[%dma_wait3A_479, %dma_wait3A_480] : memref<10000x16xf32, #tpu.memory_space<hbm>> -> memref<10000x16xf32, #tpu.memory_space<hbm>>
        tpu.wait_indirect_dma semaphore(%arg18 : memref<!tpu.dma_semaphore, #tpu.memory_space<semaphore_mem>>) src(%dma_wait3A_481 : memref<10000x16xf32, #tpu.memory_space<hbm>>) dst(%dma_wait3A_473 : memref<128x16xf32, #tpu.memory_space<vmem>>)
        %dma_wait3A_482 = arith.constant 1 : i32
        %dma_wait3A_483 = arith.constant 1 : i32
        %dma_wait3A_484 = arith.constant 0 : i32
        %dma_wait3A_485 = arith.constant 0 : i32
        %dma_wait3A_486 = tpu.memref_slice %arg11[%dma_wait3A_483, %dma_wait3A_484, %dma_wait3A_485] : memref<2x512x16xf32, #tpu.memory_space<vmem>> -> memref<1x512x16xf32, #tpu.memory_space<vmem>>
        %dma_wait3A_487 = tpu.memref_squeeze %dma_wait3A_486 : memref<1x512x16xf32, #tpu.memory_space<vmem>> -> memref<512x16xf32, #tpu.memory_space<vmem>>
        %dma_wait3A_488 = arith.constant 0 : i32
        %dma_wait3A_489 = arith.constant 0 : i32
        %dma_wait3A_490 = tpu.memref_slice %dma_wait3A_487[%dma_wait3A_488, %dma_wait3A_489] : memref<512x16xf32, #tpu.memory_space<vmem>> -> memref<128x16xf32, #tpu.memory_space<vmem>>
        %dma_wait3A_491 = arith.constant 0 : i32
        %dma_wait3A_492 = tpu.memref_slice %arg9[%dma_wait3A_482, %dma_wait3A_491] : memref<2x512xi32, #tpu.memory_space<vmem>> -> memref<1x512xi32, #tpu.memory_space<vmem>>
        %dma_wait3A_493 = tpu.memref_squeeze %dma_wait3A_492 : memref<1x512xi32, #tpu.memory_space<vmem>> -> memref<512xi32, #tpu.memory_space<vmem>>
        %dma_wait3A_494 = arith.constant 0 : i32
        %dma_wait3A_495 = tpu.memref_slice %dma_wait3A_493[%dma_wait3A_494] : memref<512xi32, #tpu.memory_space<vmem>> -> memref<128xi32, #tpu.memory_space<vmem>>
        %dma_wait3A_496 = arith.constant 0 : i32
        %dma_wait3A_497 = arith.constant 0 : i32
        %dma_wait3A_498 = tpu.memref_slice %arg3[%dma_wait3A_496, %dma_wait3A_497] : memref<10000x16xf32, #tpu.memory_space<hbm>> -> memref<10000x16xf32, #tpu.memory_space<hbm>>
        tpu.wait_indirect_dma semaphore(%arg19 : memref<!tpu.dma_semaphore, #tpu.memory_space<semaphore_mem>>) src(%dma_wait3A_498 : memref<10000x16xf32, #tpu.memory_space<hbm>>) dst(%dma_wait3A_490 : memref<128x16xf32, #tpu.memory_space<vmem>>)
        %dma_wait3A_499 = arith.constant 1 : i32
        %dma_wait3A_500 = arith.constant 1 : i32
        %dma_wait3A_501 = arith.constant 0 : i32
        %dma_wait3A_502 = arith.constant 0 : i32
        %dma_wait3A_503 = tpu.memref_slice %arg10[%dma_wait3A_500, %dma_wait3A_501, %dma_wait3A_502] : memref<2x512x16xf32, #tpu.memory_space<vmem>> -> memref<1x512x16xf32, #tpu.memory_space<vmem>>
        %dma_wait3A_504 = tpu.memref_squeeze %dma_wait3A_503 : memref<1x512x16xf32, #tpu.memory_space<vmem>> -> memref<512x16xf32, #tpu.memory_space<vmem>>
        %dma_wait3A_505 = arith.constant 128 : i32
        %dma_wait3A_506 = arith.constant 0 : i32
        %dma_wait3A_507 = tpu.memref_slice %dma_wait3A_504[%dma_wait3A_505, %dma_wait3A_506] : memref<512x16xf32, #tpu.memory_space<vmem>> -> memref<128x16xf32, #tpu.memory_space<vmem>>
        %dma_wait3A_508 = arith.constant 0 : i32
        %dma_wait3A_509 = tpu.memref_slice %arg8[%dma_wait3A_499, %dma_wait3A_508] : memref<2x512xi32, #tpu.memory_space<vmem>> -> memref<1x512xi32, #tpu.memory_space<vmem>>
        %dma_wait3A_510 = tpu.memref_squeeze %dma_wait3A_509 : memref<1x512xi32, #tpu.memory_space<vmem>> -> memref<512xi32, #tpu.memory_space<vmem>>
        %dma_wait3A_511 = arith.constant 128 : i32
        %dma_wait3A_512 = tpu.memref_slice %dma_wait3A_510[%dma_wait3A_511] : memref<512xi32, #tpu.memory_space<vmem>> -> memref<128xi32, #tpu.memory_space<vmem>>
        %dma_wait3A_513 = arith.constant 0 : i32
        %dma_wait3A_514 = arith.constant 0 : i32
        %dma_wait3A_515 = tpu.memref_slice %arg2[%dma_wait3A_513, %dma_wait3A_514] : memref<10000x16xf32, #tpu.memory_space<hbm>> -> memref<10000x16xf32, #tpu.memory_space<hbm>>
        tpu.wait_indirect_dma semaphore(%arg18 : memref<!tpu.dma_semaphore, #tpu.memory_space<semaphore_mem>>) src(%dma_wait3A_515 : memref<10000x16xf32, #tpu.memory_space<hbm>>) dst(%dma_wait3A_507 : memref<128x16xf32, #tpu.memory_space<vmem>>)
        %dma_wait3A_516 = arith.constant 1 : i32
        %dma_wait3A_517 = arith.constant 1 : i32
        %dma_wait3A_518 = arith.constant 0 : i32
        %dma_wait3A_519 = arith.constant 0 : i32
        %dma_wait3A_520 = tpu.memref_slice %arg11[%dma_wait3A_517, %dma_wait3A_518, %dma_wait3A_519] : memref<2x512x16xf32, #tpu.memory_space<vmem>> -> memref<1x512x16xf32, #tpu.memory_space<vmem>>
        %dma_wait3A_521 = tpu.memref_squeeze %dma_wait3A_520 : memref<1x512x16xf32, #tpu.memory_space<vmem>> -> memref<512x16xf32, #tpu.memory_space<vmem>>
        %dma_wait3A_522 = arith.constant 128 : i32
        %dma_wait3A_523 = arith.constant 0 : i32
        %dma_wait3A_524 = tpu.memref_slice %dma_wait3A_521[%dma_wait3A_522, %dma_wait3A_523] : memref<512x16xf32, #tpu.memory_space<vmem>> -> memref<128x16xf32, #tpu.memory_space<vmem>>
        %dma_wait3A_525 = arith.constant 0 : i32
        %dma_wait3A_526 = tpu.memref_slice %arg9[%dma_wait3A_516, %dma_wait3A_525] : memref<2x512xi32, #tpu.memory_space<vmem>> -> memref<1x512xi32, #tpu.memory_space<vmem>>
        %dma_wait3A_527 = tpu.memref_squeeze %dma_wait3A_526 : memref<1x512xi32, #tpu.memory_space<vmem>> -> memref<512xi32, #tpu.memory_space<vmem>>
        %dma_wait3A_528 = arith.constant 128 : i32
        %dma_wait3A_529 = tpu.memref_slice %dma_wait3A_527[%dma_wait3A_528] : memref<512xi32, #tpu.memory_space<vmem>> -> memref<128xi32, #tpu.memory_space<vmem>>
        %dma_wait3A_530 = arith.constant 0 : i32
        %dma_wait3A_531 = arith.constant 0 : i32
        %dma_wait3A_532 = tpu.memref_slice %arg3[%dma_wait3A_530, %dma_wait3A_531] : memref<10000x16xf32, #tpu.memory_space<hbm>> -> memref<10000x16xf32, #tpu.memory_space<hbm>>
        tpu.wait_indirect_dma semaphore(%arg19 : memref<!tpu.dma_semaphore, #tpu.memory_space<semaphore_mem>>) src(%dma_wait3A_532 : memref<10000x16xf32, #tpu.memory_space<hbm>>) dst(%dma_wait3A_524 : memref<128x16xf32, #tpu.memory_space<vmem>>)
        %dma_wait3A_533 = arith.constant 1 : i32
        %dma_wait3A_534 = arith.constant 1 : i32
        %dma_wait3A_535 = arith.constant 0 : i32
        %dma_wait3A_536 = arith.constant 0 : i32
        %dma_wait3A_537 = tpu.memref_slice %arg10[%dma_wait3A_534, %dma_wait3A_535, %dma_wait3A_536] : memref<2x512x16xf32, #tpu.memory_space<vmem>> -> memref<1x512x16xf32, #tpu.memory_space<vmem>>
        %dma_wait3A_538 = tpu.memref_squeeze %dma_wait3A_537 : memref<1x512x16xf32, #tpu.memory_space<vmem>> -> memref<512x16xf32, #tpu.memory_space<vmem>>
        %dma_wait3A_539 = arith.constant 256 : i32
        %dma_wait3A_540 = arith.constant 0 : i32
        %dma_wait3A_541 = tpu.memref_slice %dma_wait3A_538[%dma_wait3A_539, %dma_wait3A_540] : memref<512x16xf32, #tpu.memory_space<vmem>> -> memref<128x16xf32, #tpu.memory_space<vmem>>
        %dma_wait3A_542 = arith.constant 0 : i32
        %dma_wait3A_543 = tpu.memref_slice %arg8[%dma_wait3A_533, %dma_wait3A_542] : memref<2x512xi32, #tpu.memory_space<vmem>> -> memref<1x512xi32, #tpu.memory_space<vmem>>
        %dma_wait3A_544 = tpu.memref_squeeze %dma_wait3A_543 : memref<1x512xi32, #tpu.memory_space<vmem>> -> memref<512xi32, #tpu.memory_space<vmem>>
        %dma_wait3A_545 = arith.constant 256 : i32
        %dma_wait3A_546 = tpu.memref_slice %dma_wait3A_544[%dma_wait3A_545] : memref<512xi32, #tpu.memory_space<vmem>> -> memref<128xi32, #tpu.memory_space<vmem>>
        %dma_wait3A_547 = arith.constant 0 : i32
        %dma_wait3A_548 = arith.constant 0 : i32
        %dma_wait3A_549 = tpu.memref_slice %arg2[%dma_wait3A_547, %dma_wait3A_548] : memref<10000x16xf32, #tpu.memory_space<hbm>> -> memref<10000x16xf32, #tpu.memory_space<hbm>>
        tpu.wait_indirect_dma semaphore(%arg18 : memref<!tpu.dma_semaphore, #tpu.memory_space<semaphore_mem>>) src(%dma_wait3A_549 : memref<10000x16xf32, #tpu.memory_space<hbm>>) dst(%dma_wait3A_541 : memref<128x16xf32, #tpu.memory_space<vmem>>)
        %dma_wait3A_550 = arith.constant 1 : i32
        %dma_wait3A_551 = arith.constant 1 : i32
        %dma_wait3A_552 = arith.constant 0 : i32
        %dma_wait3A_553 = arith.constant 0 : i32
        %dma_wait3A_554 = tpu.memref_slice %arg11[%dma_wait3A_551, %dma_wait3A_552, %dma_wait3A_553] : memref<2x512x16xf32, #tpu.memory_space<vmem>> -> memref<1x512x16xf32, #tpu.memory_space<vmem>>
        %dma_wait3A_555 = tpu.memref_squeeze %dma_wait3A_554 : memref<1x512x16xf32, #tpu.memory_space<vmem>> -> memref<512x16xf32, #tpu.memory_space<vmem>>
        %dma_wait3A_556 = arith.constant 256 : i32
        %dma_wait3A_557 = arith.constant 0 : i32
        %dma_wait3A_558 = tpu.memref_slice %dma_wait3A_555[%dma_wait3A_556, %dma_wait3A_557] : memref<512x16xf32, #tpu.memory_space<vmem>> -> memref<128x16xf32, #tpu.memory_space<vmem>>
        %dma_wait3A_559 = arith.constant 0 : i32
        %dma_wait3A_560 = tpu.memref_slice %arg9[%dma_wait3A_550, %dma_wait3A_559] : memref<2x512xi32, #tpu.memory_space<vmem>> -> memref<1x512xi32, #tpu.memory_space<vmem>>
        %dma_wait3A_561 = tpu.memref_squeeze %dma_wait3A_560 : memref<1x512xi32, #tpu.memory_space<vmem>> -> memref<512xi32, #tpu.memory_space<vmem>>
        %dma_wait3A_562 = arith.constant 256 : i32
        %dma_wait3A_563 = tpu.memref_slice %dma_wait3A_561[%dma_wait3A_562] : memref<512xi32, #tpu.memory_space<vmem>> -> memref<128xi32, #tpu.memory_space<vmem>>
        %dma_wait3A_564 = arith.constant 0 : i32
        %dma_wait3A_565 = arith.constant 0 : i32
        %dma_wait3A_566 = tpu.memref_slice %arg3[%dma_wait3A_564, %dma_wait3A_565] : memref<10000x16xf32, #tpu.memory_space<hbm>> -> memref<10000x16xf32, #tpu.memory_space<hbm>>
        tpu.wait_indirect_dma semaphore(%arg19 : memref<!tpu.dma_semaphore, #tpu.memory_space<semaphore_mem>>) src(%dma_wait3A_566 : memref<10000x16xf32, #tpu.memory_space<hbm>>) dst(%dma_wait3A_558 : memref<128x16xf32, #tpu.memory_space<vmem>>)
        %dma_wait3A_567 = arith.constant 1 : i32
        %dma_wait3A_568 = arith.constant 1 : i32
        %dma_wait3A_569 = arith.constant 0 : i32
        %dma_wait3A_570 = arith.constant 0 : i32
        %dma_wait3A_571 = tpu.memref_slice %arg10[%dma_wait3A_568, %dma_wait3A_569, %dma_wait3A_570] : memref<2x512x16xf32, #tpu.memory_space<vmem>> -> memref<1x512x16xf32, #tpu.memory_space<vmem>>
        %dma_wait3A_572 = tpu.memref_squeeze %dma_wait3A_571 : memref<1x512x16xf32, #tpu.memory_space<vmem>> -> memref<512x16xf32, #tpu.memory_space<vmem>>
        %dma_wait3A_573 = arith.constant 384 : i32
        %dma_wait3A_574 = arith.constant 0 : i32
        %dma_wait3A_575 = tpu.memref_slice %dma_wait3A_572[%dma_wait3A_573, %dma_wait3A_574] : memref<512x16xf32, #tpu.memory_space<vmem>> -> memref<128x16xf32, #tpu.memory_space<vmem>>
        %dma_wait3A_576 = arith.constant 0 : i32
        %dma_wait3A_577 = tpu.memref_slice %arg8[%dma_wait3A_567, %dma_wait3A_576] : memref<2x512xi32, #tpu.memory_space<vmem>> -> memref<1x512xi32, #tpu.memory_space<vmem>>
        %dma_wait3A_578 = tpu.memref_squeeze %dma_wait3A_577 : memref<1x512xi32, #tpu.memory_space<vmem>> -> memref<512xi32, #tpu.memory_space<vmem>>
        %dma_wait3A_579 = arith.constant 384 : i32
        %dma_wait3A_580 = tpu.memref_slice %dma_wait3A_578[%dma_wait3A_579] : memref<512xi32, #tpu.memory_space<vmem>> -> memref<128xi32, #tpu.memory_space<vmem>>
        %dma_wait3A_581 = arith.constant 0 : i32
        %dma_wait3A_582 = arith.constant 0 : i32
        %dma_wait3A_583 = tpu.memref_slice %arg2[%dma_wait3A_581, %dma_wait3A_582] : memref<10000x16xf32, #tpu.memory_space<hbm>> -> memref<10000x16xf32, #tpu.memory_space<hbm>>
        tpu.wait_indirect_dma semaphore(%arg18 : memref<!tpu.dma_semaphore, #tpu.memory_space<semaphore_mem>>) src(%dma_wait3A_583 : memref<10000x16xf32, #tpu.memory_space<hbm>>) dst(%dma_wait3A_575 : memref<128x16xf32, #tpu.memory_space<vmem>>)
        %dma_wait3A_584 = arith.constant 1 : i32
        %dma_wait3A_585 = arith.constant 1 : i32
        %dma_wait3A_586 = arith.constant 0 : i32
        %dma_wait3A_587 = arith.constant 0 : i32
        %dma_wait3A_588 = tpu.memref_slice %arg11[%dma_wait3A_585, %dma_wait3A_586, %dma_wait3A_587] : memref<2x512x16xf32, #tpu.memory_space<vmem>> -> memref<1x512x16xf32, #tpu.memory_space<vmem>>
        %dma_wait3A_589 = tpu.memref_squeeze %dma_wait3A_588 : memref<1x512x16xf32, #tpu.memory_space<vmem>> -> memref<512x16xf32, #tpu.memory_space<vmem>>
        %dma_wait3A_590 = arith.constant 384 : i32
        %dma_wait3A_591 = arith.constant 0 : i32
        %dma_wait3A_592 = tpu.memref_slice %dma_wait3A_589[%dma_wait3A_590, %dma_wait3A_591] : memref<512x16xf32, #tpu.memory_space<vmem>> -> memref<128x16xf32, #tpu.memory_space<vmem>>
        %dma_wait3A_593 = arith.constant 0 : i32
        %dma_wait3A_594 = tpu.memref_slice %arg9[%dma_wait3A_584, %dma_wait3A_593] : memref<2x512xi32, #tpu.memory_space<vmem>> -> memref<1x512xi32, #tpu.memory_space<vmem>>
        %dma_wait3A_595 = tpu.memref_squeeze %dma_wait3A_594 : memref<1x512xi32, #tpu.memory_space<vmem>> -> memref<512xi32, #tpu.memory_space<vmem>>
        %dma_wait3A_596 = arith.constant 384 : i32
        %dma_wait3A_597 = tpu.memref_slice %dma_wait3A_595[%dma_wait3A_596] : memref<512xi32, #tpu.memory_space<vmem>> -> memref<128xi32, #tpu.memory_space<vmem>>
        %dma_wait3A_598 = arith.constant 0 : i32
        %dma_wait3A_599 = arith.constant 0 : i32
        %dma_wait3A_600 = tpu.memref_slice %arg3[%dma_wait3A_598, %dma_wait3A_599] : memref<10000x16xf32, #tpu.memory_space<hbm>> -> memref<10000x16xf32, #tpu.memory_space<hbm>>
        tpu.wait_indirect_dma semaphore(%arg19 : memref<!tpu.dma_semaphore, #tpu.memory_space<semaphore_mem>>) src(%dma_wait3A_600 : memref<10000x16xf32, #tpu.memory_space<hbm>>) dst(%dma_wait3A_592 : memref<128x16xf32, #tpu.memory_space<vmem>>)
        %dma_wait3A_601 = arith.constant 0 : i32
        %dma_wait3A_602 = arith.constant 1 : i32
        %dma_wait3A_603 = arith.constant 0 : i32
        %dma_wait3A_604 = arith.constant 0 : i32
        %dma_wait3A_605 = arith.constant 0 : i32
        %dma_wait3A_606 = tpu.memref_slice %arg12[%dma_wait3A_602, %dma_wait3A_603, %dma_wait3A_604, %dma_wait3A_605] : memref<2x4x16x128xf32, #tpu.memory_space<vmem>> -> memref<1x4x16x128xf32, #tpu.memory_space<vmem>>
        %dma_wait3A_607 = tpu.memref_squeeze %dma_wait3A_606 : memref<1x4x16x128xf32, #tpu.memory_space<vmem>> -> memref<4x16x128xf32, #tpu.memory_space<vmem>>
        %dma_wait3A_608 = arith.constant 0 : i32
        %dma_wait3A_609 = arith.constant 0 : i32
        %dma_wait3A_610 = arith.constant 0 : i32
        %dma_wait3A_611 = tpu.memref_slice %dma_wait3A_607[%dma_wait3A_608, %dma_wait3A_609, %dma_wait3A_610] : memref<4x16x128xf32, #tpu.memory_space<vmem>> -> memref<4x8x128xf32, #tpu.memory_space<vmem>>
        %dma_wait3A_612 = arith.constant 0 : i32
        %dma_wait3A_613 = arith.constant 0 : i32
        %dma_wait3A_614 = tpu.memref_slice %arg6[%dma_wait3A_601, %multiple_of3A_464, %dma_wait3A_612, %dma_wait3A_613] : memref<2x2500x8x128xf32, #tpu.memory_space<hbm>> -> memref<1x4x8x128xf32, #tpu.memory_space<hbm>>
        %dma_wait3A_615 = tpu.memref_squeeze %dma_wait3A_614 : memref<1x4x8x128xf32, #tpu.memory_space<hbm>> -> memref<4x8x128xf32, #tpu.memory_space<hbm>>
        %dma_wait3A_616 = arith.constant 0 : i32
        %dma_wait3A_617 = arith.constant 0 : i32
        %dma_wait3A_618 = arith.constant 0 : i32
        %dma_wait3A_619 = tpu.memref_slice %arg12[%dma_wait3A_602, %dma_wait3A_616, %dma_wait3A_617, %dma_wait3A_618] : memref<2x4x16x128xf32, #tpu.memory_space<vmem>> -> memref<1x4x16x128xf32, #tpu.memory_space<vmem>>
        %dma_wait3A_620 = tpu.memref_squeeze %dma_wait3A_619 : memref<1x4x16x128xf32, #tpu.memory_space<vmem>> -> memref<4x16x128xf32, #tpu.memory_space<vmem>>
        %dma_wait3A_621 = arith.constant 0 : i32
        %dma_wait3A_622 = arith.constant 0 : i32
        %dma_wait3A_623 = arith.constant 0 : i32
        %dma_wait3A_624 = tpu.memref_slice %dma_wait3A_620[%dma_wait3A_621, %dma_wait3A_622, %dma_wait3A_623] : memref<4x16x128xf32, #tpu.memory_space<vmem>> -> memref<4x8x128xf32, #tpu.memory_space<vmem>>
        %dma_wait3A_625 = arith.constant 0 : i32
        %dma_wait3A_626 = arith.constant 0 : i32
        %dma_wait3A_627 = tpu.memref_slice %arg6[%dma_wait3A_601, %multiple_of3A_464, %dma_wait3A_625, %dma_wait3A_626] : memref<2x2500x8x128xf32, #tpu.memory_space<hbm>> -> memref<1x4x8x128xf32, #tpu.memory_space<hbm>>
        %dma_wait3A_628 = tpu.memref_squeeze %dma_wait3A_627 : memref<1x4x8x128xf32, #tpu.memory_space<hbm>> -> memref<4x8x128xf32, #tpu.memory_space<hbm>>
        tpu.wait_dma2 semaphore(%arg20 : memref<!tpu.dma_semaphore, #tpu.memory_space<semaphore_mem>>) src(%dma_wait3A_628 : memref<4x8x128xf32, #tpu.memory_space<hbm>>) dst(%dma_wait3A_624 : memref<4x8x128xf32, #tpu.memory_space<vmem>>)
        %dma_wait3A_629 = arith.constant 1 : i32
        %dma_wait3A_630 = arith.constant 1 : i32
        %dma_wait3A_631 = arith.constant 0 : i32
        %dma_wait3A_632 = arith.constant 0 : i32
        %dma_wait3A_633 = arith.constant 0 : i32
        %dma_wait3A_634 = tpu.memref_slice %arg12[%dma_wait3A_630, %dma_wait3A_631, %dma_wait3A_632, %dma_wait3A_633] : memref<2x4x16x128xf32, #tpu.memory_space<vmem>> -> memref<1x4x16x128xf32, #tpu.memory_space<vmem>>
        %dma_wait3A_635 = tpu.memref_squeeze %dma_wait3A_634 : memref<1x4x16x128xf32, #tpu.memory_space<vmem>> -> memref<4x16x128xf32, #tpu.memory_space<vmem>>
        %dma_wait3A_636 = arith.constant 0 : i32
        %dma_wait3A_637 = arith.constant 8 : i32
        %dma_wait3A_638 = arith.constant 0 : i32
        %dma_wait3A_639 = tpu.memref_slice %dma_wait3A_635[%dma_wait3A_636, %dma_wait3A_637, %dma_wait3A_638] : memref<4x16x128xf32, #tpu.memory_space<vmem>> -> memref<4x8x128xf32, #tpu.memory_space<vmem>>
        %dma_wait3A_640 = arith.constant 0 : i32
        %dma_wait3A_641 = arith.constant 0 : i32
        %dma_wait3A_642 = tpu.memref_slice %arg6[%dma_wait3A_629, %multiple_of3A_464, %dma_wait3A_640, %dma_wait3A_641] : memref<2x2500x8x128xf32, #tpu.memory_space<hbm>> -> memref<1x4x8x128xf32, #tpu.memory_space<hbm>>
        %dma_wait3A_643 = tpu.memref_squeeze %dma_wait3A_642 : memref<1x4x8x128xf32, #tpu.memory_space<hbm>> -> memref<4x8x128xf32, #tpu.memory_space<hbm>>
        %dma_wait3A_644 = arith.constant 0 : i32
        %dma_wait3A_645 = arith.constant 0 : i32
        %dma_wait3A_646 = arith.constant 0 : i32
        %dma_wait3A_647 = tpu.memref_slice %arg12[%dma_wait3A_630, %dma_wait3A_644, %dma_wait3A_645, %dma_wait3A_646] : memref<2x4x16x128xf32, #tpu.memory_space<vmem>> -> memref<1x4x16x128xf32, #tpu.memory_space<vmem>>
        %dma_wait3A_648 = tpu.memref_squeeze %dma_wait3A_647 : memref<1x4x16x128xf32, #tpu.memory_space<vmem>> -> memref<4x16x128xf32, #tpu.memory_space<vmem>>
        %dma_wait3A_649 = arith.constant 0 : i32
        %dma_wait3A_650 = arith.constant 8 : i32
        %dma_wait3A_651 = arith.constant 0 : i32
        %dma_wait3A_652 = tpu.memref_slice %dma_wait3A_648[%dma_wait3A_649, %dma_wait3A_650, %dma_wait3A_651] : memref<4x16x128xf32, #tpu.memory_space<vmem>> -> memref<4x8x128xf32, #tpu.memory_space<vmem>>
        %dma_wait3A_653 = arith.constant 0 : i32
        %dma_wait3A_654 = arith.constant 0 : i32
        %dma_wait3A_655 = tpu.memref_slice %arg6[%dma_wait3A_629, %multiple_of3A_464, %dma_wait3A_653, %dma_wait3A_654] : memref<2x2500x8x128xf32, #tpu.memory_space<hbm>> -> memref<1x4x8x128xf32, #tpu.memory_space<hbm>>
        %dma_wait3A_656 = tpu.memref_squeeze %dma_wait3A_655 : memref<1x4x8x128xf32, #tpu.memory_space<hbm>> -> memref<4x8x128xf32, #tpu.memory_space<hbm>>
        tpu.wait_dma2 semaphore(%arg20 : memref<!tpu.dma_semaphore, #tpu.memory_space<semaphore_mem>>) src(%dma_wait3A_656 : memref<4x8x128xf32, #tpu.memory_space<hbm>>) dst(%dma_wait3A_652 : memref<4x8x128xf32, #tpu.memory_space<vmem>>)
        %parallel_loop3A_657 = arith.constant 0 : i32
        %parallel_loop3A_658 = arith.constant 512 : i32
        %parallel_loop3A_659 = arith.constant 1 : i32
        %parallel_loop3A_660 = arith.constant 1 : i32
        %parallel_loop3A_661 = arith.constant 1 : i32
        scf.for %parallel_loop3A_671 = %parallel_loop3A_657 to %parallel_loop3A_658 step %parallel_loop3A_659  : i32 {
          %parallel_loop3A_672 = arith.constant 0 : i32
          %parallel_loop3A_673 = arith.constant 0 : i32
          %parallel_loop3A_674 = tpu.memref_slice %arg10[%parallel_loop3A_660, %parallel_loop3A_672, %parallel_loop3A_673] : memref<2x512x16xf32, #tpu.memory_space<vmem>> -> memref<1x512x16xf32, #tpu.memory_space<vmem>>
          %parallel_loop3A_675 = tpu.memref_squeeze %parallel_loop3A_674 : memref<1x512x16xf32, #tpu.memory_space<vmem>> -> memref<512x16xf32, #tpu.memory_space<vmem>>
          %parallel_loop3A_676 = arith.index_cast %parallel_loop3A_671 : i32 to index
          %parallel_loop3A_677 = arith.constant 0 : index
          %parallel_loop3A_678 = tpu.vector_load %parallel_loop3A_675[%parallel_loop3A_676, %parallel_loop3A_677] {strides = array<i32>} : memref<512x16xf32, #tpu.memory_space<vmem>>, vector<16xf32>,
          %parallel_loop3A_679 = arith.constant 0 : i32
          %parallel_loop3A_680 = arith.constant 0 : i32
          %parallel_loop3A_681 = tpu.memref_slice %arg11[%parallel_loop3A_661, %parallel_loop3A_679, %parallel_loop3A_680] : memref<2x512x16xf32, #tpu.memory_space<vmem>> -> memref<1x512x16xf32, #tpu.memory_space<vmem>>
          %parallel_loop3A_682 = tpu.memref_squeeze %parallel_loop3A_681 : memref<1x512x16xf32, #tpu.memory_space<vmem>> -> memref<512x16xf32, #tpu.memory_space<vmem>>
          %parallel_loop3A_683 = arith.index_cast %parallel_loop3A_671 : i32 to index
          %parallel_loop3A_684 = arith.constant 0 : index
          %parallel_loop3A_685 = tpu.vector_load %parallel_loop3A_682[%parallel_loop3A_683, %parallel_loop3A_684] {strides = array<i32>} : memref<512x16xf32, #tpu.memory_space<vmem>>, vector<16xf32>,
          %parallel_loop3A_686 = arith.addf %parallel_loop3A_678, %parallel_loop3A_685 : vector<16xf32>
          %parallel_loop3A_687 = arith.constant 17 : i32
          %parallel_loop3A_688 = arith.muli %parallel_loop3A_671, %parallel_loop3A_687 : i32
          %parallel_loop3A_689 = arith.index_cast %parallel_loop3A_688 : i32 to index
          %parallel_loop3A_690 = tpu.vector_load %arg14[%parallel_loop3A_689] {strides = array<i32>} : memref<8704xf32, #tpu.memory_space<vmem>>, vector<16xf32>,
          tpu.vector_store %arg14[%parallel_loop3A_689], %parallel_loop3A_686 {strides = array<i32>} : memref<8704xf32, #tpu.memory_space<vmem>>, vector<16xf32>,
        } {sc.loop_unroll_factor = 8 : i64, sc.parallel_access}
        %parallel_loop3A_662 = arith.constant 0 : i32
        %parallel_loop3A_663 = arith.constant 512 : i32
        %parallel_loop3A_664 = arith.constant 1 : i32
        %parallel_loop3A_665 = arith.constant 1 : i32
        %parallel_loop3A_666 = arith.constant 1 : i32
        scf.for %parallel_loop3A_671 = %parallel_loop3A_662 to %parallel_loop3A_663 step %parallel_loop3A_664  : i32 {
          %parallel_loop3A_672 = arith.constant 128 : i32
          %parallel_loop3A_673 = arith.divsi %parallel_loop3A_671, %parallel_loop3A_672 : i32
          %parallel_loop3A_674 = arith.constant 0 : i32
          %parallel_loop3A_675 = arith.cmpi sgt, %parallel_loop3A_671, %parallel_loop3A_674 : i32
          %parallel_loop3A_676 = arith.extui %parallel_loop3A_675 : i1 to i32
          %parallel_loop3A_677 = arith.constant 0 : i32
          %parallel_loop3A_678 = arith.cmpi slt, %parallel_loop3A_671, %parallel_loop3A_677 : i32
          %parallel_loop3A_679 = arith.extui %parallel_loop3A_678 : i1 to i32
          %parallel_loop3A_680 = arith.subi %parallel_loop3A_676, %parallel_loop3A_679 : i32
          %parallel_loop3A_681 = arith.constant 0 : i32
          %parallel_loop3A_682 = arith.cmpi sgt, %parallel_loop3A_672, %parallel_loop3A_681 : i32
          %parallel_loop3A_683 = arith.extui %parallel_loop3A_682 : i1 to i32
          %parallel_loop3A_684 = arith.constant 0 : i32
          %parallel_loop3A_685 = arith.cmpi slt, %parallel_loop3A_672, %parallel_loop3A_684 : i32
          %parallel_loop3A_686 = arith.extui %parallel_loop3A_685 : i1 to i32
          %parallel_loop3A_687 = arith.subi %parallel_loop3A_683, %parallel_loop3A_686 : i32
          %parallel_loop3A_688 = arith.cmpi ne, %parallel_loop3A_680, %parallel_loop3A_687 : i32
          %parallel_loop3A_689 = arith.remsi %parallel_loop3A_671, %parallel_loop3A_672 : i32
          %parallel_loop3A_690 = arith.constant 0 : i32
          %parallel_loop3A_691 = arith.cmpi ne, %parallel_loop3A_689, %parallel_loop3A_690 : i32
          %parallel_loop3A_692 = arith.andi %parallel_loop3A_688, %parallel_loop3A_691 : i1
          %parallel_loop3A_693 = arith.constant 1 : i32
          %parallel_loop3A_694 = arith.subi %parallel_loop3A_673, %parallel_loop3A_693 : i32
          %parallel_loop3A_695 = arith.select %parallel_loop3A_692, %parallel_loop3A_694, %parallel_loop3A_673 : i32
          %parallel_loop3A_696 = arith.constant 128 : i32
          %parallel_loop3A_697 = arith.constant 0 : i32
          %parallel_loop3A_698 = arith.cmpi eq, %parallel_loop3A_696, %parallel_loop3A_697 : i32
          %parallel_loop3A_699 = arith.constant 1 : i32
          %parallel_loop3A_700 = arith.select %parallel_loop3A_698, %parallel_loop3A_699, %parallel_loop3A_696 : i32
          %parallel_loop3A_701 = arith.remsi %parallel_loop3A_671, %parallel_loop3A_700 : i32
          %parallel_loop3A_702 = arith.constant 0 : i32
          %parallel_loop3A_703 = arith.cmpi ne, %parallel_loop3A_701, %parallel_loop3A_702 : i32
          %parallel_loop3A_704 = arith.constant 0 : i32
          %parallel_loop3A_705 = arith.cmpi slt, %parallel_loop3A_701, %parallel_loop3A_704 : i32
          %parallel_loop3A_706 = arith.constant 0 : i32
          %parallel_loop3A_707 = arith.cmpi slt, %parallel_loop3A_700, %parallel_loop3A_706 : i32
          %parallel_loop3A_708 = arith.xori %parallel_loop3A_705, %parallel_loop3A_707 : i1
          %parallel_loop3A_709 = arith.andi %parallel_loop3A_708, %parallel_loop3A_703 : i1
          %parallel_loop3A_710 = arith.addi %parallel_loop3A_701, %parallel_loop3A_700 : i32
          %parallel_loop3A_711 = arith.select %parallel_loop3A_709, %parallel_loop3A_710, %parallel_loop3A_701 : i32
          %parallel_loop3A_712 = arith.constant 8 : i32
          %parallel_loop3A_713 = arith.divsi %parallel_loop3A_711, %parallel_loop3A_712 : i32
          %parallel_loop3A_714 = arith.constant 0 : i32
          %parallel_loop3A_715 = arith.cmpi sgt, %parallel_loop3A_711, %parallel_loop3A_714 : i32
          %parallel_loop3A_716 = arith.extui %parallel_loop3A_715 : i1 to i32
          %parallel_loop3A_717 = arith.constant 0 : i32
          %parallel_loop3A_718 = arith.cmpi slt, %parallel_loop3A_711, %parallel_loop3A_717 : i32
          %parallel_loop3A_719 = arith.extui %parallel_loop3A_718 : i1 to i32
          %parallel_loop3A_720 = arith.subi %parallel_loop3A_716, %parallel_loop3A_719 : i32
          %parallel_loop3A_721 = arith.constant 0 : i32
          %parallel_loop3A_722 = arith.cmpi sgt, %parallel_loop3A_712, %parallel_loop3A_721 : i32
          %parallel_loop3A_723 = arith.extui %parallel_loop3A_722 : i1 to i32
          %parallel_loop3A_724 = arith.constant 0 : i32
          %parallel_loop3A_725 = arith.cmpi slt, %parallel_loop3A_712, %parallel_loop3A_724 : i32
          %parallel_loop3A_726 = arith.extui %parallel_loop3A_725 : i1 to i32
          %parallel_loop3A_727 = arith.subi %parallel_loop3A_723, %parallel_loop3A_726 : i32
          %parallel_loop3A_728 = arith.cmpi ne, %parallel_loop3A_720, %parallel_loop3A_727 : i32
          %parallel_loop3A_729 = arith.remsi %parallel_loop3A_711, %parallel_loop3A_712 : i32
          %parallel_loop3A_730 = arith.constant 0 : i32
          %parallel_loop3A_731 = arith.cmpi ne, %parallel_loop3A_729, %parallel_loop3A_730 : i32
          %parallel_loop3A_732 = arith.andi %parallel_loop3A_728, %parallel_loop3A_731 : i1
          %parallel_loop3A_733 = arith.constant 1 : i32
          %parallel_loop3A_734 = arith.subi %parallel_loop3A_713, %parallel_loop3A_733 : i32
          %parallel_loop3A_735 = arith.select %parallel_loop3A_732, %parallel_loop3A_734, %parallel_loop3A_713 : i32
          %parallel_loop3A_736 = arith.constant 8 : i32
          %parallel_loop3A_737 = arith.constant 0 : i32
          %parallel_loop3A_738 = arith.cmpi eq, %parallel_loop3A_736, %parallel_loop3A_737 : i32
          %parallel_loop3A_739 = arith.constant 1 : i32
          %parallel_loop3A_740 = arith.select %parallel_loop3A_738, %parallel_loop3A_739, %parallel_loop3A_736 : i32
          %parallel_loop3A_741 = arith.remsi %parallel_loop3A_711, %parallel_loop3A_740 : i32
          %parallel_loop3A_742 = arith.constant 0 : i32
          %parallel_loop3A_743 = arith.cmpi ne, %parallel_loop3A_741, %parallel_loop3A_742 : i32
          %parallel_loop3A_744 = arith.constant 0 : i32
          %parallel_loop3A_745 = arith.cmpi slt, %parallel_loop3A_741, %parallel_loop3A_744 : i32
          %parallel_loop3A_746 = arith.constant 0 : i32
          %parallel_loop3A_747 = arith.cmpi slt, %parallel_loop3A_740, %parallel_loop3A_746 : i32
          %parallel_loop3A_748 = arith.xori %parallel_loop3A_745, %parallel_loop3A_747 : i1
          %parallel_loop3A_749 = arith.andi %parallel_loop3A_748, %parallel_loop3A_743 : i1
          %parallel_loop3A_750 = arith.addi %parallel_loop3A_741, %parallel_loop3A_740 : i32
          %parallel_loop3A_751 = arith.select %parallel_loop3A_749, %parallel_loop3A_750, %parallel_loop3A_741 : i32
          %parallel_loop3A_752 = arith.constant 128 : i32
          %parallel_loop3A_753 = arith.muli %parallel_loop3A_695, %parallel_loop3A_752 : i32
          %parallel_loop3A_754 = arith.constant 16 : i32
          %parallel_loop3A_755 = arith.muli %parallel_loop3A_751, %parallel_loop3A_754 : i32
          %parallel_loop3A_756 = arith.addi %parallel_loop3A_753, %parallel_loop3A_755 : i32
          %parallel_loop3A_757 = arith.constant 17 : i32
          %parallel_loop3A_758 = arith.muli %parallel_loop3A_756, %parallel_loop3A_757 : i32
          %parallel_loop3A_759 = arith.addi %parallel_loop3A_758, %parallel_loop3A_735 : i32
          %parallel_loop3A_760 = vector.broadcast %parallel_loop3A_759 : i32 to vector<16xi32>
          %parallel_loop3A_761 = arith.addi %mul3A_3, %parallel_loop3A_760 : vector<16xi32>
          %parallel_loop3A_762 = tpu.vector_load_idx %arg14[%parallel_loop3A_761] : memref<8704xf32, #tpu.memory_space<vmem>>[vector<16xi32>], vector<16xf32>,
          %parallel_loop3A_763 = arith.constant 16 : i32
          %parallel_loop3A_764 = arith.muli %parallel_loop3A_751, %parallel_loop3A_763 : i32
          %parallel_loop3A_765 = arith.constant 0 : i32
          %parallel_loop3A_766 = arith.constant 0 : i32
          %parallel_loop3A_767 = arith.constant 0 : i32
          %parallel_loop3A_768 = tpu.memref_slice %arg12[%parallel_loop3A_665, %parallel_loop3A_765, %parallel_loop3A_766, %parallel_loop3A_767] : memref<2x4x16x128xf32, #tpu.memory_space<vmem>> -> memref<1x4x16x128xf32, #tpu.memory_space<vmem>>
          %parallel_loop3A_769 = tpu.memref_squeeze %parallel_loop3A_768 : memref<1x4x16x128xf32, #tpu.memory_space<vmem>> -> memref<4x16x128xf32, #tpu.memory_space<vmem>>
          %parallel_loop3A_770 = arith.index_cast %parallel_loop3A_695 : i32 to index
          %parallel_loop3A_771 = arith.index_cast %parallel_loop3A_735 : i32 to index
          %parallel_loop3A_772 = arith.index_cast %parallel_loop3A_764 : i32 to index
          %parallel_loop3A_773 = tpu.vector_load %parallel_loop3A_769[%parallel_loop3A_770, %parallel_loop3A_771, %parallel_loop3A_772] {strides = array<i32>} : memref<4x16x128xf32, #tpu.memory_space<vmem>>, vector<16xf32>,
          %parallel_loop3A_774 = arith.addf %parallel_loop3A_762, %parallel_loop3A_773 : vector<16xf32>
          %parallel_loop3A_775 = arith.constant 0.000000e+00 : f32
          %parallel_loop3A_776 = vector.broadcast %parallel_loop3A_775 : f32 to vector<16xf32>
          %parallel_loop3A_777 = arith.maximumf %parallel_loop3A_774, %parallel_loop3A_776 : vector<16xf32>
          %parallel_loop3A_778 = arith.constant 16 : i32
          %parallel_loop3A_779 = arith.muli %parallel_loop3A_751, %parallel_loop3A_778 : i32
          %parallel_loop3A_780 = arith.constant 0 : i32
          %parallel_loop3A_781 = arith.constant 0 : i32
          %parallel_loop3A_782 = arith.constant 0 : i32
          %parallel_loop3A_783 = tpu.memref_slice %arg13[%parallel_loop3A_666, %parallel_loop3A_780, %parallel_loop3A_781, %parallel_loop3A_782] : memref<2x4x16x128xf32, #tpu.memory_space<vmem>> -> memref<1x4x16x128xf32, #tpu.memory_space<vmem>>
          %parallel_loop3A_784 = tpu.memref_squeeze %parallel_loop3A_783 : memref<1x4x16x128xf32, #tpu.memory_space<vmem>> -> memref<4x16x128xf32, #tpu.memory_space<vmem>>
          %parallel_loop3A_785 = arith.index_cast %parallel_loop3A_695 : i32 to index
          %parallel_loop3A_786 = arith.index_cast %parallel_loop3A_735 : i32 to index
          %parallel_loop3A_787 = arith.index_cast %parallel_loop3A_779 : i32 to index
          %parallel_loop3A_788 = tpu.vector_load %parallel_loop3A_784[%parallel_loop3A_785, %parallel_loop3A_786, %parallel_loop3A_787] {strides = array<i32>} : memref<4x16x128xf32, #tpu.memory_space<vmem>>, vector<16xf32>,
          tpu.vector_store %parallel_loop3A_784[%parallel_loop3A_785, %parallel_loop3A_786, %parallel_loop3A_787], %parallel_loop3A_777 {strides = array<i32>} : memref<4x16x128xf32, #tpu.memory_space<vmem>>, vector<16xf32>,
        } {sc.loop_unroll_factor = 8 : i64, sc.parallel_access}
        %run_scoped3A_667 = arith.constant 1 : i32
        %run_scoped3A_668 = arith.constant 0 : i32
        "tpu.region"() ({
          %run_scoped3A_671 = tpu.sem_alloc : memref<!tpu.dma_semaphore, #tpu.memory_space<semaphore_mem>>
          %dma_start3A_672 = arith.constant 0 : i32
          %dma_start3A_673 = arith.constant 0 : i32
          %dma_start3A_674 = arith.constant 0 : i32
          %dma_start3A_675 = tpu.memref_slice %arg13[%run_scoped3A_667, %dma_start3A_672, %dma_start3A_673, %dma_start3A_674] : memref<2x4x16x128xf32, #tpu.memory_space<vmem>> -> memref<1x4x16x128xf32, #tpu.memory_space<vmem>>
          %dma_start3A_676 = tpu.memref_squeeze %dma_start3A_675 : memref<1x4x16x128xf32, #tpu.memory_space<vmem>> -> memref<4x16x128xf32, #tpu.memory_space<vmem>>
          %dma_start3A_677 = arith.constant 0 : i32
          %dma_start3A_678 = arith.constant 0 : i32
          %dma_start3A_679 = arith.constant 0 : i32
          %dma_start3A_680 = tpu.memref_slice %dma_start3A_676[%dma_start3A_677, %dma_start3A_678, %dma_start3A_679] : memref<4x16x128xf32, #tpu.memory_space<vmem>> -> memref<4x8x128xf32, #tpu.memory_space<vmem>>
          %dma_start3A_681 = arith.constant 0 : i32
          %dma_start3A_682 = arith.constant 0 : i32
          %dma_start3A_683 = tpu.memref_slice %arg7[%run_scoped3A_668, %multiple_of3A_464, %dma_start3A_681, %dma_start3A_682] : memref<2x2500x8x128xf32, #tpu.memory_space<hbm>> -> memref<1x4x8x128xf32, #tpu.memory_space<hbm>>
          %dma_start3A_684 = tpu.memref_squeeze %dma_start3A_683 : memref<1x4x8x128xf32, #tpu.memory_space<hbm>> -> memref<4x8x128xf32, #tpu.memory_space<hbm>>
          %dma_start3A_685 = arith.constant 0 : i32
          %dma_start3A_686 = arith.constant 0 : i32
          %dma_start3A_687 = tpu.memref_slice %arg7[%run_scoped3A_668, %multiple_of3A_464, %dma_start3A_685, %dma_start3A_686] : memref<2x2500x8x128xf32, #tpu.memory_space<hbm>> -> memref<1x4x8x128xf32, #tpu.memory_space<hbm>>
          %dma_start3A_688 = tpu.memref_squeeze %dma_start3A_687 : memref<1x4x8x128xf32, #tpu.memory_space<hbm>> -> memref<4x8x128xf32, #tpu.memory_space<hbm>>
          %dma_start3A_689 = arith.constant 0 : i32
          %dma_start3A_690 = arith.constant 0 : i32
          %dma_start3A_691 = arith.constant 0 : i32
          %dma_start3A_692 = tpu.memref_slice %arg13[%run_scoped3A_667, %dma_start3A_689, %dma_start3A_690, %dma_start3A_691] : memref<2x4x16x128xf32, #tpu.memory_space<vmem>> -> memref<1x4x16x128xf32, #tpu.memory_space<vmem>>
          %dma_start3A_693 = tpu.memref_squeeze %dma_start3A_692 : memref<1x4x16x128xf32, #tpu.memory_space<vmem>> -> memref<4x16x128xf32, #tpu.memory_space<vmem>>
          %dma_start3A_694 = arith.constant 0 : i32
          %dma_start3A_695 = arith.constant 0 : i32
          %dma_start3A_696 = arith.constant 0 : i32
          %dma_start3A_697 = tpu.memref_slice %dma_start3A_693[%dma_start3A_694, %dma_start3A_695, %dma_start3A_696] : memref<4x16x128xf32, #tpu.memory_space<vmem>> -> memref<4x8x128xf32, #tpu.memory_space<vmem>>
          tpu.enqueue_dma source(%dma_start3A_697 : memref<4x8x128xf32, #tpu.memory_space<vmem>>) target(%dma_start3A_688 : memref<4x8x128xf32, #tpu.memory_space<hbm>>) target_semaphore(%run_scoped3A_671 : memref<!tpu.dma_semaphore, #tpu.memory_space<semaphore_mem>>)
          %dma_wait3A_698 = arith.constant 0 : i32
          %dma_wait3A_699 = arith.constant 0 : i32
          %dma_wait3A_700 = arith.constant 0 : i32
          %dma_wait3A_701 = tpu.memref_slice %arg13[%run_scoped3A_667, %dma_wait3A_698, %dma_wait3A_699, %dma_wait3A_700] : memref<2x4x16x128xf32, #tpu.memory_space<vmem>> -> memref<1x4x16x128xf32, #tpu.memory_space<vmem>>
          %dma_wait3A_702 = tpu.memref_squeeze %dma_wait3A_701 : memref<1x4x16x128xf32, #tpu.memory_space<vmem>> -> memref<4x16x128xf32, #tpu.memory_space<vmem>>
          %dma_wait3A_703 = arith.constant 0 : i32
          %dma_wait3A_704 = arith.constant 0 : i32
          %dma_wait3A_705 = arith.constant 0 : i32
          %dma_wait3A_706 = tpu.memref_slice %dma_wait3A_702[%dma_wait3A_703, %dma_wait3A_704, %dma_wait3A_705] : memref<4x16x128xf32, #tpu.memory_space<vmem>> -> memref<4x8x128xf32, #tpu.memory_space<vmem>>
          %dma_wait3A_707 = arith.constant 0 : i32
          %dma_wait3A_708 = arith.constant 0 : i32
          %dma_wait3A_709 = tpu.memref_slice %arg7[%run_scoped3A_668, %multiple_of3A_464, %dma_wait3A_707, %dma_wait3A_708] : memref<2x2500x8x128xf32, #tpu.memory_space<hbm>> -> memref<1x4x8x128xf32, #tpu.memory_space<hbm>>
          %dma_wait3A_710 = tpu.memref_squeeze %dma_wait3A_709 : memref<1x4x8x128xf32, #tpu.memory_space<hbm>> -> memref<4x8x128xf32, #tpu.memory_space<hbm>>
          %dma_wait3A_711 = arith.constant 0 : i32
          %dma_wait3A_712 = arith.constant 0 : i32
          %dma_wait3A_713 = tpu.memref_slice %arg7[%run_scoped3A_668, %multiple_of3A_464, %dma_wait3A_711, %dma_wait3A_712] : memref<2x2500x8x128xf32, #tpu.memory_space<hbm>> -> memref<1x4x8x128xf32, #tpu.memory_space<hbm>>
          %dma_wait3A_714 = tpu.memref_squeeze %dma_wait3A_713 : memref<1x4x8x128xf32, #tpu.memory_space<hbm>> -> memref<4x8x128xf32, #tpu.memory_space<hbm>>
          %dma_wait3A_715 = arith.constant 0 : i32
          %dma_wait3A_716 = arith.constant 0 : i32
          %dma_wait3A_717 = arith.constant 0 : i32
          %dma_wait3A_718 = tpu.memref_slice %arg13[%run_scoped3A_667, %dma_wait3A_715, %dma_wait3A_716, %dma_wait3A_717] : memref<2x4x16x128xf32, #tpu.memory_space<vmem>> -> memref<1x4x16x128xf32, #tpu.memory_space<vmem>>
          %dma_wait3A_719 = tpu.memref_squeeze %dma_wait3A_718 : memref<1x4x16x128xf32, #tpu.memory_space<vmem>> -> memref<4x16x128xf32, #tpu.memory_space<vmem>>
          %dma_wait3A_720 = arith.constant 0 : i32
          %dma_wait3A_721 = arith.constant 0 : i32
          %dma_wait3A_722 = arith.constant 0 : i32
          %dma_wait3A_723 = tpu.memref_slice %dma_wait3A_719[%dma_wait3A_720, %dma_wait3A_721, %dma_wait3A_722] : memref<4x16x128xf32, #tpu.memory_space<vmem>> -> memref<4x8x128xf32, #tpu.memory_space<vmem>>
          tpu.wait_dma2 semaphore(%run_scoped3A_671 : memref<!tpu.dma_semaphore, #tpu.memory_space<semaphore_mem>>) src(%dma_wait3A_723 : memref<4x8x128xf32, #tpu.memory_space<vmem>>) dst(%dma_wait3A_714 : memref<4x8x128xf32, #tpu.memory_space<hbm>>)
          tpu.yield
        }) : () -> ()
        %run_scoped3A_669 = arith.constant 1 : i32
        %run_scoped3A_670 = arith.constant 1 : i32
        "tpu.region"() ({
          %run_scoped3A_671 = tpu.sem_alloc : memref<!tpu.dma_semaphore, #tpu.memory_space<semaphore_mem>>
          %dma_start3A_672 = arith.constant 0 : i32
          %dma_start3A_673 = arith.constant 0 : i32
          %dma_start3A_674 = arith.constant 0 : i32
          %dma_start3A_675 = tpu.memref_slice %arg13[%run_scoped3A_669, %dma_start3A_672, %dma_start3A_673, %dma_start3A_674] : memref<2x4x16x128xf32, #tpu.memory_space<vmem>> -> memref<1x4x16x128xf32, #tpu.memory_space<vmem>>
          %dma_start3A_676 = tpu.memref_squeeze %dma_start3A_675 : memref<1x4x16x128xf32, #tpu.memory_space<vmem>> -> memref<4x16x128xf32, #tpu.memory_space<vmem>>
          %dma_start3A_677 = arith.constant 0 : i32
          %dma_start3A_678 = arith.constant 8 : i32
          %dma_start3A_679 = arith.constant 0 : i32
          %dma_start3A_680 = tpu.memref_slice %dma_start3A_676[%dma_start3A_677, %dma_start3A_678, %dma_start3A_679] : memref<4x16x128xf32, #tpu.memory_space<vmem>> -> memref<4x8x128xf32, #tpu.memory_space<vmem>>
          %dma_start3A_681 = arith.constant 0 : i32
          %dma_start3A_682 = arith.constant 0 : i32
          %dma_start3A_683 = tpu.memref_slice %arg7[%run_scoped3A_670, %multiple_of3A_464, %dma_start3A_681, %dma_start3A_682] : memref<2x2500x8x128xf32, #tpu.memory_space<hbm>> -> memref<1x4x8x128xf32, #tpu.memory_space<hbm>>
          %dma_start3A_684 = tpu.memref_squeeze %dma_start3A_683 : memref<1x4x8x128xf32, #tpu.memory_space<hbm>> -> memref<4x8x128xf32, #tpu.memory_space<hbm>>
          %dma_start3A_685 = arith.constant 0 : i32
          %dma_start3A_686 = arith.constant 0 : i32
          %dma_start3A_687 = tpu.memref_slice %arg7[%run_scoped3A_670, %multiple_of3A_464, %dma_start3A_685, %dma_start3A_686] : memref<2x2500x8x128xf32, #tpu.memory_space<hbm>> -> memref<1x4x8x128xf32, #tpu.memory_space<hbm>>
          %dma_start3A_688 = tpu.memref_squeeze %dma_start3A_687 : memref<1x4x8x128xf32, #tpu.memory_space<hbm>> -> memref<4x8x128xf32, #tpu.memory_space<hbm>>
          %dma_start3A_689 = arith.constant 0 : i32
          %dma_start3A_690 = arith.constant 0 : i32
          %dma_start3A_691 = arith.constant 0 : i32
          %dma_start3A_692 = tpu.memref_slice %arg13[%run_scoped3A_669, %dma_start3A_689, %dma_start3A_690, %dma_start3A_691] : memref<2x4x16x128xf32, #tpu.memory_space<vmem>> -> memref<1x4x16x128xf32, #tpu.memory_space<vmem>>
          %dma_start3A_693 = tpu.memref_squeeze %dma_start3A_692 : memref<1x4x16x128xf32, #tpu.memory_space<vmem>> -> memref<4x16x128xf32, #tpu.memory_space<vmem>>
          %dma_start3A_694 = arith.constant 0 : i32
          %dma_start3A_695 = arith.constant 8 : i32
          %dma_start3A_696 = arith.constant 0 : i32
          %dma_start3A_697 = tpu.memref_slice %dma_start3A_693[%dma_start3A_694, %dma_start3A_695, %dma_start3A_696] : memref<4x16x128xf32, #tpu.memory_space<vmem>> -> memref<4x8x128xf32, #tpu.memory_space<vmem>>
          tpu.enqueue_dma source(%dma_start3A_697 : memref<4x8x128xf32, #tpu.memory_space<vmem>>) target(%dma_start3A_688 : memref<4x8x128xf32, #tpu.memory_space<hbm>>) target_semaphore(%run_scoped3A_671 : memref<!tpu.dma_semaphore, #tpu.memory_space<semaphore_mem>>)
          %dma_wait3A_698 = arith.constant 0 : i32
          %dma_wait3A_699 = arith.constant 0 : i32
          %dma_wait3A_700 = arith.constant 0 : i32
          %dma_wait3A_701 = tpu.memref_slice %arg13[%run_scoped3A_669, %dma_wait3A_698, %dma_wait3A_699, %dma_wait3A_700] : memref<2x4x16x128xf32, #tpu.memory_space<vmem>> -> memref<1x4x16x128xf32, #tpu.memory_space<vmem>>
          %dma_wait3A_702 = tpu.memref_squeeze %dma_wait3A_701 : memref<1x4x16x128xf32, #tpu.memory_space<vmem>> -> memref<4x16x128xf32, #tpu.memory_space<vmem>>
          %dma_wait3A_703 = arith.constant 0 : i32
          %dma_wait3A_704 = arith.constant 8 : i32
          %dma_wait3A_705 = arith.constant 0 : i32
          %dma_wait3A_706 = tpu.memref_slice %dma_wait3A_702[%dma_wait3A_703, %dma_wait3A_704, %dma_wait3A_705] : memref<4x16x128xf32, #tpu.memory_space<vmem>> -> memref<4x8x128xf32, #tpu.memory_space<vmem>>
          %dma_wait3A_707 = arith.constant 0 : i32
          %dma_wait3A_708 = arith.constant 0 : i32
          %dma_wait3A_709 = tpu.memref_slice %arg7[%run_scoped3A_670, %multiple_of3A_464, %dma_wait3A_707, %dma_wait3A_708] : memref<2x2500x8x128xf32, #tpu.memory_space<hbm>> -> memref<1x4x8x128xf32, #tpu.memory_space<hbm>>
          %dma_wait3A_710 = tpu.memref_squeeze %dma_wait3A_709 : memref<1x4x8x128xf32, #tpu.memory_space<hbm>> -> memref<4x8x128xf32, #tpu.memory_space<hbm>>
          %dma_wait3A_711 = arith.constant 0 : i32
          %dma_wait3A_712 = arith.constant 0 : i32
          %dma_wait3A_713 = tpu.memref_slice %arg7[%run_scoped3A_670, %multiple_of3A_464, %dma_wait3A_711, %dma_wait3A_712] : memref<2x2500x8x128xf32, #tpu.memory_space<hbm>> -> memref<1x4x8x128xf32, #tpu.memory_space<hbm>>
          %dma_wait3A_714 = tpu.memref_squeeze %dma_wait3A_713 : memref<1x4x8x128xf32, #tpu.memory_space<hbm>> -> memref<4x8x128xf32, #tpu.memory_space<hbm>>
          %dma_wait3A_715 = arith.constant 0 : i32
          %dma_wait3A_716 = arith.constant 0 : i32
          %dma_wait3A_717 = arith.constant 0 : i32
          %dma_wait3A_718 = tpu.memref_slice %arg13[%run_scoped3A_669, %dma_wait3A_715, %dma_wait3A_716, %dma_wait3A_717] : memref<2x4x16x128xf32, #tpu.memory_space<vmem>> -> memref<1x4x16x128xf32, #tpu.memory_space<vmem>>
          %dma_wait3A_719 = tpu.memref_squeeze %dma_wait3A_718 : memref<1x4x16x128xf32, #tpu.memory_space<vmem>> -> memref<4x16x128xf32, #tpu.memory_space<vmem>>
          %dma_wait3A_720 = arith.constant 0 : i32
          %dma_wait3A_721 = arith.constant 8 : i32
          %dma_wait3A_722 = arith.constant 0 : i32
          %dma_wait3A_723 = tpu.memref_slice %dma_wait3A_719[%dma_wait3A_720, %dma_wait3A_721, %dma_wait3A_722] : memref<4x16x128xf32, #tpu.memory_space<vmem>> -> memref<4x8x128xf32, #tpu.memory_space<vmem>>
          tpu.wait_dma2 semaphore(%run_scoped3A_671 : memref<!tpu.dma_semaphore, #tpu.memory_space<semaphore_mem>>) src(%dma_wait3A_723 : memref<4x8x128xf32, #tpu.memory_space<vmem>>) dst(%dma_wait3A_714 : memref<4x8x128xf32, #tpu.memory_space<hbm>>)
          tpu.yield
        }) : () -> ()
      } else {
      }
    }
    %scan3A_226 = arith.constant 10 : i32
    return
  }
}

module attributes {stable_mosaic.version = 14 : i64} {
  func.func @_zt_body(%arg0: i32, %arg1: memref<16x12800xf32, #tpu.memory_space<vmem>>, %arg2: memref<16x16xf32, #tpu.memory_space<vmem>>, %arg3: memref<2x100x8x128xf32, #tpu.memory_space<vmem>>) attributes {dimension_semantics = [#tpu.dimension_semantics<arbitrary>], iteration_bounds = array<i64: 25>, scalar_prefetch = 0 : i64, scratch_operands = 0 : i64, tpu.core_type = #tpu.core_type<tc>, window_params = [{transform_indices = @transform_0, window_bounds = array<i64: 16, 12800>}, {pipeline_mode = #tpu.pipeline_mode<synchronous>, transform_indices = @transform_1, window_bounds = array<i64: 16, 16>}, {transform_indices = @transform_2, window_bounds = array<i64: 2, 100, 8, 128>}]} {
    %get3A = arith.constant 0 : index
    %get3A_0 = arith.constant 0 : index
    %get3A_1 = vector.load %arg2[%get3A, %get3A_0] : memref<16x16xf32, #tpu.memory_space<vmem>>, vector<16x16xf32>
    %get3A_2 = arith.constant 0 : index
    %get3A_3 = arith.constant 0 : index
    %get3A_4 = vector.load %arg1[%get3A_2, %get3A_3] : memref<16x12800xf32, #tpu.memory_space<vmem>>, vector<16x12800xf32>
    %dot_general3A = arith.constant dense<0.000000e+00> : vector<16x12800xf32>
    %dot_general3A_5 = tpu.matmul %get3A_1, %get3A_4, %dot_general3A {dimension_numbers = #tpu.dot_dimension_numbers<[1], [0], [0], [1], [0, 0, 1, 1], [], []>, transpose_lhs_hint = false} : vector<16x16xf32>, vector<16x12800xf32>, vector<16x12800xf32> -> vector<16x12800xf32>
    %reshape3A = vector.shape_cast %dot_general3A_5 : vector<16x12800xf32> to vector<2x8x100x128xf32>
    %transpose3A = tpu.transpose %reshape3A, [0, 2, 1, 3] : vector<2x8x100x128xf32> -> vector<2x100x8x128xf32>
    %swap3A = arith.constant 0 : index
    %swap3A_6 = arith.constant 0 : index
    %swap3A_7 = arith.constant 0 : index
    %swap3A_8 = arith.constant 0 : index
    %swap3A_9 = vector.load %arg3[%swap3A, %swap3A_6, %swap3A_7, %swap3A_8] : memref<2x100x8x128xf32, #tpu.memory_space<vmem>>, vector<2x100x8x128xf32>
    tpu.vector_store %arg3[%swap3A, %swap3A_6, %swap3A_7, %swap3A_8], %transpose3A {strides = array<i32>} : memref<2x100x8x128xf32, #tpu.memory_space<vmem>>, vector<2x100x8x128xf32>,
    return
  }
  func.func @transform_0(%arg0: i32) -> (i32, i32) {
    %c0_i32 = arith.constant 0 : i32
    %c0_i32_0 = arith.constant 0 : i32
    return %c0_i32, %arg0 : i32, i32
  }
  func.func @transform_1(%arg0: i32) -> (i32, i32) {
    %c0_i32 = arith.constant 0 : i32
    %c0_i32_0 = arith.constant 0 : i32
    %c0_i32_1 = arith.constant 0 : i32
    return %c0_i32, %c0_i32_0 : i32, i32
  }
  func.func @transform_2(%arg0: i32) -> (i32, i32, i32, i32) {
    %c0_i32 = arith.constant 0 : i32
    %c0_i32_0 = arith.constant 0 : i32
    %c0_i32_1 = arith.constant 0 : i32
    %c0_i32_2 = arith.constant 0 : i32
    return %c0_i32, %arg0, %c0_i32_0, %c0_i32_1 : i32, i32, i32, i32
  }
}

module attributes {stable_mosaic.version = 14 : i64} {
  func.func @_y_body(%arg0: memref<1250x1024xf32, #tpu.memory_space<vmem>>, %arg1: memref<1024x128xf32, #tpu.memory_space<vmem>>, %arg2: memref<1024x128xf32, #tpu.memory_space<vmem>>, %arg3: memref<1x128xf32, #tpu.memory_space<vmem>>, %arg4: memref<1250x128xf32, #tpu.memory_space<vmem>>, %arg5: memref<1250x128xf32, #tpu.memory_space<vmem>>) attributes {dimension_semantics = [], scalar_prefetch = 0 : i64, scratch_operands = 0 : i64, tpu.core_type = #tpu.core_type<tc>} {
    %get3A = arith.constant 0 : index
    %get3A_0 = arith.constant 0 : index
    %get3A_1 = vector.load %arg0[%get3A, %get3A_0] : memref<1250x1024xf32, #tpu.memory_space<vmem>>, vector<1250x1024xf32>
    %get3A_2 = arith.constant 0 : index
    %get3A_3 = arith.constant 0 : index
    %get3A_4 = vector.load %arg1[%get3A_2, %get3A_3] : memref<1024x128xf32, #tpu.memory_space<vmem>>, vector<1024x128xf32>
    %dot_general3A = arith.constant dense<0.000000e+00> : vector<1250x128xf32>
    %dot_general3A_5 = tpu.matmul %get3A_1, %get3A_4, %dot_general3A {dimension_numbers = #tpu.dot_dimension_numbers<[1], [0], [0], [1], [0, 0, 1, 1], [], []>, transpose_lhs_hint = false} : vector<1250x1024xf32>, vector<1024x128xf32>, vector<1250x128xf32> -> vector<1250x128xf32>
    %get3A_6 = arith.constant 0 : index
    %get3A_7 = arith.constant 0 : index
    %get3A_8 = vector.load %arg3[%get3A_6, %get3A_7] : memref<1x128xf32, #tpu.memory_space<vmem>>, vector<1x128xf32>
    %add3A = vector.broadcast %get3A_8 : vector<1x128xf32> to vector<1250x128xf32>
    %add3A_9 = arith.addf %dot_general3A_5, %add3A : vector<1250x128xf32>
    %swap3A = arith.constant 0 : index
    %swap3A_10 = arith.constant 0 : index
    %swap3A_11 = vector.load %arg4[%swap3A, %swap3A_10] : memref<1250x128xf32, #tpu.memory_space<vmem>>, vector<1250x128xf32>
    tpu.vector_store %arg4[%swap3A, %swap3A_10], %add3A_9 {strides = array<i32>} : memref<1250x128xf32, #tpu.memory_space<vmem>>, vector<1250x128xf32>,
    %get3A_12 = arith.constant 0 : index
    %get3A_13 = arith.constant 0 : index
    %get3A_14 = vector.load %arg2[%get3A_12, %get3A_13] : memref<1024x128xf32, #tpu.memory_space<vmem>>, vector<1024x128xf32>
    %dot_general3A_15 = arith.constant dense<0.000000e+00> : vector<1250x128xf32>
    %dot_general3A_16 = tpu.matmul %get3A_1, %get3A_14, %dot_general3A_15 {dimension_numbers = #tpu.dot_dimension_numbers<[1], [0], [0], [1], [0, 0, 1, 1], [], []>, transpose_lhs_hint = false} : vector<1250x1024xf32>, vector<1024x128xf32>, vector<1250x128xf32> -> vector<1250x128xf32>
    %swap3A_17 = arith.constant 0 : index
    %swap3A_18 = arith.constant 0 : index
    %swap3A_19 = vector.load %arg5[%swap3A_17, %swap3A_18] : memref<1250x128xf32, #tpu.memory_space<vmem>>, vector<1250x128xf32>
    tpu.vector_store %arg5[%swap3A_17, %swap3A_18], %dot_general3A_16 {strides = array<i32>} : memref<1250x128xf32, #tpu.memory_space<vmem>>, vector<1250x128xf32>,
    return
  }
}

</mosaic_0001>

<sc_bundles>
// kernel: kernel.5.cloned.1.call-start
scs
__scs_entry_jumppad:
0x0: {  	(pc) =	sbr.rel $0x88, $3  }
0x1: {  	(tag) =	ssettag $0x0;
	lr =	simm.s32 $0x1  }
0x2: {  	[smem:$0x3F9A] =	sst lr;
	_ =	strace $0xD0000000  }
0x3: {  	_ = 	snop  }
0x4: {  	_ = 	snop  }
0x5: {  	_ = 	snop  }
0x6: {  	_ = 	snop  }
0x7: {  	_ = 	snop  }
__scs_overlays_trampoline_lowered:
0x8: {  	[smem:$0x3FA9] =	sst s0  }
0x9: {  	[smem:$0x3FAA] =	sst s1  }
0xa: {  	[smem:$0x3FAB] =	sst s2  }
0xb: {  	[smem:$0x3FAC] =	sst s3  }
0xc: {  	[smem:$0x3FAD] =	sst s4  }
0xd: {  	[smem:$0x3FAE] =	sst s5  }
0xe: {  	[smem:$0x3FAF] =	sst s6  }
0xf: {  	[smem:$0x3FB0] =	sst s7  }
0x10: {  	[smem:$0x3FB1] =	sst s8  }
0x11: {  	[smem:$0x3FB2] =	sst s9;
	s0 =	simm.s32 @!p0 $0x0  }
0x12: {  	s1 =	sld [smem:$0x3F98];
	s0 =	simm.s32 @p0 $0x1  }
0x13: {  	[smem:$0x3FB3] =	sst s0;
	s0 =	simm.s32 @!p1 $0x0  }
0x14: {  	s2 =	sld [smem:$0x3F97];
	s0 =	simm.s32 @p1 $0x1  }
0x15: {  	[smem:$0x3FB4] =	sst s0;
	s0 =	simm.s32 @!p2 $0x0  }
0x16: {  	s3 =	sld [smem:$0x3FDB];
	s0 =	simm.s32 @p2 $0x1  }
0x17: {  	s4 =	simm.s32 $0x1BF5;
	[smem:$0x3FB6] =	sst s0  }
0x18: {  	s0 =	sld [smem:$0x3F99];
	_ =	swait.ge [sflag:s4], $0x0  }
0x19: {  	s7 =	sld [smem:$0x3F9A]  }
0x1a: {  	s8 =	sadd.s32 $0xFFFFE003, lr  }
0x1b: {  	s9 =	sadd.s32 $0xFFFFFEF7, lr;
	s5 =	simm.s32 $0xFFFFFFFF;
	p2 =	slt.u32 s8, $0xFFFFF086  }
0x1c: {  	p1 =	slt.u32 s9, $0xF7A;
	s5 =	simm.s32 @!p2 $0x0  }
0x1d: {  	s5 =	simm.s32 @p1 $0x1;
	p0 =	seq.s32 s7, s2  }
0x1e: {  	s7 =	smul.u32 @!p0 $0xF7A, s2;
	p2 =	seq.s32 @!p0 s5, $0x0  }
0x1f: {  	s9 =	smul.u32 $0xF7A, s1;
	s8 =	simm.s32 @!p0 $0x1BF5;
	p2 =	por !p2, p0  }
0x20: {  	[sflag:s8] =	ssyncset.s32 @!p0 $0xFFFFF086;
	s6 =	sadd.s32 @!p0 s3, s7;
	s7 =	simm.s32 @!p0 $0x108  }
0x21: {  	s3 =	sadd.s32 s3, s9;
	s6 =	sadd.s32 @!p0 $0x88, s6;
	s7 =	simm.s32 @p2 $0x1082  }
0x22: {  	[simem:s7], [sflag:s8] =	dma.local @!p0 [hbm:s6], $0xF7A  }
0x23: {  	s9 =	sor.u32 $0xD0000000, s2;
	s6 =	simm.s32 $0x108;
	_ =	swait.ge @!p0 [sflag:s8], $0x0  }
0x24: {  	s3 =	sadd.s32 $0x88, s3;
	s6 =	simm.s32 @!p1 $0x1082;
	[sflag:s4] =	ssyncset.s32 $0xFFFFF086  }
0x25: {  	[simem:s6], [sflag:s4] =	dma.local [hbm:s3], $0xF7A  }
0x26: {  	[smem:$0x3F9A] =	sst s1;
	(tag) =	ssettag s2;
	_ =	strace s9  }
0x27: {  	s1 =	sld [smem:$0x3FAA]  }
0x28: {  	s2 =	sld [smem:$0x3FAB]  }
0x29: {  	s4 =	sld [smem:$0x3FAD]  }
0x2a: {  	p0 =	seq.s32 s5, $0x0;
	s5 =	sld [smem:$0x3FAE]  }
0x2b: {  	s6 =	sld [smem:$0x3FAF]  }
0x2c: {  	s7 =	sld [smem:$0x3FB0]  }
0x2d: {  	s3 =	simm.s32 $0x108;
	s8 =	sld [smem:$0x3FB1]  }
0x2e: {  	s3 =	simm.s32 @!p0 $0x1082;
	s9 =	sld [smem:$0x3FB2]  }
0x2f: {  	lr =	sadd.s32 s0, s3;
	s0 =	sld [smem:$0x3FA9]  }
0x30: {  	s3 =	sld [smem:$0x3FAC]  }
0x31: {  	[smem:$0x3FB5] =	sst s10  }
0x32: {  	s10 =	sld [smem:$0x3FB3];
	_ =	sdelay $0x3  }
0x33: {  	p0 =	seq.s32 s10, $0x1;
	s10 =	sld [smem:$0x3FB5];
	_ =	sdelay $0x3  }
0x34: {  	[smem:$0x3FB5] =	sst s10  }
0x35: {  	s10 =	sld [smem:$0x3FB4];
	_ =	sdelay $0x3  }
0x36: {  	p1 =	seq.s32 s10, $0x1;
	s10 =	sld [smem:$0x3FB5];
	_ =	sdelay $0x3  }
0x37: {  	[smem:$0x3FB5] =	sst s10  }
0x38: {  	s10 =	sld [smem:$0x3FB6]  }
0x39: {  	_ = 	snop;
	(pc) =	sbr.ind lr, $3  }
0x3a: {  	_ = 	snop  }
0x3b: {  	_ = 	snop  }
0x3c: {  	p2 =	seq.s32 s10, $0x1;
	s10 =	sld [smem:$0x3FB5]  }
0x3d: {  	_ =	shalt  }
0x3e: {  	_ =	shalt  }
0x3f: {  	_ =	shalt  }
0x40: {  	_ =	shalt  }
0x41: {  	_ =	shalt  }
0x42: {  	_ =	shalt  }
0x43: {  	_ =	shalt  }
0x44: {  	_ =	shalt  }
0x45: {  	_ =	shalt  }
0x46: {  	_ =	shalt  }
0x47: {  	_ =	shalt  }
0x48: {  	_ =	shalt  }
0x49: {  	_ =	shalt  }
0x4a: {  	_ =	shalt  }
0x4b: {  	_ =	shalt  }
0x4c: {  	_ =	shalt  }
0x4d: {  	_ =	shalt  }
0x4e: {  	_ =	shalt  }
0x4f: {  	_ =	shalt  }
0x50: {  	_ =	shalt  }
0x51: {  	_ =	shalt  }
0x52: {  	_ =	shalt  }
0x53: {  	_ =	shalt  }
0x54: {  	_ =	shalt  }
0x55: {  	_ =	shalt  }
0x56: {  	_ =	shalt  }
0x57: {  	_ =	shalt  }
0x58: {  	_ =	shalt  }
0x59: {  	_ =	shalt  }
0x5a: {  	_ =	shalt  }
0x5b: {  	_ =	shalt  }
0x5c: {  	_ =	shalt  }
0x5d: {  	_ =	shalt  }
0x5e: {  	_ =	shalt  }
0x5f: {  	_ =	shalt  }
0x60: {  	_ =	shalt  }
0x61: {  	_ =	shalt  }
0x62: {  	_ =	shalt  }
0x63: {  	_ =	shalt  }
0x64: {  	_ =	shalt  }
0x65: {  	_ =	shalt  }
0x66: {  	_ =	shalt  }
0x67: {  	_ =	shalt  }
0x68: {  	_ =	shalt  }
0x69: {  	_ =	shalt  }
0x6a: {  	_ =	shalt  }
0x6b: {  	_ =	shalt  }
0x6c: {  	_ =	shalt  }
0x6d: {  	_ =	shalt  }
0x6e: {  	_ =	shalt  }
0x6f: {  	_ =	shalt  }
0x70: {  	_ =	shalt  }
0x71: {  	_ =	shalt  }
0x72: {  	_ =	shalt  }
0x73: {  	_ =	shalt  }
0x74: {  	_ =	shalt  }
0x75: {  	_ =	shalt  }
0x76: {  	_ =	shalt  }
0x77: {  	_ =	shalt  }
0x78: {  	_ =	shalt  }
0x79: {  	_ =	shalt  }
0x7a: {  	_ =	shalt  }
0x7b: {  	_ =	shalt  }
0x7c: {  	_ =	shalt  }
0x7d: {  	_ =	shalt  }
0x7e: {  	_ =	shalt  }
0x7f: {  	_ =	shalt  }
0x80: {  	_ =	shalt  }
0x81: {  	_ =	shalt  }
0x82: {  	_ =	shalt  }
0x83: {  	_ =	shalt  }
0x84: {  	_ =	shalt  }
0x85: {  	_ =	shalt  }
0x86: {  	_ =	shalt  }
0x87: {  	_ =	shalt  }
.Lfunc_end0:
.L_simem_size_0:
called_computation_lowered:
.L_overlay_start_0:
0x88: {  	s2 =	sld [smem:$0x3FD9]  }
0x89: {  	s3 =	sld [smem:$0x3FFE];
	_ =	sdelay $0x1  }
0x8a: {  	s1 =	srdreg.scid  }
0x8b: {  	s0 =	sand.u32 $0x1, s1  }
0x8c: {  	s17 =	sshll.u32 s0, $0xA;
	s2 =	sadd.s32 s3, s2  }
0x8d: {  	s2 =	sadd.s32 s2, s17  }
0x8e: {  	[smem:$0x3FC1] =	sst s2  }
0x8f: {  	_ = 	snop  }
0x90: {  	s2 =	sld [smem:$0x3FD0];
	(tm) =	ssettm $0x1  }
0x91: {  	s18 =	sld [smem:$0x3FFB];
	_ =	sdelay $0x3  }
0x92: {  	_ =	strace s18  }
0x93: {  	s3 =	sld [smem:$0x3FFC];
	_ =	sdelay $0x3  }
0x94: {  	_ =	strace s3  }
0x95: {  	s3 =	sld [smem:$0x3FFD];
	_ =	sdelay $0x3  }
0x96: {  	_ =	strace s3  }
0x97: {  	_ =	strace $0x8FFFFFFF  }
0x98: {  	s19 =	sld [smem:$0x3FDB];
	_ =	sdelay $0x1  }
0x99: {  	s4 =	simm.s32 $_scs_section_size  }
0x9a: {  	s5 =	simm.s32 $_size__tile_overlayer_lowered;
	s6 =	simm.s32 $_tile_overlayer_lowered  }
0x9b: {  	s22 =	simm.s32 $0x1BFF;
	s21 =	sshll.u32 s6, $0x1;
	s3 =	sadd.s32 s4, s19  }
0x9c: {  	s7 =	simm.s32 $0x0;
	s20 =	sshll.u32 s5, $0x1;
	s5 =	sadd.s32 s21, s3  }
0x9d: {  	[timem:s7], [sflag:s22] =	dma.local [hbm:s5], s20  }
0x9e: {  	_ =	swait.ge [sflag:s22], s20  }
0x9f: {  	s4 =	ssub.s32 $0x0, s20;
	[sflag:s22] =	ssyncset.done $0x0  }
0xa0: {  	[sflag:s22] =	ssyncadd.s32 s4;
	_ =	sdelay $0x1  }
0xa1: {  	s23 =	simm.s32 $0x1B8B  }
0xa2: {  	_ =	swait.ge [sflag:s23], $0x1  }
0xa3: {  	[sflag:s23] =	ssyncset.done $0x0  }
0xa4: {  	s25 =	simm.s32 $0x1B8E;
	s24 =	sld [smem:$0x3FFE];
	[sflag:s23] =	ssyncadd.s32 $0xFFFFFFFF  }
0xa5: {  	s26 =	simm.s32 $execute0_lowered;
	[smem:$0x3FD2] =	sst s25  }
0xa6: {  	s5 =	sshll.u32 s26, $0x1;
	_ =	strace $0x80000046;
	[dreg:$0x1] =	wrdreg $0xFFFFFFFF  }
0xa7: {  	s28 =	simm.s32 $_size_execute0_lowered;
	s3 =	sadd.s32 s3, s5;
	[dreg:$0x0] =	wrdreg $0x0  }
0xa8: {  	s5 =	sshll.u32 s28, $0x1;
	[dreg:$0x2] =	wrdreg s3  }
0xa9: {  	[dreg:$0x3] =	wrdreg s5  }
0xaa: {  	[dreg:$0x4] =	wrdreg $0xC0  }
0xab: {  	_ =	task [dreg:s7], $0x5FFFF  }
0xac: {  	[dreg:$0x1] =	wrdreg $0xFFFFFFFF  }
0xad: {  	[dreg:$0x0] =	wrdreg $0x60  }
0xae: {  	[dreg:$0x2] =	wrdreg s24  }
0xaf: {  	[dreg:$0x3] =	wrdreg s2  }
0xb0: {  	[dreg:$0x4] =	wrdreg $0x9  }
0xb1: {  	_ =	task.clear_ibuf [dreg:s7], $0x5FFFF;
	_ =	strace $0x90000046  }
0xb2: {  	s29 =	simm.s32 $0x9;
	_ =	strace $0x80000048  }
0xb3: {  	_ =	swait.ge [sflag:s29], $0x1  }
0xb4: {  	[sflag:s29] =	ssyncadd.s32 $0xFFFFFFFF  }
0xb5: {  	_ =	strace $0x90000048  }
0xb6: {  	_ =	sfence  }
0xb7: {  	s30 =	sld [smem:$0x0];
	_ =	sdelay $0x2  }
0xb8: {  	s31 =	sshll.u32 s1, $0xD;
	s1 =	sshrl.u32 s1, $0x2  }
0xb9: {  	s3 =	sand.u32 $0x4000, s31;
	s1 =	sadd.s32 s1, s30  }
0xba: {  	s0 =	sor.u32 s3, s0;
	s1 =	sshll.u32 s1, $0x11  }
0xbb: {  	s0 =	sor.u32 s1, s0  }
0xbc: {  	s0 =	sadd.s32 $0x8F2B, s0  }
0xbd: {  	[sflag:s0] =	ssyncadd.remote.s32 $0x1  }
0xbe: {  	_ =	sfence.sel $0xFFFF  }
0xbf: {  	[dreg:$0x0] =	wrdreg $0xFFFFFFFF;
	(pc) =	sbr.abs _section_cstart, $3  }
0xc0: {  	[dreg:$0x1] =	wrdreg $0xFFFFFFFF  }
0xc1: {  	_ =	task.clear_ibuf [dreg:s7], $0x2FFFF;
	_ =	strace $0x9FFFFFFF  }
0xc2: {  	(tm) =	ssettm $0x7FFFFFFF  }
0xc3: {  	_ =	shalt  }
tec
execute0_lowered:
.L_overlay_start_1:
0x0: {  	(tag) =	ssettag $0x1  }
0x1: {  	s0 =	rddreg [dreg:$0x0]  }
0x2: {  	s1 =	rddreg [dreg:$0x1]  }
0x3: {  	s2 =	simm.s32 $0x0;
	s3 =	srdreg.scid;
	s7 =	stileid.u32  }
0x4: {  	s28 =	simm.s32 $0x10800;
	[smem:$0x7FF] =	sst s2;
	s4 =	sadd.s32 $0xB0E00, s0  }
0x5: {  	s5 =	sadd.s32 $0xB5E00, s0;
	s3 =	sand.u32 $0x1, s3;
	s6 =	sadd.s32 $0xAC00, s0  }
0x6: {  	s8 =	sshll.u32 s7, $0x1;
	s7 =	sadd.s32 $0xE00, s0;
	s9 =	sadd.s32 $0x14A00, s0  }
0x7: {  	s17 =	sadd.s32 $0x62C00, s0;
	s30 =	sadd.s32 $0x4E200, s1;
	s1 =	simm.s32 $0x0  }
0x8: {  	_ =	strace $0x80000047;
	s10 =	ssub.s32 $0x2, s3;
	s8 =	sor.u32 s3, s8  }
0x9: {  	[dreg:$0x8] =	wrdreg s30;
	s3 =	simm.s32 $0x8;
	s11 =	sshrl.u32 s10, $0x1  }
0xa: {  	s20 =	ssub.s32 $0x290, s8;
	s12 =	sshll.u32 s8, $0x6;
	s21 =	sshll.u32 s8, $0xC  }
0xb: {  	s13 =	sshll.u32 s8, $0x9;
	s19 =	ssub.s32 s10, s11;
	s22 =	sadd.s32 s6, s12  }
0xc: {  	s15 =	sshrl.u32 s20, $0x5;
	s23 =	sadd.s32 s7, s12;
	[dreg:$0x3] =	wrdreg s22  }
0xd: {  	s10 =	smov.u32 s8;
	s24 =	sadd.s32 s9, s13;
	[dreg:$0x4] =	wrdreg s23  }
0xe: {  	s16 =	smov.u32 s21;
	s14 =	sshrl.u32 s21, $0x3;
	[dreg:$0x5] =	wrdreg s24  }
.Ltmp0:
0xf: {  	s25 =	sadd.s32 s9, s14;
	s11 =	smov.u32 s15;
	(pc) =	sbr.rel .LBB2_1-.Ltmp0, $4  }
0x10: {  	s29 =	sadd.s32 $0xFFFFFFFE, s15;
	s31 =	smax.u32 s19, $0x1;
	s24 =	simm.s32 $0x1  }
0x11: {  	s19 =	simm.s32 $0x4;
	s14 =	simm.s32 $0x5;
	[dreg:$0x7] =	wrdreg s29  }
0x12: {  	v0 =	vlaneseq.u32;
	s15 =	simm.s32 $0x6;
	s26 =	sadd.s32 $0x4E200, s25;
	[dreg:$0x9] =	wrdreg s31  }
0x13: {  	v0 =	vmul.u32 $0x11, v0;
	s25 =	simm.s32 $0x2;
	[dreg:$0x6] =	wrdreg s26;
	s26 =	simm.s32 $0x3  }
.LBB2_13:
0x14: {  	s1 =	rddreg [dreg:$0xa]  }
0x15: {  	s0 =	rddreg [dreg:$0x9];
	s1 =	sadd.s32 $0x1, s1  }
0x16: {  	p0 =	sne.s32 s1, s0  }
.Ltmp1:
0x17: {  	_ = 	snop;
	(pc) =	sbr.rel @!p0 .LBB2_14-.Ltmp1, $1  }
0x18: {  	_ =	sdelay $0x3  }
.LBB2_1:
0x19: {  	[dreg:$0xa] =	wrdreg s1  }
0x1a: {  	s0 =	rddreg [dreg:$0x3];
	s31 =	simm.s32 $0x7  }
0x1b: {  	[tilespmem:s2], [sflag:$0x7] =	stream.linear.gather [hbm4b:s0+s2], $0x200, $0x38;
	[tilespmem:$0x12A00] =	vst v63  }
0x1c: {  	_ =	swait.ge [sflag:s31], $0x200  }
0x1d: {  	[sflag:s31] =	ssyncset.done $0x0  }
0x1e: {  	s8 =	simm.s32 $0x400;
	s12 =	rddreg [dreg:$0x4];
	[sflag:s31] =	ssyncadd.s32 $0xFFFFFE00  }
0x1f: {  	[tilespmem:s8], [sflag:$0x7] =	stream.linear.gather [hbm4b:s12+s2], $0x200, $0x38;
	[tilespmem:$0x12A00] =	vst v63  }
0x20: {  	_ =	swait.ge [sflag:s31], $0x200  }
0x21: {  	[sflag:s31] =	ssyncset.done $0x0  }
0x22: {  	s13 =	simm.s32 $0x800;
	s0 =	simm.s32 $0x80;
	[sflag:s31] =	ssyncadd.s32 $0xFFFFFE00  }
0x23: {  	[tilespmem:s13], [sflag:$0x1] =	stream.indirect.gather [hbm4b:s4+s0], $0x10, s2, s0, $0xb8;
	[tilespmem:$0x12A00] =	vst v63  }
0x24: {  	s18 =	simm.s32 $0x4800  }
0x25: {  	[tilespmem:s18], [sflag:$0x2] =	stream.indirect.gather [hbm4b:s5+s0], $0x10, s8, s0, $0xb8;
	[tilespmem:$0x12A00] =	vst v63  }
0x26: {  	s20 =	simm.s32 $0x1000  }
0x27: {  	[tilespmem:s20], [sflag:$0x1] =	stream.indirect.gather [hbm4b:s4+s0], $0x10, s0, s0, $0xb8;
	[tilespmem:$0x12A00] =	vst v63  }
0x28: {  	s21 =	simm.s32 $0x480;
	s22 =	simm.s32 $0x5000  }
0x29: {  	[tilespmem:s22], [sflag:$0x2] =	stream.indirect.gather [hbm4b:s5+s0], $0x10, s21, s0, $0xb8;
	[tilespmem:$0x12A00] =	vst v63  }
0x2a: {  	s23 =	simm.s32 $0x100;
	s29 =	simm.s32 $0x1800  }
0x2b: {  	[tilespmem:s29], [sflag:$0x1] =	stream.indirect.gather [hbm4b:s4+s0], $0x10, s23, s0, $0xb8;
	[tilespmem:$0x12A00] =	vst v63  }
0x2c: {  	s30 =	simm.s32 $0x500;
	s31 =	simm.s32 $0x5800  }
0x2d: {  	[tilespmem:s31], [sflag:$0x2] =	stream.indirect.gather [hbm4b:s5+s0], $0x10, s30, s0, $0xb8;
	[tilespmem:$0x12A00] =	vst v63  }
0x2e: {  	s12 =	simm.s32 $0x180;
	s13 =	simm.s32 $0x2000  }
0x2f: {  	[tilespmem:s13], [sflag:$0x1] =	stream.indirect.gather [hbm4b:s4+s0], $0x10, s12, s0, $0xb8;
	[tilespmem:$0x12A00] =	vst v63  }
0x30: {  	s18 =	simm.s32 $0x580;
	s20 =	simm.s32 $0x6000  }
0x31: {  	[tilespmem:s20], [sflag:$0x2] =	stream.indirect.gather [hbm4b:s5+s0], $0x10, s18, s0, $0xb8;
	[tilespmem:$0x12A00] =	vst v63  }
0x32: {  	s21 =	rddreg [dreg:$0x5];
	s22 =	simm.s32 $0x8800  }
0x33: {  	[tilespmem:s22], [sflag:$0x3] =	stream.linear.gather [hbm4b:s21+s2], $0x400, $0x38;
	[tilespmem:$0x12A00] =	vst v63  }
0x34: {  	s23 =	sadd.s32 $0x80, s21;
	s29 =	simm.s32 $0x9000  }
0x35: {  	[tilespmem:s29], [sflag:$0x3] =	stream.linear.gather [hbm4b:s23+s2], $0x400, $0x38;
	[tilespmem:$0x12A00] =	vst v63  }
0x36: {  	s30 =	sadd.s32 $0x100, s21;
	s31 =	simm.s32 $0x9800  }
0x37: {  	[tilespmem:s31], [sflag:$0x3] =	stream.linear.gather [hbm4b:s30+s2], $0x400, $0x38;
	[tilespmem:$0x12A00] =	vst v63  }
0x38: {  	s12 =	sadd.s32 $0x180, s21;
	s13 =	simm.s32 $0xA000  }
0x39: {  	[tilespmem:s13], [sflag:$0x3] =	stream.linear.gather [hbm4b:s12+s2], $0x400, $0x38;
	[tilespmem:$0x12A00] =	vst v63  }
0x3a: {  	s18 =	rddreg [dreg:$0x6];
	s20 =	simm.s32 $0x8C00  }
0x3b: {  	[tilespmem:s20], [sflag:$0x3] =	stream.linear.gather [hbm4b:s18+s2], $0x400, $0x38;
	[tilespmem:$0x12A00] =	vst v63  }
0x3c: {  	s21 =	sadd.s32 $0x80, s18;
	s22 =	simm.s32 $0x9400  }
0x3d: {  	[tilespmem:s22], [sflag:$0x3] =	stream.linear.gather [hbm4b:s21+s2], $0x400, $0x38;
	[tilespmem:$0x12A00] =	vst v63  }
.Ltmp2:
0x3e: {  	_ = 	snop;
	(pc) =	sbr.rel .LBB2_2-.Ltmp2, $4  }
0x3f: {  	s23 =	sadd.s32 $0x100, s18;
	s29 =	simm.s32 $0x9C00  }
0x40: {  	[tilespmem:s29], [sflag:$0x3] =	stream.linear.gather [hbm4b:s23+s2], $0x400, $0x38;
	[tilespmem:$0x12A00] =	vst v63  }
0x41: {  	s30 =	sadd.s32 $0x180, s18;
	s31 =	simm.s32 $0xA400;
	s22 =	simm.s32 $0x0  }
0x42: {  	[tilespmem:s31], [sflag:$0x3] =	stream.linear.gather [hbm4b:s30+s2], $0x400, $0x38;
	[tilespmem:$0x12A00] =	vst v63  }
.LBB2_12:
0x43: {  	s22 =	sadd.s32 $0x1, s22  }
0x44: {  	p0 =	sne.s32 s22, $0xA  }
.Ltmp3:
0x45: {  	_ = 	snop;
	(pc) =	sbr.rel @!p0 .LBB2_13-.Ltmp3, $1  }
0x46: {  	_ =	sdelay $0x3  }
.LBB2_2:
0x47: {  	s0 =	sshllo.u32 s22, $0x1  }
0x48: {  	s18 =	sshll.u32 s0, $0x5  }
0x49: {  	p0 =	sge.u32 s0, s11;
	s18 =	sor.u32 s10, s18  }
0x4a: {  	s0 =	sshll.u32 @!p0 s18, $0x6  }
0x4b: {  	s0 =	sand.u32 @!p0 $0x1FFFFFC0, s0  }
0x4c: {  	s23 =	simm.s32 @!p0 $0x0;
	s29 =	simm.s32 @!p0 $0x200;
	s21 =	sadd.s32 @!p0 s6, s0  }
0x4d: {  	[tilespmem:s29], [sflag:$0x8] =	stream.linear.gather @!p0 [hbm4b:s21+s23], $0x200, $0x38;
	[tilespmem:$0x12A00] =	vst v63  }
0x4e: {  	s21 =	simm.s32 @!p0 $0x8  }
0x4f: {  	_ =	swait.ge @!p0 [sflag:s21], $0x200  }
0x50: {  	[sflag:s21] =	ssyncset.done @!p0 $0x0  }
0x51: {  	s30 =	simm.s32 @!p0 $0x600;
	s0 =	sadd.s32 @!p0 s7, s0;
	[sflag:s21] =	ssyncadd.s32 @!p0 $0xFFFFFE00  }
0x52: {  	[tilespmem:s30], [sflag:$0x8] =	stream.linear.gather @!p0 [hbm4b:s0+s23], $0x200, $0x38;
	[tilespmem:$0x12A00] =	vst v63  }
0x53: {  	_ =	swait.ge @!p0 [sflag:s21], $0x200  }
0x54: {  	[sflag:s21] =	ssyncset.done @!p0 $0x0  }
0x55: {  	s0 =	simm.s32 @!p0 $0x80;
	[sflag:s21] =	ssyncadd.s32 @!p0 $0xFFFFFE00;
	s21 =	simm.s32 @!p0 $0x2800  }
0x56: {  	[tilespmem:s21], [sflag:$0x4] =	stream.indirect.gather @!p0 [hbm4b:s4+s0], $0x10, s29, s0, $0xb8;
	[tilespmem:$0x12A00] =	vst v63  }
0x57: {  	s21 =	simm.s32 @!p0 $0x6800  }
0x58: {  	[tilespmem:s21], [sflag:$0x5] =	stream.indirect.gather @!p0 [hbm4b:s5+s0], $0x10, s30, s0, $0xb8;
	[tilespmem:$0x12A00] =	vst v63  }
0x59: {  	s29 =	simm.s32 @!p0 $0x3000;
	s21 =	simm.s32 @!p0 $0x280  }
0x5a: {  	[tilespmem:s29], [sflag:$0x4] =	stream.indirect.gather @!p0 [hbm4b:s4+s0], $0x10, s21, s0, $0xb8;
	[tilespmem:$0x12A00] =	vst v63  }
0x5b: {  	s21 =	simm.s32 @!p0 $0x680;
	s29 =	simm.s32 @!p0 $0x7000  }
0x5c: {  	[tilespmem:s29], [sflag:$0x5] =	stream.indirect.gather @!p0 [hbm4b:s5+s0], $0x10, s21, s0, $0xb8;
	[tilespmem:$0x12A00] =	vst v63  }
0x5d: {  	s21 =	simm.s32 @!p0 $0x300;
	s29 =	simm.s32 @!p0 $0x3800  }
0x5e: {  	[tilespmem:s29], [sflag:$0x4] =	stream.indirect.gather @!p0 [hbm4b:s4+s0], $0x10, s21, s0, $0xb8;
	[tilespmem:$0x12A00] =	vst v63  }
0x5f: {  	s21 =	simm.s32 @!p0 $0x700;
	s29 =	simm.s32 @!p0 $0x7800  }
0x60: {  	[tilespmem:s29], [sflag:$0x5] =	stream.indirect.gather @!p0 [hbm4b:s5+s0], $0x10, s21, s0, $0xb8;
	[tilespmem:$0x12A00] =	vst v63  }
0x61: {  	s21 =	simm.s32 @!p0 $0x380;
	s29 =	simm.s32 @!p0 $0x4000  }
0x62: {  	[tilespmem:s29], [sflag:$0x4] =	stream.indirect.gather @!p0 [hbm4b:s4+s0], $0x10, s21, s0, $0xb8;
	[tilespmem:$0x12A00] =	vst v63  }
0x63: {  	s21 =	simm.s32 @!p0 $0x780;
	s29 =	simm.s32 @!p0 $0x8000  }
0x64: {  	[tilespmem:s29], [sflag:$0x5] =	stream.indirect.gather @!p0 [hbm4b:s5+s0], $0x10, s21, s0, $0xb8;
	[tilespmem:$0x12A00] =	vst v63  }
0x65: {  	s0 =	sshll.u32 @!p0 s18, $0x9  }
0x66: {  	s29 =	simm.s32 @!p0 $0xA800;
	s21 =	sadd.s32 @!p0 s9, s0  }
0x67: {  	[tilespmem:s29], [sflag:$0x6] =	stream.linear.gather @!p0 [hbm4b:s21+s23], $0x400, $0x38;
	[tilespmem:$0x12A00] =	vst v63  }
0x68: {  	s30 =	simm.s32 @!p0 $0xB000;
	s29 =	sadd.s32 @!p0 $0x80, s21  }
0x69: {  	[tilespmem:s30], [sflag:$0x6] =	stream.linear.gather @!p0 [hbm4b:s29+s23], $0x400, $0x38;
	[tilespmem:$0x12A00] =	vst v63  }
0x6a: {  	s29 =	sadd.s32 @!p0 $0x100, s21;
	s30 =	simm.s32 @!p0 $0xB800  }
0x6b: {  	[tilespmem:s30], [sflag:$0x6] =	stream.linear.gather @!p0 [hbm4b:s29+s23], $0x400, $0x38;
	[tilespmem:$0x12A00] =	vst v63  }
0x6c: {  	s21 =	sadd.s32 @!p0 $0x180, s21;
	s29 =	simm.s32 @!p0 $0xC000  }
0x6d: {  	[tilespmem:s29], [sflag:$0x6] =	stream.linear.gather @!p0 [hbm4b:s21+s23], $0x400, $0x38;
	[tilespmem:$0x12A00] =	vst v63  }
0x6e: {  	s0 =	sadd.s32 @!p0 s0, s17;
	s21 =	simm.s32 @!p0 $0xAC00  }
0x6f: {  	[tilespmem:s21], [sflag:$0x6] =	stream.linear.gather @!p0 [hbm4b:s0+s23], $0x400, $0x38;
	[tilespmem:$0x12A00] =	vst v63  }
0x70: {  	s29 =	simm.s32 @!p0 $0xB400;
	s21 =	sadd.s32 @!p0 $0x80, s0  }
0x71: {  	[tilespmem:s29], [sflag:$0x6] =	stream.linear.gather @!p0 [hbm4b:s21+s23], $0x400, $0x38;
	[tilespmem:$0x12A00] =	vst v63  }
0x72: {  	s21 =	sadd.s32 @!p0 $0x100, s0;
	s29 =	simm.s32 @!p0 $0xBC00  }
0x73: {  	[tilespmem:s29], [sflag:$0x6] =	stream.linear.gather @!p0 [hbm4b:s21+s23], $0x400, $0x38;
	[tilespmem:$0x12A00] =	vst v63  }
0x74: {  	s0 =	sadd.s32 @!p0 $0x180, s0;
	s21 =	simm.s32 @!p0 $0xC400  }
0x75: {  	[tilespmem:s21], [sflag:$0x6] =	stream.linear.gather @!p0 [hbm4b:s0+s23], $0x400, $0x38;
	[tilespmem:$0x12A00] =	vst v63  }
0x76: {  	_ =	swait.ge [sflag:s24], $0x800  }
0x77: {  	[sflag:s24] =	ssyncset.done $0x0  }
0x78: {  	[sflag:s24] =	ssyncadd.s32 $0xFFFFF800  }
0x79: {  	_ =	swait.ge [sflag:s25], $0x800  }
0x7a: {  	[sflag:s25] =	ssyncset.done $0x0  }
0x7b: {  	[sflag:s25] =	ssyncadd.s32 $0xFFFFF800  }
0x7c: {  	_ =	swait.ge [sflag:s24], $0x800  }
0x7d: {  	[sflag:s24] =	ssyncset.done $0x0  }
0x7e: {  	[sflag:s24] =	ssyncadd.s32 $0xFFFFF800  }
0x7f: {  	_ =	swait.ge [sflag:s25], $0x800  }
0x80: {  	[sflag:s25] =	ssyncset.done $0x0  }
0x81: {  	[sflag:s25] =	ssyncadd.s32 $0xFFFFF800  }
0x82: {  	_ =	swait.ge [sflag:s24], $0x800  }
0x83: {  	[sflag:s24] =	ssyncset.done $0x0  }
0x84: {  	[sflag:s24] =	ssyncadd.s32 $0xFFFFF800  }
0x85: {  	_ =	swait.ge [sflag:s25], $0x800  }
0x86: {  	[sflag:s25] =	ssyncset.done $0x0  }
0x87: {  	[sflag:s25] =	ssyncadd.s32 $0xFFFFF800  }
0x88: {  	_ =	swait.ge [sflag:s24], $0x800  }
0x89: {  	[sflag:s24] =	ssyncset.done $0x0  }
0x8a: {  	[sflag:s24] =	ssyncadd.s32 $0xFFFFF800  }
0x8b: {  	_ =	swait.ge [sflag:s25], $0x800  }
0x8c: {  	[sflag:s25] =	ssyncset.done $0x0  }
0x8d: {  	[sflag:s25] =	ssyncadd.s32 $0xFFFFF800  }
0x8e: {  	_ =	swait.ge [sflag:s26], $0x1000  }
0x8f: {  	[sflag:s26] =	ssyncset.done $0x0  }
0x90: {  	[sflag:s26] =	ssyncadd.s32 $0xFFFFF000  }
0x91: {  	_ =	swait.ge [sflag:s26], $0x1000  }
0x92: {  	[sflag:s26] =	ssyncset.done $0x0  }
0x93: {  	s20 =	simm.s32 $0x840;
	[sflag:s26] =	ssyncadd.s32 $0xFFFFF000  }
0x94: {  	s23 =	simm.s32 $0x4840;
	v2 =	vld [tilespmem:s20+$0x30]  }
0x95: {  	v3 =	vld [tilespmem:s23+$0x30]  }
0x96: {  	v1 =	vld [tilespmem:s23+$0xFFFFFFC0]  }
0x97: {  	v4 =	vld [tilespmem:s20+$0xFFFFFFD0]  }
0x98: {  	v5 =	vld [tilespmem:s23+$0xFFFFFFD0]  }
0x99: {  	v6 =	vld [tilespmem:s20+$0xFFFFFFE0]  }
0x9a: {  	v7 =	vld [tilespmem:s23+$0xFFFFFFE0]  }
0x9b: {  	v8 =	vld [tilespmem:s20+$0xFFFFFFF0]  }
0x9c: {  	v9 =	vld [tilespmem:s23+$0xFFFFFFF0]  }
0x9d: {  	v10 =	vld [tilespmem:s20+$0x0]  }
0x9e: {  	v11 =	vld [tilespmem:s23+$0x0];
	v3 =	vadd.f32 v3, v2  }
0x9f: {  	s0 =	simm.s32 $0x10844;
	v4 =	vadd.f32 v5, v4;
	v2 =	vld [tilespmem:s20+$0x10]  }
0xa0: {  	v6 =	vadd.f32 v7, v6;
	v5 =	vld [tilespmem:s23+$0x10];
	[tilespmem:s0+$0x33] =	vst v3  }
0xa1: {  	v7 =	vadd.f32 v9, v8;
	[tilespmem:s0+$0xFFFFFFCD] =	vst v4;
	v3 =	vld [tilespmem:s20+$0x20]  }
0xa2: {  	[tilespmem:s0+$0xFFFFFFDE] =	vst v6;
	v6 =	vld [tilespmem:s23+$0x20]  }
0xa3: {  	s31 =	simm.s32 $0x8C0;
	s30 =	simm.s32 $0x0;
	s29 =	sshll.u32 s22, $0x1;
	v4 =	vld [tilespmem:s20+$0xFFFFFFC0];
	[tilespmem:s0+$0xFFFFFFEF] =	vst v7;
	v7 =	vadd.f32 v11, v10  }
.LBB2_3:
0xa4: {  	v8 =	vld [tilespmem:s31+$0x30];
	s23 =	sadd.s32 $0x80, s23  }
0xa5: {  	s30 =	sadd.s32 $0x8, s30;
	v9 =	vld [tilespmem:s23+$0x30];
	[tilespmem:s0+$0x0] =	vst v7;
	v2 =	vadd.f32 v5, v2  }
0xa6: {  	p1 =	slt.u32 s30, $0x1F8;
	v5 =	vld [tilespmem:s23+$0xFFFFFFC0]  }
0xa7: {  	v7 =	vld [tilespmem:s31+$0xFFFFFFD0];
	[tilespmem:s0+$0x11] =	vst v2;
	v2 =	vadd.f32 v6, v3  }
0xa8: {  	v3 =	vld [tilespmem:s23+$0xFFFFFFD0];
	v10 =	vadd.f32 v1, v4  }
0xa9: {  	v4 =	vld [tilespmem:s31+$0xFFFFFFE0];
	[tilespmem:s0+$0x22] =	vst v2  }
0xaa: {  	v2 =	vld [tilespmem:s23+$0xFFFFFFE0];
	v6 =	vadd.f32 v9, v8;
	[tilespmem:s0+$0xFFFFFFBC] =	vst v10  }
0xab: {  	s0 =	sadd.s32 $0x88, s0;
	v8 =	vld [tilespmem:s31+$0xFFFFFFF0];
	v1 =	vmov v5  }
0xac: {  	s21 =	simm.s32 $0x0;
	v9 =	vld [tilespmem:s23+$0xFFFFFFF0];
	[tilespmem:s0+$0x33] =	vst v6  }
0xad: {  	v3 =	vadd.f32 v3, v7;
	v7 =	vld [tilespmem:s31+$0x0]  }
0xae: {  	v10 =	vld [tilespmem:s23+$0x0]  }
.Ltmp4:
0xaf: {  	[tilespmem:s0+$0xFFFFFFCD] =	vst v3;
	v3 =	vadd.f32 v2, v4;
	v2 =	vld [tilespmem:s31+$0x10];
	(pc) =	sbr.rel @p1 .LBB2_3-.Ltmp4, $4  }
0xb0: {  	v5 =	vld [tilespmem:s23+$0x10]  }
0xb1: {  	[tilespmem:s0+$0xFFFFFFDE] =	vst v3;
	v8 =	vadd.f32 v9, v8;
	v3 =	vld [tilespmem:s31+$0x20]  }
0xb2: {  	v6 =	vld [tilespmem:s23+$0x20]  }
0xb3: {  	v4 =	vld [tilespmem:s31+$0xFFFFFFC0];
	[tilespmem:s0+$0xFFFFFFEF] =	vst v8;
	v7 =	vadd.f32 v10, v7;
	s31 =	sadd.s32 $0x80, s31  }
0xb4: {  	s23 =	simm.s32 $0x0  }
0xb5: {  	s23 =	smul.u32 $0x880, s23  }
0xb6: {  	s21 =	sand.u32 $0xF, s21  }
0xb7: {  	s23 =	sor.u32 s21, s23  }
0xb8: {  	v2 =	vadd.f32 v5, v2;
	v5 =	vadd.s32 s23, v0;
	s30 =	sadd.s32 $0x770, s23  }
0xb9: {  	[tilespmem:s0+$0x0] =	vst v7;
	v3 =	vadd.f32 v6, v3;
	v6 =	vadd.s32 s30, v0  }
0xba: {  	[tilespmem:s0+$0x11] =	vst v2;
	v1 =	vadd.f32 v1, v4;
	s13 =	sadd.s32 $0x330, s23  }
0xbb: {  	[tilespmem:s0+$0x22] =	vst v3;
	v3 =	vadd.s32 s13, v0  }
0xbc: {  	s30 =	sadd.s32 $0x110, s23;
	[tilespmem:s0+$0xFFFFFFBC] =	vst v1  }
0xbd: {  	s20 =	simm.s32 $0x0;
	s21 =	sshll.u32 s21, $0x7;
	v2 =	vadd.s32 s30, v0;
	s30 =	sadd.s32 $0x440, s23;
	v4 =	vld.idx.msk [tilespmem:v5+s28+$0x0], $0xffff  }
0xbe: {  	s31 =	sadd.s32 $0x220, s23;
	v5 =	vadd.s32 s30, v0;
	s30 =	sor.u32 s20, s21;
	v6 =	vld.idx.msk [tilespmem:v6+s28+$0x0], $0xffff  }
0xbf: {  	v1 =	vadd.s32 s31, v0;
	v8 =	vld [tilespmem:s30+$0x8870]  }
0xc0: {  	s31 =	sadd.s32 $0x550, s23;
	s23 =	sadd.s32 $0x660, s23;
	v3 =	vld.idx.msk [tilespmem:v3+s28+$0x0], $0xffff  }
0xc1: {  	v9 =	vadd.s32 s23, v0;
	v13 =	vld [tilespmem:s30+$0x8820]  }
0xc2: {  	v15 =	vld [tilespmem:s30+$0x8830]  }
0xc3: {  	v2 =	vld.idx.msk [tilespmem:v2+s28+$0x0], $0xffff  }
0xc4: {  	s1 =	simm.s32 $0x0;
	v10 =	vld.idx.msk [tilespmem:v1+s28+$0x0], $0xffff  }
0xc5: {  	s0 =	smul.u32 $0x880, s1;
	v7 =	vadd.s32 s31, v0;
	s31 =	simm.s32 $0x1;
	v1 =	vld [tilespmem:s30+$0x8800]  }
0xc6: {  	s8 =	sand.u32 $0xF, s31;
	v12 =	vld.idx.msk [tilespmem:v9+s28+$0x0], $0xffff  }
0xc7: {  	s23 =	sor.u32 s8, s0;
	v11 =	vld.idx.msk [tilespmem:v5+s28+$0x0], $0xffff  }
0xc8: {  	v9 =	vadd.s32 s23, v0;
	v5 =	vld [tilespmem:s30+$0x8810]  }
0xc9: {  	s0 =	sadd.s32 $0x770, s23;
	v6 =	vadd.f32 v8, v6;
	v8 =	vld [tilespmem:s30+$0x8840]  }
0xca: {  	s13 =	sadd.s32 $0x110, s23;
	s12 =	sadd.s32 $0x220, s23;
	v17 =	vld [tilespmem:s30+$0x8850];
	v14 =	vadd.s32 s0, v0  }
0xcb: {  	s20 =	sadd.s32 $0x330, s23;
	v16 =	vadd.s32 s13, v0;
	v18 =	vadd.s32 s12, v0;
	v7 =	vld.idx.msk [tilespmem:v7+s28+$0x0], $0xffff;
	v4 =	vadd.f32 v1, v4  }
0xcc: {  	s1 =	simm.s32 $0x0;
	s8 =	sshll.u32 s8, $0x7;
	v19 =	vld [tilespmem:s30+$0x8860];
	v20 =	vadd.s32 s20, v0;
	v1 =	vmax.f32 v6, $0.0e+00;
	v6 =	vadd.f32 v13, v10  }
0xcd: {  	s0 =	sor.u32 s1, s8;
	s13 =	sadd.s32 $0x440, s23;
	v3 =	vadd.f32 v15, v3;
	[tilespmem:s30+$0xC870] =	vst v1;
	v1 =	vld.idx.msk [tilespmem:v9+s28+$0x0], $0xffff;
	v4 =	vmax.f32 v4, $0.0e+00;
	v2 =	vadd.f32 v5, v2  }
0xce: {  	s20 =	sadd.s32 $0x550, s23;
	v9 =	vld [tilespmem:s0+$0x8870];
	[tilespmem:s30+$0xC800] =	vst v4;
	v4 =	vmax.f32 v6, $0.0e+00;
	v10 =	vadd.f32 v8, v11;
	v8 =	vadd.s32 s13, v0  }
0xcf: {  	s21 =	sadd.s32 $0x660, s23;
	v5 =	vld.idx.msk [tilespmem:v14+s28+$0x0], $0xffff;
	v6 =	vadd.s32 s20, v0;
	[tilespmem:s30+$0xC820] =	vst v4;
	v4 =	vmax.f32 v3, $0.0e+00  }
0xd0: {  	v11 =	vadd.f32 v17, v7;
	v3 =	vld.idx.msk [tilespmem:v18+s28+$0x0], $0xffff;
	v7 =	vadd.s32 s21, v0;
	v2 =	vmax.f32 v2, $0.0e+00;
	[tilespmem:s30+$0xC830] =	vst v4  }
0xd1: {  	v4 =	vld.idx.msk [tilespmem:v20+s28+$0x0], $0xffff;
	[tilespmem:s30+$0xC810] =	vst v2;
	v63 =	vmax.f32 v10, $0.0e+00;
	v10 =	vadd.f32 v19, v12  }
0xd2: {  	s23 =	simm.s32 $0x8;
	v2 =	vld.idx.msk [tilespmem:v16+s28+$0x0], $0xffff;
	v11 =	vmax.f32 v11, $0.0e+00;
	[tilespmem:s30+$0xC840] =	vst v63  }
.LBB2_5:
0xd3: {  	s23 =	sadd.s32 $0x8, s23;
	v12 =	vld.idx.msk [tilespmem:v8+s28+$0x0], $0xffff;
	[tilespmem:s30+$0xC850] =	vst v11;
	v8 =	vmax.f32 v10, $0.0e+00  }
0xd4: {  	s12 =	sshrl.u32 s23, $0x7;
	p1 =	slt.u32 s23, $0x1F8;
	v10 =	vld.idx.msk [tilespmem:v6+s28+$0x0], $0xffff;
	v5 =	vadd.f32 v9, v5;
	[tilespmem:s30+$0xC860] =	vst v8;
	s30 =	smov.u32 s0  }
0xd5: {  	s31 =	sadd.s32 $0x1, s31;
	s0 =	smul.u32 $0x880, s12;
	v11 =	vld.idx.msk [tilespmem:v7+s28+$0x0], $0xffff  }
0xd6: {  	s21 =	sand.u32 $0xF, s31;
	v9 =	vld [tilespmem:s30+$0x8800];
	v5 =	vmax.f32 v5, $0.0e+00  }
0xd7: {  	s0 =	sor.u32 s21, s0;
	v13 =	vld [tilespmem:s30+$0x8810];
	[tilespmem:s30+$0xC870] =	vst v5  }
0xd8: {  	v5 =	vadd.s32 s0, v0;
	s13 =	sadd.s32 $0x110, s0;
	s1 =	sadd.s32 $0x220, s0;
	s20 =	sadd.s32 $0x770, s0;
	v14 =	vld [tilespmem:s30+$0x8820]  }
0xd9: {  	s8 =	sadd.s32 $0x550, s0;
	v15 =	vadd.s32 s13, v0;
	v16 =	vadd.s32 s1, v0;
	s1 =	sadd.s32 $0x330, s0;
	s13 =	sadd.s32 $0x440, s0;
	v17 =	vadd.s32 s20, v0;
	v18 =	vld [tilespmem:s30+$0x8830]  }
0xda: {  	v6 =	vadd.s32 s8, v0;
	s0 =	sadd.s32 $0x660, s0;
	v19 =	vadd.s32 s1, v0;
	v8 =	vadd.s32 s13, v0;
	v20 =	vld [tilespmem:s30+$0x8840]  }
0xdb: {  	v7 =	vadd.s32 s0, v0;
	v9 =	vadd.f32 v9, v1;
	v21 =	vld [tilespmem:s30+$0x8850]  }
0xdc: {  	v2 =	vadd.f32 v13, v2;
	v13 =	vld [tilespmem:s30+$0x8860]  }
0xdd: {  	s0 =	sshll.u32 s12, $0xB;
	s1 =	sshll.u32 s21, $0x7;
	v1 =	vld.idx.msk [tilespmem:v5+s28+$0x0], $0xffff;
	v9 =	vmax.f32 v9, $0.0e+00;
	v3 =	vadd.f32 v14, v3  }
.Ltmp5:
0xde: {  	s0 =	sor.u32 s0, s1;
	v5 =	vld.idx.msk [tilespmem:v17+s28+$0x0], $0xffff;
	[tilespmem:s30+$0xC800] =	vst v9;
	v2 =	vmax.f32 v2, $0.0e+00;
	v4 =	vadd.f32 v18, v4;
	(pc) =	sbr.rel @p1 .LBB2_5-.Ltmp5, $4  }
0xdf: {  	v9 =	vld [tilespmem:s0+$0x8870];
	[tilespmem:s30+$0xC810] =	vst v2;
	v3 =	vmax.f32 v3, $0.0e+00;
	v12 =	vadd.f32 v20, v12  }
0xe0: {  	v2 =	vld.idx.msk [tilespmem:v15+s28+$0x0], $0xffff;
	[tilespmem:s30+$0xC820] =	vst v3;
	v4 =	vmax.f32 v4, $0.0e+00;
	v14 =	vadd.f32 v21, v10  }
0xe1: {  	v3 =	vld.idx.msk [tilespmem:v16+s28+$0x0], $0xffff;
	[tilespmem:s30+$0xC830] =	vst v4;
	v12 =	vmax.f32 v12, $0.0e+00;
	v10 =	vadd.f32 v13, v11  }
0xe2: {  	v4 =	vld.idx.msk [tilespmem:v19+s28+$0x0], $0xffff;
	[tilespmem:s30+$0xC840] =	vst v12;
	v11 =	vmax.f32 v14, $0.0e+00  }
0xe3: {  	_ =	sdelay $0x3  }
0xe4: {  	v8 =	vld.idx.msk [tilespmem:v8+s28+$0x0], $0xffff  }
0xe5: {  	v6 =	vld.idx.msk [tilespmem:v6+s28+$0x0], $0xffff  }
0xe6: {  	v7 =	vld.idx.msk [tilespmem:v7+s28+$0x0], $0xffff  }
0xe7: {  	v12 =	vld [tilespmem:s0+$0x8800]  }
0xe8: {  	v13 =	vld [tilespmem:s0+$0x8810]  }
0xe9: {  	v14 =	vld [tilespmem:s0+$0x8820]  }
0xea: {  	v15 =	vld [tilespmem:s0+$0x8830]  }
0xeb: {  	v61 =	vld [tilespmem:s0+$0x8840];
	v5 =	vadd.f32 v9, v5  }
0xec: {  	[tilespmem:s30+$0xC850] =	vst v11;
	v10 =	vmax.f32 v10, $0.0e+00;
	v62 =	vld [tilespmem:s0+$0x8850];
	v1 =	vadd.f32 v12, v1  }
0xed: {  	v63 =	vld [tilespmem:s0+$0x8860];
	[tilespmem:s30+$0xC860] =	vst v10;
	v5 =	vmax.f32 v5, $0.0e+00;
	v2 =	vadd.f32 v13, v2  }
0xee: {  	[tilespmem:s0+$0xC870] =	vst v5;
	v3 =	vadd.f32 v14, v3;
	v1 =	vmax.f32 v1, $0.0e+00  }
0xef: {  	[tilespmem:s0+$0xC800] =	vst v1;
	v1 =	vmax.f32 v2, $0.0e+00;
	v2 =	vadd.f32 v15, v4  }
0xf0: {  	[tilespmem:s0+$0xC810] =	vst v1;
	v1 =	vmax.f32 v3, $0.0e+00;
	v3 =	vadd.f32 v61, v8  }
0xf1: {  	[tilespmem:s0+$0xC820] =	vst v1;
	v1 =	vmax.f32 v2, $0.0e+00;
	v2 =	vadd.f32 v62, v6  }
0xf2: {  	s1 =	sshll.u32 s22, $0x12;
	[tilespmem:s0+$0xC830] =	vst v1;
	v1 =	vmax.f32 v3, $0.0e+00;
	v3 =	vadd.f32 v63, v7  }
0xf3: {  	s1 =	sor.u32 s16, s1;
	[tilespmem:s0+$0xC840] =	vst v1;
	v1 =	vmax.f32 v2, $0.0e+00  }
0xf4: {  	s12 =	rddreg [dreg:$0x1];
	s1 =	sshrl.u32 s1, $0x3;
	[tilespmem:s0+$0xC850] =	vst v1;
	v1 =	vmax.f32 v3, $0.0e+00  }
0xf5: {  	s13 =	simm.s32 $0xC800;
	[tilespmem:s0+$0xC860] =	vst v1;
	s0 =	sadd.s32 s12, s1  }
0xf6: {  	[hbm4b:s0+s2] =	stream.linear.scatter [tilespmem:s13], [sflag:$0x8], $0x400, $0x38;
	[tilespmem:$0x12A00] =	vst v63  }
0xf7: {  	s8 =	simm.s32 $0xD000;
	s20 =	sadd.s32 $0x80, s0  }
0xf8: {  	[hbm4b:s20+s2] =	stream.linear.scatter [tilespmem:s8], [sflag:$0x8], $0x400, $0x38;
	[tilespmem:$0x12A00] =	vst v63  }
0xf9: {  	s23 =	simm.s32 $0xD800;
	s21 =	sadd.s32 $0x100, s0  }
0xfa: {  	[hbm4b:s21+s2] =	stream.linear.scatter [tilespmem:s23], [sflag:$0x8], $0x400, $0x38;
	[tilespmem:$0x12A00] =	vst v63  }
0xfb: {  	s31 =	simm.s32 $0xE000;
	s30 =	sadd.s32 $0x180, s0  }
0xfc: {  	[hbm4b:s30+s2] =	stream.linear.scatter [tilespmem:s31], [sflag:$0x8], $0x400, $0x38;
	[tilespmem:$0x12A00] =	vst v63  }
0xfd: {  	_ =	swait.ge [sflag:s3], $0x1000  }
0xfe: {  	[sflag:s3] =	ssyncset.done $0x0  }
0xff: {  	s12 =	simm.s32 $0xCC00;
	s0 =	sadd.s32 $0x4E200, s0;
	[sflag:s3] =	ssyncadd.s32 $0xFFFFF000  }
0x100: {  	[hbm4b:s0+s2] =	stream.linear.scatter [tilespmem:s12], [sflag:$0x8], $0x400, $0x38;
	[tilespmem:$0x12A00] =	vst v63  }
0x101: {  	s13 =	sadd.s32 $0x80, s0;
	s20 =	simm.s32 $0xD400  }
0x102: {  	[hbm4b:s13+s2] =	stream.linear.scatter [tilespmem:s20], [sflag:$0x8], $0x400, $0x38;
	[tilespmem:$0x12A00] =	vst v63  }
0x103: {  	s21 =	sadd.s32 $0x100, s0;
	s23 =	simm.s32 $0xDC00;
	s31 =	rddreg [dreg:$0x7]  }
0x104: {  	[hbm4b:s21+s2] =	stream.linear.scatter [tilespmem:s23], [sflag:$0x8], $0x400, $0x38;
	[tilespmem:$0x12A00] =	vst v63  }
0x105: {  	s30 =	simm.s32 $0xE400;
	p1 =	sge.u32 s29, s31;
	s0 =	sadd.s32 $0x180, s0  }
0x106: {  	[hbm4b:s0+s2] =	stream.linear.scatter [tilespmem:s30], [sflag:$0x8], $0x400, $0x38;
	[tilespmem:$0x12A00] =	vst v63  }
0x107: {  	s0 =	sadd.s32 @!p1 $0x20, s18  }
0x108: {  	_ =	swait.ge [sflag:s3], $0x1000;
	s1 =	sshll.u32 @!p1 s0, $0x6  }
0x109: {  	[sflag:s3] =	ssyncset.done $0x0;
	s1 =	sand.u32 @!p1 $0x1FFFF7C0, s1  }
0x10a: {  	s12 =	simm.s32 @!p1 $0x0;
	[sflag:s3] =	ssyncadd.s32 $0xFFFFF000;
	s8 =	sadd.s32 @!p1 s6, s1  }
0x10b: {  	[tilespmem:s12], [sflag:$0x8] =	stream.linear.gather @!p1 [hbm4b:s8+s12], $0x200, $0x38;
	[tilespmem:$0x12A00] =	vst v63  }
0x10c: {  	s8 =	simm.s32 @!p1 $0x8  }
0x10d: {  	_ =	swait.ge @!p1 [sflag:s8], $0x200  }
0x10e: {  	[sflag:s8] =	ssyncset.done @!p1 $0x0  }
0x10f: {  	s13 =	simm.s32 @!p1 $0x400;
	s1 =	sadd.s32 @!p1 s7, s1;
	[sflag:s8] =	ssyncadd.s32 @!p1 $0xFFFFFE00  }
0x110: {  	[tilespmem:s13], [sflag:$0x8] =	stream.linear.gather @!p1 [hbm4b:s1+s12], $0x200, $0x38;
	[tilespmem:$0x12A00] =	vst v63  }
0x111: {  	_ =	swait.ge @!p1 [sflag:s8], $0x200  }
0x112: {  	[sflag:s8] =	ssyncset.done @!p1 $0x0  }
0x113: {  	s1 =	simm.s32 @!p1 $0x80;
	[sflag:s8] =	ssyncadd.s32 @!p1 $0xFFFFFE00;
	s8 =	simm.s32 @!p1 $0x800  }
0x114: {  	[tilespmem:s8], [sflag:$0x1] =	stream.indirect.gather @!p1 [hbm4b:s4+s1], $0x10, s12, s1, $0xb8;
	[tilespmem:$0x12A00] =	vst v63  }
0x115: {  	s8 =	simm.s32 @!p1 $0x4800  }
0x116: {  	[tilespmem:s8], [sflag:$0x2] =	stream.indirect.gather @!p1 [hbm4b:s5+s1], $0x10, s13, s1, $0xb8;
	[tilespmem:$0x12A00] =	vst v63  }
0x117: {  	s8 =	simm.s32 @!p1 $0x1000  }
0x118: {  	[tilespmem:s8], [sflag:$0x1] =	stream.indirect.gather @!p1 [hbm4b:s4+s1], $0x10, s1, s1, $0xb8;
	[tilespmem:$0x12A00] =	vst v63  }
0x119: {  	s13 =	simm.s32 @!p1 $0x5000;
	s8 =	simm.s32 @!p1 $0x480  }
0x11a: {  	[tilespmem:s13], [sflag:$0x2] =	stream.indirect.gather @!p1 [hbm4b:s5+s1], $0x10, s8, s1, $0xb8;
	[tilespmem:$0x12A00] =	vst v63  }
0x11b: {  	s8 =	simm.s32 @!p1 $0x100;
	s13 =	simm.s32 @!p1 $0x1800  }
0x11c: {  	[tilespmem:s13], [sflag:$0x1] =	stream.indirect.gather @!p1 [hbm4b:s4+s1], $0x10, s8, s1, $0xb8;
	[tilespmem:$0x12A00] =	vst v63  }
0x11d: {  	s8 =	simm.s32 @!p1 $0x500;
	s13 =	simm.s32 @!p1 $0x5800  }
0x11e: {  	[tilespmem:s13], [sflag:$0x2] =	stream.indirect.gather @!p1 [hbm4b:s5+s1], $0x10, s8, s1, $0xb8;
	[tilespmem:$0x12A00] =	vst v63  }
0x11f: {  	s8 =	simm.s32 @!p1 $0x180;
	s13 =	simm.s32 @!p1 $0x2000  }
0x120: {  	[tilespmem:s13], [sflag:$0x1] =	stream.indirect.gather @!p1 [hbm4b:s4+s1], $0x10, s8, s1, $0xb8;
	[tilespmem:$0x12A00] =	vst v63  }
0x121: {  	s0 =	sshll.u32 @!p1 s0, $0x9;
	s8 =	simm.s32 @!p1 $0x580;
	s13 =	simm.s32 @!p1 $0x6000  }
0x122: {  	[tilespmem:s13], [sflag:$0x2] =	stream.indirect.gather @!p1 [hbm4b:s5+s1], $0x10, s8, s1, $0xb8;
	[tilespmem:$0x12A00] =	vst v63  }
0x123: {  	s1 =	sadd.s32 @!p1 s9, s0;
	s8 =	simm.s32 @!p1 $0x8800  }
0x124: {  	[tilespmem:s8], [sflag:$0x3] =	stream.linear.gather @!p1 [hbm4b:s1+s12], $0x400, $0x38;
	[tilespmem:$0x12A00] =	vst v63  }
0x125: {  	s13 =	simm.s32 @!p1 $0x9000;
	s8 =	sadd.s32 @!p1 $0x80, s1  }
0x126: {  	[tilespmem:s13], [sflag:$0x3] =	stream.linear.gather @!p1 [hbm4b:s8+s12], $0x400, $0x38;
	[tilespmem:$0x12A00] =	vst v63  }
0x127: {  	s8 =	sadd.s32 @!p1 $0x100, s1;
	s13 =	simm.s32 @!p1 $0x9800  }
0x128: {  	[tilespmem:s13], [sflag:$0x3] =	stream.linear.gather @!p1 [hbm4b:s8+s12], $0x400, $0x38;
	[tilespmem:$0x12A00] =	vst v63  }
0x129: {  	s1 =	sadd.s32 @!p1 $0x180, s1;
	s8 =	simm.s32 @!p1 $0xA000  }
0x12a: {  	[tilespmem:s8], [sflag:$0x3] =	stream.linear.gather @!p1 [hbm4b:s1+s12], $0x400, $0x38;
	[tilespmem:$0x12A00] =	vst v63  }
0x12b: {  	s0 =	sadd.s32 @!p1 s0, s17;
	s1 =	simm.s32 @!p1 $0x8C00  }
0x12c: {  	[tilespmem:s1], [sflag:$0x3] =	stream.linear.gather @!p1 [hbm4b:s0+s12], $0x400, $0x38;
	[tilespmem:$0x12A00] =	vst v63  }
0x12d: {  	s8 =	simm.s32 @!p1 $0x9400;
	s1 =	sadd.s32 @!p1 $0x80, s0  }
0x12e: {  	[tilespmem:s8], [sflag:$0x3] =	stream.linear.gather @!p1 [hbm4b:s1+s12], $0x400, $0x38;
	[tilespmem:$0x12A00] =	vst v63  }
.Ltmp6:
0x12f: {  	_ = 	snop;
	(pc) =	sbr.rel @p0 .LBB2_12-.Ltmp6, $4  }
0x130: {  	s1 =	sadd.s32 @!p1 $0x100, s0;
	s8 =	simm.s32 @!p1 $0x9C00  }
0x131: {  	[tilespmem:s8], [sflag:$0x3] =	stream.linear.gather @!p1 [hbm4b:s1+s12], $0x400, $0x38;
	[tilespmem:$0x12A00] =	vst v63  }
0x132: {  	s0 =	sadd.s32 @!p1 $0x180, s0;
	s1 =	simm.s32 @!p1 $0xA400  }
0x133: {  	[tilespmem:s1], [sflag:$0x3] =	stream.linear.gather @!p1 [hbm4b:s0+s12], $0x400, $0x38;
	[tilespmem:$0x12A00] =	vst v63  }
0x134: {  	_ =	swait.ge [sflag:s19], $0x800  }
0x135: {  	[sflag:s19] =	ssyncset.done $0x0  }
0x136: {  	[sflag:s19] =	ssyncadd.s32 $0xFFFFF800  }
0x137: {  	_ =	swait.ge [sflag:s14], $0x800  }
0x138: {  	[sflag:s14] =	ssyncset.done $0x0  }
0x139: {  	[sflag:s14] =	ssyncadd.s32 $0xFFFFF800  }
0x13a: {  	_ =	swait.ge [sflag:s19], $0x800  }
0x13b: {  	[sflag:s19] =	ssyncset.done $0x0  }
0x13c: {  	[sflag:s19] =	ssyncadd.s32 $0xFFFFF800  }
0x13d: {  	_ =	swait.ge [sflag:s14], $0x800  }
0x13e: {  	[sflag:s14] =	ssyncset.done $0x0  }
0x13f: {  	[sflag:s14] =	ssyncadd.s32 $0xFFFFF800  }
0x140: {  	_ =	swait.ge [sflag:s19], $0x800  }
0x141: {  	[sflag:s19] =	ssyncset.done $0x0  }
0x142: {  	[sflag:s19] =	ssyncadd.s32 $0xFFFFF800  }
0x143: {  	_ =	swait.ge [sflag:s14], $0x800  }
0x144: {  	[sflag:s14] =	ssyncset.done $0x0  }
0x145: {  	[sflag:s14] =	ssyncadd.s32 $0xFFFFF800  }
0x146: {  	_ =	swait.ge [sflag:s19], $0x800  }
0x147: {  	[sflag:s19] =	ssyncset.done $0x0  }
0x148: {  	[sflag:s19] =	ssyncadd.s32 $0xFFFFF800  }
0x149: {  	_ =	swait.ge [sflag:s14], $0x800  }
0x14a: {  	[sflag:s14] =	ssyncset.done $0x0  }
0x14b: {  	[sflag:s14] =	ssyncadd.s32 $0xFFFFF800  }
0x14c: {  	_ =	swait.ge [sflag:s15], $0x1000  }
0x14d: {  	[sflag:s15] =	ssyncset.done $0x0  }
0x14e: {  	[sflag:s15] =	ssyncadd.s32 $0xFFFFF000  }
0x14f: {  	_ =	swait.ge [sflag:s15], $0x1000  }
0x150: {  	[sflag:s15] =	ssyncset.done $0x0  }
0x151: {  	s1 =	simm.s32 $0x2870;
	[sflag:s15] =	ssyncadd.s32 $0xFFFFF000  }
0x152: {  	s23 =	simm.s32 $0x6870;
	v2 =	vld [tilespmem:s1+$0x0]  }
0x153: {  	v3 =	vld [tilespmem:s23+$0x0]  }
0x154: {  	v1 =	vld [tilespmem:s23+$0xFFFFFF90]  }
0x155: {  	v4 =	vld [tilespmem:s1+$0xFFFFFFA0]  }
0x156: {  	v5 =	vld [tilespmem:s23+$0xFFFFFFA0]  }
0x157: {  	v6 =	vld [tilespmem:s1+$0xFFFFFFB0]  }
0x158: {  	v7 =	vld [tilespmem:s23+$0xFFFFFFB0]  }
0x159: {  	v8 =	vld [tilespmem:s1+$0xFFFFFFC0]  }
0x15a: {  	v9 =	vld [tilespmem:s23+$0xFFFFFFC0]  }
0x15b: {  	v10 =	vld [tilespmem:s1+$0xFFFFFFD0]  }
0x15c: {  	v11 =	vld [tilespmem:s23+$0xFFFFFFD0];
	v3 =	vadd.f32 v3, v2  }
0x15d: {  	s0 =	simm.s32 $0x10844;
	v4 =	vadd.f32 v5, v4;
	v2 =	vld [tilespmem:s1+$0xFFFFFFE0]  }
0x15e: {  	v6 =	vadd.f32 v7, v6;
	v5 =	vld [tilespmem:s23+$0xFFFFFFE0];
	[tilespmem:s0+$0x33] =	vst v3  }
0x15f: {  	v7 =	vadd.f32 v9, v8;
	[tilespmem:s0+$0xFFFFFFCD] =	vst v4;
	v3 =	vld [tilespmem:s1+$0xFFFFFFF0]  }
0x160: {  	[tilespmem:s0+$0xFFFFFFDE] =	vst v6;
	v6 =	vld [tilespmem:s23+$0xFFFFFFF0]  }
0x161: {  	s29 =	simm.s32 $0x0;
	s30 =	simm.s32 $0x28F0;
	v4 =	vld [tilespmem:s1+$0xFFFFFF90];
	[tilespmem:s0+$0xFFFFFFEF] =	vst v7;
	v7 =	vadd.f32 v11, v10  }
.LBB2_8:
0x162: {  	v8 =	vld [tilespmem:s30+$0x0];
	s23 =	sadd.s32 $0x80, s23  }
0x163: {  	s29 =	sadd.s32 $0x8, s29;
	v9 =	vld [tilespmem:s23+$0x0];
	[tilespmem:s0+$0x0] =	vst v7;
	v2 =	vadd.f32 v5, v2  }
0x164: {  	p0 =	slt.u32 s29, $0x1F8;
	v5 =	vld [tilespmem:s23+$0xFFFFFF90]  }
0x165: {  	v7 =	vld [tilespmem:s30+$0xFFFFFFA0];
	[tilespmem:s0+$0x11] =	vst v2;
	v2 =	vadd.f32 v6, v3  }
0x166: {  	v3 =	vld [tilespmem:s23+$0xFFFFFFA0];
	v10 =	vadd.f32 v1, v4  }
0x167: {  	v4 =	vld [tilespmem:s30+$0xFFFFFFB0];
	[tilespmem:s0+$0x22] =	vst v2  }
0x168: {  	v2 =	vld [tilespmem:s23+$0xFFFFFFB0];
	v6 =	vadd.f32 v9, v8;
	[tilespmem:s0+$0xFFFFFFBC] =	vst v10  }
0x169: {  	s0 =	sadd.s32 $0x88, s0;
	v8 =	vld [tilespmem:s30+$0xFFFFFFC0];
	v1 =	vmov v5  }
0x16a: {  	s21 =	simm.s32 $0x0;
	v9 =	vld [tilespmem:s23+$0xFFFFFFC0];
	[tilespmem:s0+$0x33] =	vst v6  }
0x16b: {  	v3 =	vadd.f32 v3, v7;
	v7 =	vld [tilespmem:s30+$0xFFFFFFD0]  }
0x16c: {  	v10 =	vld [tilespmem:s23+$0xFFFFFFD0]  }
.Ltmp7:
0x16d: {  	[tilespmem:s0+$0xFFFFFFCD] =	vst v3;
	v3 =	vadd.f32 v2, v4;
	v2 =	vld [tilespmem:s30+$0xFFFFFFE0];
	(pc) =	sbr.rel @p0 .LBB2_8-.Ltmp7, $4  }
0x16e: {  	v5 =	vld [tilespmem:s23+$0xFFFFFFE0]  }
0x16f: {  	[tilespmem:s0+$0xFFFFFFDE] =	vst v3;
	v8 =	vadd.f32 v9, v8;
	v3 =	vld [tilespmem:s30+$0xFFFFFFF0]  }
0x170: {  	v6 =	vld [tilespmem:s23+$0xFFFFFFF0]  }
0x171: {  	v4 =	vld [tilespmem:s30+$0xFFFFFF90];
	[tilespmem:s0+$0xFFFFFFEF] =	vst v8;
	v7 =	vadd.f32 v10, v7;
	s30 =	sadd.s32 $0x80, s30  }
0x172: {  	_ = 	snop  }
0x173: {  	s1 =	simm.s32 $0x0  }
0x174: {  	s1 =	smul.u32 $0x880, s1;
	v2 =	vadd.f32 v5, v2  }
0x175: {  	s8 =	sand.u32 $0xF, s21;
	[tilespmem:s0+$0x0] =	vst v7;
	v3 =	vadd.f32 v6, v3  }
0x176: {  	s1 =	sor.u32 s8, s1;
	[tilespmem:s0+$0x11] =	vst v2;
	v1 =	vadd.f32 v1, v4  }
0x177: {  	s23 =	simm.s32 $0x0;
	s8 =	sshll.u32 s8, $0x7;
	v5 =	vadd.s32 s1, v0;
	s12 =	sadd.s32 $0x770, s1;
	[tilespmem:s0+$0x22] =	vst v3  }
0x178: {  	s31 =	sadd.s32 $0x110, s1;
	s29 =	sor.u32 s23, s8;
	v6 =	vadd.s32 s12, v0;
	[tilespmem:s0+$0xFFFFFFBC] =	vst v1  }
0x179: {  	s20 =	sadd.s32 $0x330, s1;
	v2 =	vadd.s32 s31, v0;
	v8 =	vld [tilespmem:s29+$0xA870]  }
0x17a: {  	s13 =	sadd.s32 $0x220, s1;
	v3 =	vadd.s32 s20, v0;
	v13 =	vld [tilespmem:s29+$0xA820]  }
0x17b: {  	v1 =	vadd.s32 s13, v0;
	v15 =	vld [tilespmem:s29+$0xA830]  }
0x17c: {  	s13 =	sadd.s32 $0x660, s1;
	v4 =	vld.idx.msk [tilespmem:v5+s28+$0x0], $0xffff  }
0x17d: {  	s21 =	sadd.s32 $0x440, s1;
	v9 =	vadd.s32 s13, v0;
	v6 =	vld.idx.msk [tilespmem:v6+s28+$0x0], $0xffff  }
0x17e: {  	v5 =	vadd.s32 s21, v0;
	v2 =	vld.idx.msk [tilespmem:v2+s28+$0x0], $0xffff  }
0x17f: {  	v3 =	vld.idx.msk [tilespmem:v3+s28+$0x0], $0xffff  }
0x180: {  	s20 =	simm.s32 $0x0;
	v10 =	vld.idx.msk [tilespmem:v1+s28+$0x0], $0xffff  }
0x181: {  	s30 =	simm.s32 $0x1;
	s31 =	sadd.s32 $0x550, s1;
	s0 =	smul.u32 $0x880, s20;
	v1 =	vld [tilespmem:s29+$0xA800]  }
0x182: {  	v7 =	vadd.s32 s31, v0;
	s21 =	sand.u32 $0xF, s30;
	v12 =	vld.idx.msk [tilespmem:v9+s28+$0x0], $0xffff  }
0x183: {  	s8 =	sor.u32 s21, s0;
	v11 =	vld.idx.msk [tilespmem:v5+s28+$0x0], $0xffff  }
0x184: {  	v9 =	vadd.s32 s8, v0;
	v5 =	vld [tilespmem:s29+$0xA810]  }
0x185: {  	s0 =	sadd.s32 $0x770, s8;
	v6 =	vadd.f32 v8, v6;
	v8 =	vld [tilespmem:s29+$0xA840]  }
0x186: {  	v17 =	vld [tilespmem:s29+$0xA850];
	s23 =	sadd.s32 $0x110, s8;
	s31 =	sadd.s32 $0x220, s8;
	v14 =	vadd.s32 s0, v0  }
0x187: {  	v7 =	vld.idx.msk [tilespmem:v7+s28+$0x0], $0xffff;
	s13 =	sadd.s32 $0x330, s8;
	v16 =	vadd.s32 s23, v0;
	v18 =	vadd.s32 s31, v0;
	v4 =	vadd.f32 v1, v4  }
0x188: {  	s20 =	simm.s32 $0x0;
	v19 =	vld [tilespmem:s29+$0xA860];
	s1 =	sshll.u32 s21, $0x7;
	v20 =	vadd.s32 s13, v0;
	v1 =	vmax.f32 v6, $0.0e+00;
	v6 =	vadd.f32 v13, v10  }
0x189: {  	s21 =	sadd.s32 $0x440, s8;
	s0 =	sor.u32 s20, s1;
	v3 =	vadd.f32 v15, v3;
	[tilespmem:s29+$0xE870] =	vst v1;
	v1 =	vld.idx.msk [tilespmem:v9+s28+$0x0], $0xffff;
	v4 =	vmax.f32 v4, $0.0e+00;
	v2 =	vadd.f32 v5, v2  }
0x18a: {  	s23 =	sadd.s32 $0x550, s8;
	v9 =	vld [tilespmem:s0+$0xA870];
	[tilespmem:s29+$0xE800] =	vst v4;
	v4 =	vmax.f32 v6, $0.0e+00;
	v10 =	vadd.f32 v8, v11;
	v8 =	vadd.s32 s21, v0  }
0x18b: {  	s31 =	sadd.s32 $0x660, s8;
	v5 =	vld.idx.msk [tilespmem:v14+s28+$0x0], $0xffff;
	v6 =	vadd.s32 s23, v0;
	[tilespmem:s29+$0xE820] =	vst v4;
	v4 =	vmax.f32 v3, $0.0e+00  }
0x18c: {  	v11 =	vadd.f32 v17, v7;
	v3 =	vld.idx.msk [tilespmem:v18+s28+$0x0], $0xffff;
	v7 =	vadd.s32 s31, v0;
	v2 =	vmax.f32 v2, $0.0e+00;
	[tilespmem:s29+$0xE830] =	vst v4  }
0x18d: {  	v4 =	vld.idx.msk [tilespmem:v20+s28+$0x0], $0xffff;
	[tilespmem:s29+$0xE810] =	vst v2;
	v63 =	vmax.f32 v10, $0.0e+00;
	v10 =	vadd.f32 v19, v12  }
0x18e: {  	s23 =	simm.s32 $0x8;
	v2 =	vld.idx.msk [tilespmem:v16+s28+$0x0], $0xffff;
	v11 =	vmax.f32 v11, $0.0e+00;
	[tilespmem:s29+$0xE840] =	vst v63  }
.LBB2_10:
0x18f: {  	s23 =	sadd.s32 $0x8, s23;
	v12 =	vld.idx.msk [tilespmem:v8+s28+$0x0], $0xffff;
	[tilespmem:s29+$0xE850] =	vst v11;
	v8 =	vmax.f32 v10, $0.0e+00  }
0x190: {  	s1 =	sshrl.u32 s23, $0x7;
	p0 =	slt.u32 s23, $0x1F8;
	v10 =	vld.idx.msk [tilespmem:v6+s28+$0x0], $0xffff;
	v5 =	vadd.f32 v9, v5;
	[tilespmem:s29+$0xE860] =	vst v8;
	s29 =	smov.u32 s0  }
0x191: {  	s30 =	sadd.s32 $0x1, s30;
	s0 =	smul.u32 $0x880, s1;
	v11 =	vld.idx.msk [tilespmem:v7+s28+$0x0], $0xffff  }
0x192: {  	s8 =	sand.u32 $0xF, s30;
	v9 =	vld [tilespmem:s29+$0xA800];
	v5 =	vmax.f32 v5, $0.0e+00  }
0x193: {  	s0 =	sor.u32 s8, s0;
	v13 =	vld [tilespmem:s29+$0xA810];
	[tilespmem:s29+$0xE870] =	vst v5  }
0x194: {  	v5 =	vadd.s32 s0, v0;
	s12 =	sadd.s32 $0x110, s0;
	s13 =	sadd.s32 $0x220, s0;
	s20 =	sadd.s32 $0x770, s0;
	v14 =	vld [tilespmem:s29+$0xA820]  }
0x195: {  	s21 =	sadd.s32 $0x550, s0;
	v15 =	vadd.s32 s12, v0;
	v16 =	vadd.s32 s13, v0;
	s12 =	sadd.s32 $0x330, s0;
	s13 =	sadd.s32 $0x440, s0;
	v17 =	vadd.s32 s20, v0;
	v18 =	vld [tilespmem:s29+$0xA830]  }
0x196: {  	v6 =	vadd.s32 s21, v0;
	s0 =	sadd.s32 $0x660, s0;
	v19 =	vadd.s32 s12, v0;
	v8 =	vadd.s32 s13, v0;
	v20 =	vld [tilespmem:s29+$0xA840]  }
0x197: {  	v7 =	vadd.s32 s0, v0;
	v9 =	vadd.f32 v9, v1;
	v21 =	vld [tilespmem:s29+$0xA850]  }
0x198: {  	v2 =	vadd.f32 v13, v2;
	v13 =	vld [tilespmem:s29+$0xA860]  }
0x199: {  	s0 =	sshll.u32 s1, $0xB;
	s1 =	sshll.u32 s8, $0x7;
	v1 =	vld.idx.msk [tilespmem:v5+s28+$0x0], $0xffff;
	v9 =	vmax.f32 v9, $0.0e+00;
	v3 =	vadd.f32 v14, v3  }
.Ltmp8:
0x19a: {  	s0 =	sor.u32 s0, s1;
	v5 =	vld.idx.msk [tilespmem:v17+s28+$0x0], $0xffff;
	[tilespmem:s29+$0xE800] =	vst v9;
	v2 =	vmax.f32 v2, $0.0e+00;
	v4 =	vadd.f32 v18, v4;
	(pc) =	sbr.rel @p0 .LBB2_10-.Ltmp8, $4  }
0x19b: {  	v9 =	vld [tilespmem:s0+$0xA870];
	[tilespmem:s29+$0xE810] =	vst v2;
	v3 =	vmax.f32 v3, $0.0e+00;
	v12 =	vadd.f32 v20, v12  }
0x19c: {  	v2 =	vld.idx.msk [tilespmem:v15+s28+$0x0], $0xffff;
	[tilespmem:s29+$0xE820] =	vst v3;
	v4 =	vmax.f32 v4, $0.0e+00;
	v14 =	vadd.f32 v21, v10  }
0x19d: {  	v3 =	vld.idx.msk [tilespmem:v16+s28+$0x0], $0xffff;
	[tilespmem:s29+$0xE830] =	vst v4;
	v12 =	vmax.f32 v12, $0.0e+00;
	v10 =	vadd.f32 v13, v11  }
0x19e: {  	v4 =	vld.idx.msk [tilespmem:v19+s28+$0x0], $0xffff;
	[tilespmem:s29+$0xE840] =	vst v12;
	v11 =	vmax.f32 v14, $0.0e+00  }
0x19f: {  	_ =	sdelay $0x3  }
0x1a0: {  	v8 =	vld.idx.msk [tilespmem:v8+s28+$0x0], $0xffff  }
0x1a1: {  	v6 =	vld.idx.msk [tilespmem:v6+s28+$0x0], $0xffff  }
0x1a2: {  	v7 =	vld.idx.msk [tilespmem:v7+s28+$0x0], $0xffff  }
0x1a3: {  	v12 =	vld [tilespmem:s0+$0xA800]  }
0x1a4: {  	v13 =	vld [tilespmem:s0+$0xA810]  }
0x1a5: {  	v14 =	vld [tilespmem:s0+$0xA820]  }
0x1a6: {  	v15 =	vld [tilespmem:s0+$0xA830]  }
0x1a7: {  	v61 =	vld [tilespmem:s0+$0xA840];
	v5 =	vadd.f32 v9, v5  }
0x1a8: {  	[tilespmem:s29+$0xE850] =	vst v11;
	v10 =	vmax.f32 v10, $0.0e+00;
	v62 =	vld [tilespmem:s0+$0xA850];
	v1 =	vadd.f32 v12, v1  }
0x1a9: {  	v63 =	vld [tilespmem:s0+$0xA860];
	[tilespmem:s29+$0xE860] =	vst v10;
	v5 =	vmax.f32 v5, $0.0e+00;
	v2 =	vadd.f32 v13, v2  }
0x1aa: {  	[tilespmem:s0+$0xE870] =	vst v5;
	v3 =	vadd.f32 v14, v3;
	v1 =	vmax.f32 v1, $0.0e+00  }
0x1ab: {  	[tilespmem:s0+$0xE800] =	vst v1;
	v1 =	vmax.f32 v2, $0.0e+00;
	v2 =	vadd.f32 v15, v4  }
0x1ac: {  	[tilespmem:s0+$0xE810] =	vst v1;
	v1 =	vmax.f32 v3, $0.0e+00;
	v3 =	vadd.f32 v61, v8  }
0x1ad: {  	[tilespmem:s0+$0xE820] =	vst v1;
	v1 =	vmax.f32 v2, $0.0e+00;
	v2 =	vadd.f32 v62, v6  }
0x1ae: {  	[tilespmem:s0+$0xE830] =	vst v1;
	v1 =	vmax.f32 v3, $0.0e+00;
	v3 =	vadd.f32 v63, v7  }
0x1af: {  	[tilespmem:s0+$0xE840] =	vst v1;
	v1 =	vmax.f32 v2, $0.0e+00  }
0x1b0: {  	s1 =	sshll.u32 s18, $0x9;
	s23 =	rddreg [dreg:$0x1];
	[tilespmem:s0+$0xE850] =	vst v1;
	v1 =	vmax.f32 v3, $0.0e+00  }
0x1b1: {  	s8 =	simm.s32 $0xE800;
	[tilespmem:s0+$0xE860] =	vst v1;
	s0 =	sadd.s32 s23, s1  }
0x1b2: {  	[hbm4b:s0+s2] =	stream.linear.scatter [tilespmem:s8], [sflag:$0x8], $0x400, $0x38;
	[tilespmem:$0x12A00] =	vst v63  }
0x1b3: {  	s12 =	simm.s32 $0xF000;
	s29 =	sadd.s32 $0x80, s0  }
0x1b4: {  	[hbm4b:s29+s2] =	stream.linear.scatter [tilespmem:s12], [sflag:$0x8], $0x400, $0x38;
	[tilespmem:$0x12A00] =	vst v63  }
0x1b5: {  	s31 =	simm.s32 $0xF800;
	s30 =	sadd.s32 $0x100, s0  }
0x1b6: {  	[hbm4b:s30+s2] =	stream.linear.scatter [tilespmem:s31], [sflag:$0x8], $0x400, $0x38;
	[tilespmem:$0x12A00] =	vst v63  }
0x1b7: {  	s0 =	sadd.s32 $0x180, s0;
	s12 =	simm.s32 $0x10000  }
0x1b8: {  	[hbm4b:s0+s2] =	stream.linear.scatter [tilespmem:s12], [sflag:$0x8], $0x400, $0x38;
	[tilespmem:$0x12A00] =	vst v63  }
0x1b9: {  	_ =	swait.ge [sflag:s3], $0x1000  }
0x1ba: {  	[sflag:s3] =	ssyncset.done $0x0;
	s13 =	rddreg [dreg:$0x8]  }
0x1bb: {  	s18 =	simm.s32 $0xEC00;
	[sflag:s3] =	ssyncadd.s32 $0xFFFFF000;
	s0 =	sadd.s32 s1, s13  }
0x1bc: {  	[hbm4b:s0+s2] =	stream.linear.scatter [tilespmem:s18], [sflag:$0x7], $0x400, $0x38;
	[tilespmem:$0x12A00] =	vst v63  }
0x1bd: {  	s21 =	simm.s32 $0xF400;
	s20 =	sadd.s32 $0x80, s0  }
0x1be: {  	[hbm4b:s20+s2] =	stream.linear.scatter [tilespmem:s21], [sflag:$0x7], $0x400, $0x38;
	[tilespmem:$0x12A00] =	vst v63  }
0x1bf: {  	s29 =	simm.s32 $0xFC00;
	s30 =	simm.s32 $0x10400;
	s23 =	sadd.s32 $0x100, s0  }
0x1c0: {  	[hbm4b:s23+s2] =	stream.linear.scatter [tilespmem:s29], [sflag:$0x7], $0x400, $0x38;
	[tilespmem:$0x12A00] =	vst v63  }
.Ltmp9:
0x1c1: {  	s31 =	simm.s32 $0x7;
	s0 =	sadd.s32 $0x180, s0;
	(pc) =	sbr.rel .LBB2_12-.Ltmp9, $4  }
0x1c2: {  	[hbm4b:s0+s2] =	stream.linear.scatter [tilespmem:s30], [sflag:$0x7], $0x400, $0x38;
	[tilespmem:$0x12A00] =	vst v63  }
0x1c3: {  	_ =	swait.ge [sflag:s31], $0x1000  }
0x1c4: {  	[sflag:s31] =	ssyncset.done $0x0  }
0x1c5: {  	[sflag:s31] =	ssyncadd.s32 $0xFFFFF000  }
.LBB2_14:
0x1c6: {  	_ =	sfence.sel $0x180000  }
0x1c7: {  	[bflag:$0x0] =	sbarrier.arrive $0xFFFF  }
0x1c8: {  	_ =	strace $0x90000047  }
0x1c9: {  	s0 =	stileid.u32;
	[bflag:$0x2] =	sbarrier.arrive $0xFFFF  }
0x1ca: {  	p0 =	sne.s32 s0, $0x0;
	s0 =	rddreg [dreg:$0x2]  }
0x1cb: {  	s0 =	sadd.s32 @!p0 $0x100000, s0  }
0x1cc: {  	[sflag:s0] =	ssyncadd.tile.s32 @!p0 $0x1;
	_ =	shalt  }
.Lfunc_end2:
_tile_overlayer_lowered:
.L_overlay_start_2:
0x1cd: {  	(tag) =	ssettag $0x2  }
0x1ce: {  	s0 =	rddreg [dreg:$0x0];
	s2 =	stileid.u32  }
0x1cf: {  	s1 =	rddreg [dreg:$0x1];
	p0 =	sne.s32 s2, $0x0  }
0x1d0: {  	s3 =	rddreg [dreg:$0x2];
	[bflag:$0x3] =	sbarrier.arrive $0xFFFF;
	s2 =	simm.s32 @!p0 $0x1C07  }
0x1d1: {  	[timem:s3], [sflag:s2] =	dma.local @!p0 [hbm:s0], s1  }
0x1d2: {  	s0 =	simm.s32 @!p0 $0x7  }
0x1d3: {  	_ =	swait.ge @!p0 [sflag:s0], s1  }
0x1d4: {  	s1 =	ssub.s32 @!p0 $0x0, s1;
	[sflag:s0] =	ssyncset.done @!p0 $0x0  }
0x1d5: {  	[sflag:s0] =	ssyncadd.s32 @!p0 s1  }
0x1d6: {  	[bflag:$0x3] =	sbarrier.arrive $0xFFFF  }
0x1d7: {  	_ =	shalt  }

</sc_bundles>
